<compile_context>
chip_gen: v7x
topology: tpu7x:2x2x1
jax: 0.10.2.dev20260603
libtpu: 0.0.44.dev20260713+nightly
codegen_flags: <defaults>
</compile_context>

<pallas_src>
import functools

import jax
import jax.numpy as jnp
from jax import lax
from jax.experimental import pallas as pl
from jax.experimental.pallas import tpu as pltpu
from jax.experimental.pallas import tpu_sc as plsc

_N, _E, _D, _DE, _H = 10000, 320000, 128, 16, 128
_NC, _NS = 2, 16
_NW = _NC * _NS
_EW = _E // _NW
_CH = 128
_NFULL = _EW // _CH
_TAIL = _EW - _NFULL * _CH
_BLK_E = 4000
_NB_E = _E // _BLK_E
_BLK_N = 1000
_NB_N = _N // _BLK_N
_BLK_P = 2000
_NB_P = _N // _BLK_P
_NPT = 632
_NP = _NPT * _NS


def _prep_nodes_body(x_ref, w_ref, a_ref, b_ref):
    xb = x_ref[...]
    w = w_ref[...]
    a_ref[...] = jnp.dot(xb, w[:_D, :], preferred_element_type=jnp.float32)
    b_ref[...] = jnp.dot(xb, w[_D:2 * _D, :], preferred_element_type=jnp.float32)


def _fuse_w_body(w2e_ref, wm_ref, b2e_ref, bm_ref, w2m_ref, bm2_ref):
    w2m_ref[...] = jnp.dot(w2e_ref[...], wm_ref[...], preferred_element_type=jnp.float32)
    bm2_ref[...] = (
        jnp.dot(b2e_ref[...], wm_ref[...], preferred_element_type=jnp.float32)
        + bm_ref[...]
    )


def _edge_h(ag_ref, bg_ref, ea_ref, w_ref, b1e_ref):
    cb = (
        jnp.dot(ea_ref[...], w_ref[2 * _D:, :], preferred_element_type=jnp.float32)
        + b1e_ref[...]
    )
    return ag_ref[...] + bg_ref[...] + cb


def _edge_stats_body(ag_ref, bg_ref, ea_ref, w_ref, b1e_ref, h_ref, acc_ref):
    i = pl.program_id(0)
    h = _edge_h(ag_ref, bg_ref, ea_ref, w_ref, b1e_ref)
    h_ref[...] = h.astype(jnp.bfloat16)

    @pl.when(i == 0)
    def _():
        acc_ref[...] = jnp.zeros_like(acc_ref)

    acc_ref[0, :] += jnp.sum(h, axis=0)
    acc_ref[1, :] += jnp.sum(h * h, axis=0)


def _edge_apply_body(h_ref, acc_ref, w2m_ref, bm2_ref, g_ref, bb_ref, msg_ref):
    h = h_ref[...].astype(jnp.float32)
    mean = acc_ref[0, :] * (1.0 / _E)
    var = acc_ref[1, :] * (1.0 / _E) - mean * mean
    s = g_ref[0, :] * lax.rsqrt(var + 1e-5)
    t = bb_ref[0, :] - mean * s
    hn = jnp.maximum(h * s[None, :] + t[None, :], 0.0)
    m = jnp.dot(hn, w2m_ref[...], preferred_element_type=jnp.float32) + bm2_ref[...]
    msg_ref[...] = jnp.maximum(m, 0.0)


def _h2(x_ref, a0_ref, a1_ref, w1n_ref, b1n_ref):
    agg = a0_ref[0] + a1_ref[0]
    w1n = w1n_ref[...]
    return (
        jnp.dot(x_ref[...], w1n[:_D, :], preferred_element_type=jnp.float32)
        + jnp.dot(agg, w1n[_D:, :], preferred_element_type=jnp.float32)
        + b1n_ref[...]
    )


def _node_stats_body(x_ref, a0_ref, a1_ref, w1n_ref, b1n_ref, acc_ref):
    i = pl.program_id(0)
    h2 = _h2(x_ref, a0_ref, a1_ref, w1n_ref, b1n_ref)

    @pl.when(i == 0)
    def _():
        acc_ref[...] = jnp.zeros_like(acc_ref)

    acc_ref[0, :] += jnp.sum(h2, axis=0)
    acc_ref[1, :] += jnp.sum(h2 * h2, axis=0)


def _node_apply_body(x_ref, a0_ref, a1_ref, w1n_ref, b1n_ref, acc_ref,
                     g_ref, bb_ref, w2n_ref, b2n_ref, o_ref):
    h2 = _h2(x_ref, a0_ref, a1_ref, w1n_ref, b1n_ref)
    mean = acc_ref[0, :] * (1.0 / _N)
    var = acc_ref[1, :] * (1.0 / _N) - mean * mean
    s = g_ref[0, :] * lax.rsqrt(var + 1e-5)
    t = bb_ref[0, :] - mean * s
    hn = jnp.maximum(h2 * s[None, :] + t[None, :], 0.0)
    o_ref[...] = (
        jnp.dot(hn, w2n_ref[...], preferred_element_type=jnp.float32)
        + b2n_ref[...]
    )


_GK = 200
_GNC = _EW // _GK
_GSUB = ((0, 128), (128, 72))
_SNC = _EW // _CH
_ZR = 64


def _sc_gather(a_t, b_t, row, col):
    mesh = plsc.VectorSubcoreMesh(core_axis_name="c", subcore_axis_name="s")

    @functools.partial(
        pl.kernel,
        out_type=(
            jax.ShapeDtypeStruct((_E, _D), jnp.float32),
            jax.ShapeDtypeStruct((_E, _D), jnp.float32),
        ),
        mesh=mesh,
        scratch_types=[
            pltpu.VMEM((_GK,), jnp.int32),
            pltpu.VMEM((_GK,), jnp.int32),
            pltpu.VMEM((_GK,), jnp.int32),
            pltpu.VMEM((_GK,), jnp.int32),
            pltpu.VMEM((_GK, _D), jnp.float32),
            pltpu.VMEM((_GK, _D), jnp.float32),
            pltpu.VMEM((_GK, _D), jnp.float32),
            pltpu.VMEM((_GK, _D), jnp.float32),
            pltpu.SemaphoreType.DMA,
            pltpu.SemaphoreType.DMA,
            pltpu.SemaphoreType.DMA,
            pltpu.SemaphoreType.DMA,
            pltpu.SemaphoreType.DMA,
        ],
    )
    def k(a_h, b_h, row_h, col_h, ag_h, bg_h,
          idxr0, idxc0, idxr1, idxc1, bufa0, bufb0, bufa1, bufb1,
          semi, semg0, semg1, semw0, semw1):
        wid = lax.axis_index("s") * _NC + lax.axis_index("c")
        base = wid * _EW
        sets = ((idxr0, idxc0, bufa0, bufb0, semg0, semw0),
                (idxr1, idxc1, bufa1, bufb1, semg1, semw1))

        for b in (0, 1):
            _, _, bufa_, bufb_, _, semw_ = sets[b]
            poff = base + b * _GK
            pltpu.async_copy(bufa_, ag_h.at[pl.ds(poff, _GK)], semw_)
            pltpu.async_copy(bufb_, bg_h.at[pl.ds(poff, _GK)], semw_)

        def body(t, carry):
            for b in (0, 1):
                idxr_, idxc_, bufa_, bufb_, semg_, semw_ = sets[b]
                off = base + (2 * t + b) * _GK
                pltpu.make_async_copy(bufa_, ag_h.at[pl.ds(off, _GK)], semw_).wait()
                pltpu.make_async_copy(bufb_, bg_h.at[pl.ds(off, _GK)], semw_).wait()
                ci1 = pltpu.async_copy(row_h.at[pl.ds(off, _GK)], idxr_, semi)
                ci2 = pltpu.async_copy(col_h.at[pl.ds(off, _GK)], idxc_, semi)
                ci1.wait()
                ci2.wait()
                cps = []
                for o, sz in _GSUB:
                    cps.append(pltpu.async_copy(
                        a_h.at[idxr_.at[pl.ds(o, sz)]], bufa_.at[pl.ds(o, sz)],
                        semg_))
                    cps.append(pltpu.async_copy(
                        b_h.at[idxc_.at[pl.ds(o, sz)]], bufb_.at[pl.ds(o, sz)],
                        semg_))
                for cp in cps:
                    cp.wait()
                pltpu.async_copy(bufa_, ag_h.at[pl.ds(off, _GK)], semw_)
                pltpu.async_copy(bufb_, bg_h.at[pl.ds(off, _GK)], semw_)
            return carry

        lax.fori_loop(0, _GNC // 2, body, 0)
        for b in (0, 1):
            _, _, bufa_, bufb_, _, semw_ = sets[b]
            poff = base + b * _GK
            pltpu.make_async_copy(bufa_, ag_h.at[pl.ds(poff, _GK)], semw_).wait()
            pltpu.make_async_copy(bufb_, bg_h.at[pl.ds(poff, _GK)], semw_).wait()

    return k(a_t, b_t, row, col)


def _sc_scatter(msg, row):
    mesh = plsc.VectorSubcoreMesh(core_axis_name="c", subcore_axis_name="s")

    @functools.partial(
        pl.kernel,
        out_type=jax.ShapeDtypeStruct((_NC, _NP, _H), jnp.float32),
        mesh=mesh,
        scratch_types=[
            pltpu.VMEM((_CH, _H), jnp.float32),
            pltpu.VMEM((_CH, _H), jnp.float32),
            pltpu.VMEM((1, _CH), jnp.int32),
            pltpu.VMEM((1, _CH), jnp.int32),
            pltpu.VMEM((_TAIL, _H), jnp.float32),
            pltpu.VMEM((1, _TAIL), jnp.int32),
            pltpu.VMEM((_ZR, _H), jnp.float32),
            pltpu.VMEM_SHARED((_NP, _H), jnp.float32),
            pltpu.SemaphoreType.DMA,
            pltpu.SemaphoreType.DMA,
            pltpu.SemaphoreType.DMA,
            pltpu.SemaphoreType.DMA,
        ],
    )
    def k(msg_h, row_h, agg_h, mbuf0, mbuf1, ibuf0, ibuf1, mbuf2, ibuf2,
          zbuf, agg_sh, semm0, semm1, semi0, semi1):
        c = lax.axis_index("c")
        s = lax.axis_index("s")
        wid = s * _NC + c

        def zb(i, carry):
            r = i // 8
            g = i % 8
            zbuf[r, pl.ds(g * 16, 16)] = jnp.zeros((16,), jnp.float32)
            return carry

        lax.fori_loop(0, _ZR * 8, zb, 0)

        rows0 = s * _NPT
        spans = tuple((i * _ZR, _ZR) for i in range(_NPT // _ZR)) + (
            ((_NPT // _ZR) * _ZR, _NPT % _ZR),)
        for roff, sz in spans:
            pltpu.sync_copy(zbuf.at[pl.ds(0, sz)], agg_sh.at[pl.ds(rows0 + roff, sz)])
        plsc.subcore_barrier()

        base = wid * _EW
        sets = ((ibuf0, mbuf0, semi0, semm0), (ibuf1, mbuf1, semi1, semm1))

        pltpu.async_copy(row_h.at[pl.ds(base, _CH)], ibuf0.at[0], semi0)
        pltpu.async_copy(msg_h.at[pl.ds(base, _CH)], mbuf0, semm0)

        def body(t, carry):
            for b in (0, 1):
                ibuf_, mbuf_, semi_, semm_ = sets[b]
                nibuf, nmbuf, nsemi, nsemm = sets[1 - b]
                j = 2 * t + b
                off = base + j * _CH
                pltpu.make_async_copy(
                    row_h.at[pl.ds(off, _CH)], ibuf_.at[0], semi_).wait()
                pltpu.make_async_copy(
                    msg_h.at[pl.ds(off, _CH)], mbuf_, semm_).wait()
                noff = base + jnp.minimum(j + 1, _SNC - 1) * _CH
                pltpu.async_copy(row_h.at[pl.ds(noff, _CH)], nibuf.at[0], nsemi)
                pltpu.async_copy(msg_h.at[pl.ds(noff, _CH)], nmbuf, nsemm)
                pltpu.sync_copy(mbuf_, agg_sh.at[ibuf_.at[0]], add=True)
            return carry

        lax.fori_loop(0, _SNC // 2, body, 0)
        pltpu.make_async_copy(row_h.at[pl.ds(base, _CH)], ibuf0.at[0], semi0).wait()
        pltpu.make_async_copy(msg_h.at[pl.ds(base, _CH)], mbuf0, semm0).wait()
        off = base + _SNC * _CH
        pltpu.sync_copy(row_h.at[pl.ds(off, _TAIL)], ibuf2.at[0])
        pltpu.sync_copy(msg_h.at[pl.ds(off, _TAIL)], mbuf2)
        pltpu.sync_copy(mbuf2, agg_sh.at[ibuf2.at[0]], add=True)
        plsc.subcore_barrier()

        for roff, sz in spans:
            pltpu.sync_copy(agg_sh.at[pl.ds(rows0 + roff, sz)], zbuf.at[pl.ds(0, sz)])
            pltpu.sync_copy(zbuf.at[pl.ds(0, sz)],
                            agg_h.at[c, pl.ds(rows0 + roff, sz)])

    return k(msg, row)


def kernel(x, edge_index, edge_attr, W1e, b1e, ge, be, W2e, b2e, Wm, bm,
           W1n, b1n, gn, bn, W2n, b2n):
    row = edge_index[0]
    col = edge_index[1]
    b1e2 = b1e.reshape(1, _H)
    ge2 = ge.reshape(1, _H)
    be2 = be.reshape(1, _H)
    b2e2 = b2e.reshape(1, _H)
    bm2d = bm.reshape(1, _H)
    b1n2 = b1n.reshape(1, _H)
    gn2 = gn.reshape(1, _H)
    bn2 = bn.reshape(1, _H)
    b2n2 = b2n.reshape(1, _H)

    a_t, b_t = pl.pallas_call(
        _prep_nodes_body,
        grid=(_NB_P,),
        in_specs=[
            pl.BlockSpec((_BLK_P, _D), lambda i: (i, 0)),
            pl.BlockSpec((2 * _D + _DE, _H), lambda i: (0, 0)),
        ],
        out_specs=[
            pl.BlockSpec((_BLK_P, _H), lambda i: (i, 0)),
            pl.BlockSpec((_BLK_P, _H), lambda i: (i, 0)),
        ],
        out_shape=[
            jax.ShapeDtypeStruct((_N, _H), jnp.float32),
            jax.ShapeDtypeStruct((_N, _H), jnp.float32),
        ],
    )(x, W1e)

    w2m, bm2 = pl.pallas_call(
        _fuse_w_body,
        in_specs=[
            pl.BlockSpec((_H, _H), lambda: (0, 0)),
            pl.BlockSpec((_H, _H), lambda: (0, 0)),
            pl.BlockSpec((1, _H), lambda: (0, 0)),
            pl.BlockSpec((1, _H), lambda: (0, 0)),
        ],
        out_specs=[
            pl.BlockSpec((_H, _H), lambda: (0, 0)),
            pl.BlockSpec((1, _H), lambda: (0, 0)),
        ],
        out_shape=[
            jax.ShapeDtypeStruct((_H, _H), jnp.float32),
            jax.ShapeDtypeStruct((1, _H), jnp.float32),
        ],
    )(W2e, Wm, b2e2, bm2d)

    ag, bg = _sc_gather(a_t, b_t, row, col)

    eblk = lambda i: (i, 0)
    full = lambda i: (0, 0)
    especs = [
        pl.BlockSpec((_BLK_E, _H), eblk),
        pl.BlockSpec((_BLK_E, _H), eblk),
        pl.BlockSpec((_BLK_E, _DE), eblk),
        pl.BlockSpec((2 * _D + _DE, _H), full),
        pl.BlockSpec((1, _H), full),
    ]
    h_bf, acc_e = pl.pallas_call(
        _edge_stats_body,
        grid=(_NB_E,),
        in_specs=especs,
        out_specs=[
            pl.BlockSpec((_BLK_E, _H), eblk),
            pl.BlockSpec((8, _H), full),
        ],
        out_shape=[
            jax.ShapeDtypeStruct((_E, _H), jnp.bfloat16),
            jax.ShapeDtypeStruct((8, _H), jnp.float32),
        ],
    )(ag, bg, edge_attr, W1e, b1e2)

    msg = pl.pallas_call(
        _edge_apply_body,
        grid=(_NB_E,),
        in_specs=[
            pl.BlockSpec((_BLK_E, _H), eblk),
            pl.BlockSpec((8, _H), full),
            pl.BlockSpec((_H, _H), full),
            pl.BlockSpec((1, _H), full),
            pl.BlockSpec((1, _H), full),
            pl.BlockSpec((1, _H), full),
        ],
        out_specs=pl.BlockSpec((_BLK_E, _H), eblk),
        out_shape=jax.ShapeDtypeStruct((_E, _H), jnp.float32),
    )(h_bf, acc_e, w2m, bm2, ge2, be2)

    aggp = _sc_scatter(msg, row)

    nspecs = [
        pl.BlockSpec((_BLK_N, _D), eblk),
        pl.BlockSpec((1, _BLK_N, _H), lambda i: (0, i, 0)),
        pl.BlockSpec((1, _BLK_N, _H), lambda i: (1, i, 0)),
        pl.BlockSpec((_D + _H, _H), full),
        pl.BlockSpec((1, _H), full),
    ]
    acc_n = pl.pallas_call(
        _node_stats_body,
        grid=(_NB_N,),
        in_specs=nspecs,
        out_specs=pl.BlockSpec((8, _H), full),
        out_shape=jax.ShapeDtypeStruct((8, _H), jnp.float32),
    )(x, aggp, aggp, W1n, b1n2)

    out = pl.pallas_call(
        _node_apply_body,
        grid=(_NB_N,),
        in_specs=nspecs + [
            pl.BlockSpec((8, _H), full),
            pl.BlockSpec((1, _H), full),
            pl.BlockSpec((1, _H), full),
            pl.BlockSpec((_H, _H), full),
            pl.BlockSpec((1, _H), full),
        ],
        out_specs=pl.BlockSpec((_BLK_N, _H), eblk),
        out_shape=jax.ShapeDtypeStruct((_N, _H), jnp.float32),
    )(x, aggp, aggp, W1n, b1n2, acc_n, gn2, bn2, W2n, b2n2)

    return out

# --- scband reference (transcript-rebuilt; emitter-appended) ---
"""Pipeline reference for scband-molecular-graph-conv-25838523252951 (READ-ONLY COPY).

The authoritative reference and input builder live on the scoring server;
editing this copy changes nothing except your own understanding.
"""

import jax, jax.numpy as jnp
import numpy as np

N = 10000
E = 320000
D = 128
DE = 16
H = 128


def _lin_init(k, fan_in, fan_out):
    kw, kb = jax.random.split(k)
    lim = 1.0 / np.sqrt(fan_in)
    W = jax.random.uniform(kw, (fan_in, fan_out), jnp.float32, -lim, lim)
    b = jax.random.uniform(kb, (fan_out,), jnp.float32, -lim, lim)
    return W, b


def setup_inputs(seed: int = 0) -> dict:
    key = jax.random.key(seed)
    ks = jax.random.split(key, 10)
    inp = {}
    inp['x'] = jax.random.normal(ks[0], (N, D), jnp.float32)
    inp['edge_index'] = jax.random.randint(ks[1], (2, E), 0, N, dtype=jnp.int32)
    inp['edge_attr'] = jax.random.normal(ks[2], (E, DE), jnp.float32)
    inp['W1e'], inp['b1e'] = _lin_init(ks[3], 2 * D + DE, H)
    inp['ge'] = jnp.ones((H,), jnp.float32)
    inp['be'] = jnp.zeros((H,), jnp.float32)
    inp['W2e'], inp['b2e'] = _lin_init(ks[4], H, H)
    inp['Wm'], inp['bm'] = _lin_init(ks[5], H, H)
    inp['W1n'], inp['b1n'] = _lin_init(ks[6], D + H, H)
    inp['gn'] = jnp.ones((H,), jnp.float32)
    inp['bn'] = jnp.zeros((H,), jnp.float32)
    inp['W2n'], inp['b2n'] = _lin_init(ks[7], H, H)
    return inp


def _bn(h, g, b):
    m = jnp.mean(h, axis=0)
    v = jnp.var(h, axis=0)
    return (h - m) / jnp.sqrt(v + 1e-5) * g + b


def reference(x, edge_index, edge_attr, W1e, b1e, ge, be, W2e, b2e, Wm, bm, W1n, b1n, gn, bn, W2n, b2n):
    row = edge_index[0]
    col = edge_index[1]
    edge_input = jnp.concatenate([x[row], x[col], edge_attr], axis=-1)
    h = edge_input @ W1e + b1e
    h = jax.nn.relu(_bn(h, ge, be))
    edge_features = h @ W2e + b2e
    messages = jax.nn.relu(edge_features @ Wm + bm)
    agg = jnp.zeros((x.shape[0], H), x.dtype).at[row].add(messages)
    node_input = jnp.concatenate([x, agg], axis=-1)
    h2 = node_input @ W1n + b1n
    h2 = jax.nn.relu(_bn(h2, gn, bn))
    return h2 @ W2n + b2n

if __name__ == "__main__":
    import jax
    _d = setup_inputs()
    print(jax.jit(kernel)(*tuple(_d.values())))

</pallas_src>

<mosaic_0001>
#map = affine_map<(d0, d1) -> (0, 0)>
#map1 = affine_map<(d0, d1) -> (0)>
#map2 = affine_map<(d0, d1) -> (0, 0, 0)>
module attributes {stable_mosaic.version = 14 : i64} {
  func.func @k(%arg0: i32, %arg1: i32, %arg2: memref<320000x128xf32, #tpu.memory_space<hbm>>, %arg3: memref<320000xi32, #tpu.memory_space<hbm>>, %arg4: memref<2x10112x128xf32, #tpu.memory_space<hbm>>, %arg5: memref<128x128xf32, #tpu.memory_space<vmem>>, %arg6: memref<128x128xf32, #tpu.memory_space<vmem>>, %arg7: memref<1x128xi32, #tpu.memory_space<vmem>>, %arg8: memref<1x128xi32, #tpu.memory_space<vmem>>, %arg9: memref<16x128xf32, #tpu.memory_space<vmem>>, %arg10: memref<1x16xi32, #tpu.memory_space<vmem>>, %arg11: memref<64x128xf32, #tpu.memory_space<vmem>>, %arg12: memref<10112x128xf32, #tpu.memory_space<vmem_shared>>, %arg13: memref<!tpu.dma_semaphore, #tpu.memory_space<semaphore_mem>>, %arg14: memref<!tpu.dma_semaphore, #tpu.memory_space<semaphore_mem>>, %arg15: memref<!tpu.dma_semaphore, #tpu.memory_space<semaphore_mem>>, %arg16: memref<!tpu.dma_semaphore, #tpu.memory_space<semaphore_mem>>) attributes {dimension_semantics = [#tpu.dimension_semantics<core_parallel>, #tpu.dimension_semantics<subcore_parallel>], iteration_bounds = array<i64: 2, 16>, scalar_prefetch = 0 : i64, scratch_operands = 12 : i64, tpu.core_type = #tpu.core_type<sc_vector_subcore>, window_params = [{transform_indices = #map}, {transform_indices = #map1}, {transform_indices = #map2}]} {
    %mul3A = arith.constant 2 : i32
    %mul3A_0 = arith.muli %arg1, %mul3A : i32
    %add3A = arith.addi %mul3A_0, %arg0 : i32
    %scan3A = arith.constant 0 : i32
    %scan3A_1 = arith.constant 0 : i32
    %scan3A_2 = arith.constant 512 : i32
    %scan3A_3 = arith.addi %scan3A_1, %scan3A_2 : i32
    %scan3A_4 = arith.constant 1 : i32
    scf.for %scan3A_104 = %scan3A_1 to %scan3A_3 step %scan3A_4  : i32 {
      %jit3A = arith.constant 8 : i32
      %div3A = arith.divsi %scan3A_104, %jit3A : i32
      %sign3A = arith.constant 0 : i32
      %sign3A_105 = arith.cmpi sgt, %scan3A_104, %sign3A : i32
      %sign3A_106 = arith.extui %sign3A_105 : i1 to i32
      %sign3A_107 = arith.constant 0 : i32
      %sign3A_108 = arith.cmpi slt, %scan3A_104, %sign3A_107 : i32
      %sign3A_109 = arith.extui %sign3A_108 : i1 to i32
      %sign3A_110 = arith.subi %sign3A_106, %sign3A_109 : i32
      %sign3A_111 = arith.constant 0 : i32
      %sign3A_112 = arith.cmpi sgt, %jit3A, %sign3A_111 : i32
      %sign3A_113 = arith.extui %sign3A_112 : i1 to i32
      %sign3A_114 = arith.constant 0 : i32
      %sign3A_115 = arith.cmpi slt, %jit3A, %sign3A_114 : i32
      %sign3A_116 = arith.extui %sign3A_115 : i1 to i32
      %sign3A_117 = arith.subi %sign3A_113, %sign3A_116 : i32
      %ne3A = arith.cmpi ne, %sign3A_110, %sign3A_117 : i32
      %rem3A = arith.remsi %scan3A_104, %jit3A : i32
      %ne3A_118 = arith.constant 0 : i32
      %ne3A_119 = arith.cmpi ne, %rem3A, %ne3A_118 : i32
      %and3A = arith.andi %ne3A, %ne3A_119 : i1
      %sub3A = arith.constant 1 : i32
      %sub3A_120 = arith.subi %div3A, %sub3A : i32
      %select_n3A = arith.select %and3A, %sub3A_120, %div3A : i32
      %jit3A_121 = arith.constant 8 : i32
      %eq3A = arith.constant 0 : i32
      %eq3A_122 = arith.cmpi eq, %jit3A_121, %eq3A : i32
      %jit3A_123 = arith.constant 1 : i32
      %select_n3A_124 = arith.select %eq3A_122, %jit3A_123, %jit3A_121 : i32
      %rem3A_125 = arith.remsi %scan3A_104, %select_n3A_124 : i32
      %ne3A_126 = arith.constant 0 : i32
      %ne3A_127 = arith.cmpi ne, %rem3A_125, %ne3A_126 : i32
      %lt3A = arith.constant 0 : i32
      %lt3A_128 = arith.cmpi slt, %rem3A_125, %lt3A : i32
      %lt3A_129 = arith.constant 0 : i32
      %lt3A_130 = arith.cmpi slt, %select_n3A_124, %lt3A_129 : i32
      %ne3A_131 = arith.xori %lt3A_128, %lt3A_130 : i1
      %and3A_132 = arith.andi %ne3A_131, %ne3A_127 : i1
      %add3A_133 = arith.addi %rem3A_125, %select_n3A_124 : i32
      %select_n3A_134 = arith.select %and3A_132, %add3A_133, %rem3A_125 : i32
      %broadcast_in_dim3A = arith.constant 0.000000e+00 : f32
      %broadcast_in_dim3A_135 = vector.broadcast %broadcast_in_dim3A : f32 to vector<16xf32>
      %mul3A_136 = arith.constant 16 : i32
      %mul3A_137 = arith.muli %select_n3A_134, %mul3A_136 : i32
      %swap3A = arith.index_cast %select_n3A : i32 to index
      %swap3A_138 = arith.index_cast %mul3A_137 : i32 to index
      %swap3A_139 = tpu.vector_load %arg11[%swap3A, %swap3A_138] {strides = array<i32>} : memref<64x128xf32, #tpu.memory_space<vmem>>, vector<1x16xf32>,
      %swap3A_140 = vector.shape_cast %swap3A_139 : vector<1x16xf32> to vector<16xf32>
      %swap3A_141 = vector.shape_cast %broadcast_in_dim3A_135 : vector<16xf32> to vector<1x16xf32>
      tpu.vector_store %arg11[%swap3A, %swap3A_138], %swap3A_141 {strides = array<i32>} : memref<64x128xf32, #tpu.memory_space<vmem>>, vector<1x16xf32>,
    }
    %scan3A_5 = arith.constant 512 : i32
    %mul3A_6 = arith.constant 632 : i32
    %mul3A_7 = arith.muli %arg1, %mul3A_6 : i32
    %add3A_8 = arith.constant 0 : i32
    %add3A_9 = arith.addi %mul3A_7, %add3A_8 : i32
    "tpu.region"() ({
      %run_scoped3A_104 = tpu.sem_alloc : memref<!tpu.dma_semaphore, #tpu.memory_space<semaphore_mem>>
      %dma_start3A_105 = arith.constant 0 : i32
      %dma_start3A_106 = arith.constant 0 : i32
      %dma_start3A_107 = tpu.memref_slice %arg11[%dma_start3A_105, %dma_start3A_106] : memref<64x128xf32, #tpu.memory_space<vmem>> -> memref<64x128xf32, #tpu.memory_space<vmem>>
      %dma_start3A_108 = arith.constant 0 : i32
      %dma_start3A_109 = tpu.memref_slice %arg12[%add3A_9, %dma_start3A_108] : memref<10112x128xf32, #tpu.memory_space<vmem_shared>> -> memref<64x128xf32, #tpu.memory_space<vmem_shared>>
      %dma_start3A_110 = arith.constant 0 : i32
      %dma_start3A_111 = tpu.memref_slice %arg12[%add3A_9, %dma_start3A_110] : memref<10112x128xf32, #tpu.memory_space<vmem_shared>> -> memref<64x128xf32, #tpu.memory_space<vmem_shared>>
      %dma_start3A_112 = arith.constant 0 : i32
      %dma_start3A_113 = arith.constant 0 : i32
      %dma_start3A_114 = tpu.memref_slice %arg11[%dma_start3A_112, %dma_start3A_113] : memref<64x128xf32, #tpu.memory_space<vmem>> -> memref<64x128xf32, #tpu.memory_space<vmem>>
      tpu.enqueue_dma source(%dma_start3A_114 : memref<64x128xf32, #tpu.memory_space<vmem>>) target(%dma_start3A_111 : memref<64x128xf32, #tpu.memory_space<vmem_shared>>) target_semaphore(%run_scoped3A_104 : memref<!tpu.dma_semaphore, #tpu.memory_space<semaphore_mem>>)
      %dma_wait3A_115 = arith.constant 0 : i32
      %dma_wait3A_116 = arith.constant 0 : i32
      %dma_wait3A_117 = tpu.memref_slice %arg11[%dma_wait3A_115, %dma_wait3A_116] : memref<64x128xf32, #tpu.memory_space<vmem>> -> memref<64x128xf32, #tpu.memory_space<vmem>>
      %dma_wait3A_118 = arith.constant 0 : i32
      %dma_wait3A_119 = tpu.memref_slice %arg12[%add3A_9, %dma_wait3A_118] : memref<10112x128xf32, #tpu.memory_space<vmem_shared>> -> memref<64x128xf32, #tpu.memory_space<vmem_shared>>
      %dma_wait3A_120 = arith.constant 0 : i32
      %dma_wait3A_121 = tpu.memref_slice %arg12[%add3A_9, %dma_wait3A_120] : memref<10112x128xf32, #tpu.memory_space<vmem_shared>> -> memref<64x128xf32, #tpu.memory_space<vmem_shared>>
      %dma_wait3A_122 = arith.constant 0 : i32
      %dma_wait3A_123 = arith.constant 0 : i32
      %dma_wait3A_124 = tpu.memref_slice %arg11[%dma_wait3A_122, %dma_wait3A_123] : memref<64x128xf32, #tpu.memory_space<vmem>> -> memref<64x128xf32, #tpu.memory_space<vmem>>
      tpu.wait_dma2 semaphore(%run_scoped3A_104 : memref<!tpu.dma_semaphore, #tpu.memory_space<semaphore_mem>>) src(%dma_wait3A_124 : memref<64x128xf32, #tpu.memory_space<vmem>>) dst(%dma_wait3A_121 : memref<64x128xf32, #tpu.memory_space<vmem_shared>>)
      tpu.yield
    }) : () -> ()
    %add3A_10 = arith.constant 64 : i32
    %add3A_11 = arith.addi %mul3A_7, %add3A_10 : i32
    "tpu.region"() ({
      %run_scoped3A_104 = tpu.sem_alloc : memref<!tpu.dma_semaphore, #tpu.memory_space<semaphore_mem>>
      %dma_start3A_105 = arith.constant 0 : i32
      %dma_start3A_106 = arith.constant 0 : i32
      %dma_start3A_107 = tpu.memref_slice %arg11[%dma_start3A_105, %dma_start3A_106] : memref<64x128xf32, #tpu.memory_space<vmem>> -> memref<64x128xf32, #tpu.memory_space<vmem>>
      %dma_start3A_108 = arith.constant 0 : i32
      %dma_start3A_109 = tpu.memref_slice %arg12[%add3A_11, %dma_start3A_108] : memref<10112x128xf32, #tpu.memory_space<vmem_shared>> -> memref<64x128xf32, #tpu.memory_space<vmem_shared>>
      %dma_start3A_110 = arith.constant 0 : i32
      %dma_start3A_111 = tpu.memref_slice %arg12[%add3A_11, %dma_start3A_110] : memref<10112x128xf32, #tpu.memory_space<vmem_shared>> -> memref<64x128xf32, #tpu.memory_space<vmem_shared>>
      %dma_start3A_112 = arith.constant 0 : i32
      %dma_start3A_113 = arith.constant 0 : i32
      %dma_start3A_114 = tpu.memref_slice %arg11[%dma_start3A_112, %dma_start3A_113] : memref<64x128xf32, #tpu.memory_space<vmem>> -> memref<64x128xf32, #tpu.memory_space<vmem>>
      tpu.enqueue_dma source(%dma_start3A_114 : memref<64x128xf32, #tpu.memory_space<vmem>>) target(%dma_start3A_111 : memref<64x128xf32, #tpu.memory_space<vmem_shared>>) target_semaphore(%run_scoped3A_104 : memref<!tpu.dma_semaphore, #tpu.memory_space<semaphore_mem>>)
      %dma_wait3A_115 = arith.constant 0 : i32
      %dma_wait3A_116 = arith.constant 0 : i32
      %dma_wait3A_117 = tpu.memref_slice %arg11[%dma_wait3A_115, %dma_wait3A_116] : memref<64x128xf32, #tpu.memory_space<vmem>> -> memref<64x128xf32, #tpu.memory_space<vmem>>
      %dma_wait3A_118 = arith.constant 0 : i32
      %dma_wait3A_119 = tpu.memref_slice %arg12[%add3A_11, %dma_wait3A_118] : memref<10112x128xf32, #tpu.memory_space<vmem_shared>> -> memref<64x128xf32, #tpu.memory_space<vmem_shared>>
      %dma_wait3A_120 = arith.constant 0 : i32
      %dma_wait3A_121 = tpu.memref_slice %arg12[%add3A_11, %dma_wait3A_120] : memref<10112x128xf32, #tpu.memory_space<vmem_shared>> -> memref<64x128xf32, #tpu.memory_space<vmem_shared>>
      %dma_wait3A_122 = arith.constant 0 : i32
      %dma_wait3A_123 = arith.constant 0 : i32
      %dma_wait3A_124 = tpu.memref_slice %arg11[%dma_wait3A_122, %dma_wait3A_123] : memref<64x128xf32, #tpu.memory_space<vmem>> -> memref<64x128xf32, #tpu.memory_space<vmem>>
      tpu.wait_dma2 semaphore(%run_scoped3A_104 : memref<!tpu.dma_semaphore, #tpu.memory_space<semaphore_mem>>) src(%dma_wait3A_124 : memref<64x128xf32, #tpu.memory_space<vmem>>) dst(%dma_wait3A_121 : memref<64x128xf32, #tpu.memory_space<vmem_shared>>)
      tpu.yield
    }) : () -> ()
    %add3A_12 = arith.constant 128 : i32
    %add3A_13 = arith.addi %mul3A_7, %add3A_12 : i32
    "tpu.region"() ({
      %run_scoped3A_104 = tpu.sem_alloc : memref<!tpu.dma_semaphore, #tpu.memory_space<semaphore_mem>>
      %dma_start3A_105 = arith.constant 0 : i32
      %dma_start3A_106 = arith.constant 0 : i32
      %dma_start3A_107 = tpu.memref_slice %arg11[%dma_start3A_105, %dma_start3A_106] : memref<64x128xf32, #tpu.memory_space<vmem>> -> memref<64x128xf32, #tpu.memory_space<vmem>>
      %dma_start3A_108 = arith.constant 0 : i32
      %dma_start3A_109 = tpu.memref_slice %arg12[%add3A_13, %dma_start3A_108] : memref<10112x128xf32, #tpu.memory_space<vmem_shared>> -> memref<64x128xf32, #tpu.memory_space<vmem_shared>>
      %dma_start3A_110 = arith.constant 0 : i32
      %dma_start3A_111 = tpu.memref_slice %arg12[%add3A_13, %dma_start3A_110] : memref<10112x128xf32, #tpu.memory_space<vmem_shared>> -> memref<64x128xf32, #tpu.memory_space<vmem_shared>>
      %dma_start3A_112 = arith.constant 0 : i32
      %dma_start3A_113 = arith.constant 0 : i32
      %dma_start3A_114 = tpu.memref_slice %arg11[%dma_start3A_112, %dma_start3A_113] : memref<64x128xf32, #tpu.memory_space<vmem>> -> memref<64x128xf32, #tpu.memory_space<vmem>>
      tpu.enqueue_dma source(%dma_start3A_114 : memref<64x128xf32, #tpu.memory_space<vmem>>) target(%dma_start3A_111 : memref<64x128xf32, #tpu.memory_space<vmem_shared>>) target_semaphore(%run_scoped3A_104 : memref<!tpu.dma_semaphore, #tpu.memory_space<semaphore_mem>>)
      %dma_wait3A_115 = arith.constant 0 : i32
      %dma_wait3A_116 = arith.constant 0 : i32
      %dma_wait3A_117 = tpu.memref_slice %arg11[%dma_wait3A_115, %dma_wait3A_116] : memref<64x128xf32, #tpu.memory_space<vmem>> -> memref<64x128xf32, #tpu.memory_space<vmem>>
      %dma_wait3A_118 = arith.constant 0 : i32
      %dma_wait3A_119 = tpu.memref_slice %arg12[%add3A_13, %dma_wait3A_118] : memref<10112x128xf32, #tpu.memory_space<vmem_shared>> -> memref<64x128xf32, #tpu.memory_space<vmem_shared>>
      %dma_wait3A_120 = arith.constant 0 : i32
      %dma_wait3A_121 = tpu.memref_slice %arg12[%add3A_13, %dma_wait3A_120] : memref<10112x128xf32, #tpu.memory_space<vmem_shared>> -> memref<64x128xf32, #tpu.memory_space<vmem_shared>>
      %dma_wait3A_122 = arith.constant 0 : i32
      %dma_wait3A_123 = arith.constant 0 : i32
      %dma_wait3A_124 = tpu.memref_slice %arg11[%dma_wait3A_122, %dma_wait3A_123] : memref<64x128xf32, #tpu.memory_space<vmem>> -> memref<64x128xf32, #tpu.memory_space<vmem>>
      tpu.wait_dma2 semaphore(%run_scoped3A_104 : memref<!tpu.dma_semaphore, #tpu.memory_space<semaphore_mem>>) src(%dma_wait3A_124 : memref<64x128xf32, #tpu.memory_space<vmem>>) dst(%dma_wait3A_121 : memref<64x128xf32, #tpu.memory_space<vmem_shared>>)
      tpu.yield
    }) : () -> ()
    %add3A_14 = arith.constant 192 : i32
    %add3A_15 = arith.addi %mul3A_7, %add3A_14 : i32
    "tpu.region"() ({
      %run_scoped3A_104 = tpu.sem_alloc : memref<!tpu.dma_semaphore, #tpu.memory_space<semaphore_mem>>
      %dma_start3A_105 = arith.constant 0 : i32
      %dma_start3A_106 = arith.constant 0 : i32
      %dma_start3A_107 = tpu.memref_slice %arg11[%dma_start3A_105, %dma_start3A_106] : memref<64x128xf32, #tpu.memory_space<vmem>> -> memref<64x128xf32, #tpu.memory_space<vmem>>
      %dma_start3A_108 = arith.constant 0 : i32
      %dma_start3A_109 = tpu.memref_slice %arg12[%add3A_15, %dma_start3A_108] : memref<10112x128xf32, #tpu.memory_space<vmem_shared>> -> memref<64x128xf32, #tpu.memory_space<vmem_shared>>
      %dma_start3A_110 = arith.constant 0 : i32
      %dma_start3A_111 = tpu.memref_slice %arg12[%add3A_15, %dma_start3A_110] : memref<10112x128xf32, #tpu.memory_space<vmem_shared>> -> memref<64x128xf32, #tpu.memory_space<vmem_shared>>
      %dma_start3A_112 = arith.constant 0 : i32
      %dma_start3A_113 = arith.constant 0 : i32
      %dma_start3A_114 = tpu.memref_slice %arg11[%dma_start3A_112, %dma_start3A_113] : memref<64x128xf32, #tpu.memory_space<vmem>> -> memref<64x128xf32, #tpu.memory_space<vmem>>
      tpu.enqueue_dma source(%dma_start3A_114 : memref<64x128xf32, #tpu.memory_space<vmem>>) target(%dma_start3A_111 : memref<64x128xf32, #tpu.memory_space<vmem_shared>>) target_semaphore(%run_scoped3A_104 : memref<!tpu.dma_semaphore, #tpu.memory_space<semaphore_mem>>)
      %dma_wait3A_115 = arith.constant 0 : i32
      %dma_wait3A_116 = arith.constant 0 : i32
      %dma_wait3A_117 = tpu.memref_slice %arg11[%dma_wait3A_115, %dma_wait3A_116] : memref<64x128xf32, #tpu.memory_space<vmem>> -> memref<64x128xf32, #tpu.memory_space<vmem>>
      %dma_wait3A_118 = arith.constant 0 : i32
      %dma_wait3A_119 = tpu.memref_slice %arg12[%add3A_15, %dma_wait3A_118] : memref<10112x128xf32, #tpu.memory_space<vmem_shared>> -> memref<64x128xf32, #tpu.memory_space<vmem_shared>>
      %dma_wait3A_120 = arith.constant 0 : i32
      %dma_wait3A_121 = tpu.memref_slice %arg12[%add3A_15, %dma_wait3A_120] : memref<10112x128xf32, #tpu.memory_space<vmem_shared>> -> memref<64x128xf32, #tpu.memory_space<vmem_shared>>
      %dma_wait3A_122 = arith.constant 0 : i32
      %dma_wait3A_123 = arith.constant 0 : i32
      %dma_wait3A_124 = tpu.memref_slice %arg11[%dma_wait3A_122, %dma_wait3A_123] : memref<64x128xf32, #tpu.memory_space<vmem>> -> memref<64x128xf32, #tpu.memory_space<vmem>>
      tpu.wait_dma2 semaphore(%run_scoped3A_104 : memref<!tpu.dma_semaphore, #tpu.memory_space<semaphore_mem>>) src(%dma_wait3A_124 : memref<64x128xf32, #tpu.memory_space<vmem>>) dst(%dma_wait3A_121 : memref<64x128xf32, #tpu.memory_space<vmem_shared>>)
      tpu.yield
    }) : () -> ()
    %add3A_16 = arith.constant 256 : i32
    %add3A_17 = arith.addi %mul3A_7, %add3A_16 : i32
    "tpu.region"() ({
      %run_scoped3A_104 = tpu.sem_alloc : memref<!tpu.dma_semaphore, #tpu.memory_space<semaphore_mem>>
      %dma_start3A_105 = arith.constant 0 : i32
      %dma_start3A_106 = arith.constant 0 : i32
      %dma_start3A_107 = tpu.memref_slice %arg11[%dma_start3A_105, %dma_start3A_106] : memref<64x128xf32, #tpu.memory_space<vmem>> -> memref<64x128xf32, #tpu.memory_space<vmem>>
      %dma_start3A_108 = arith.constant 0 : i32
      %dma_start3A_109 = tpu.memref_slice %arg12[%add3A_17, %dma_start3A_108] : memref<10112x128xf32, #tpu.memory_space<vmem_shared>> -> memref<64x128xf32, #tpu.memory_space<vmem_shared>>
      %dma_start3A_110 = arith.constant 0 : i32
      %dma_start3A_111 = tpu.memref_slice %arg12[%add3A_17, %dma_start3A_110] : memref<10112x128xf32, #tpu.memory_space<vmem_shared>> -> memref<64x128xf32, #tpu.memory_space<vmem_shared>>
      %dma_start3A_112 = arith.constant 0 : i32
      %dma_start3A_113 = arith.constant 0 : i32
      %dma_start3A_114 = tpu.memref_slice %arg11[%dma_start3A_112, %dma_start3A_113] : memref<64x128xf32, #tpu.memory_space<vmem>> -> memref<64x128xf32, #tpu.memory_space<vmem>>
      tpu.enqueue_dma source(%dma_start3A_114 : memref<64x128xf32, #tpu.memory_space<vmem>>) target(%dma_start3A_111 : memref<64x128xf32, #tpu.memory_space<vmem_shared>>) target_semaphore(%run_scoped3A_104 : memref<!tpu.dma_semaphore, #tpu.memory_space<semaphore_mem>>)
      %dma_wait3A_115 = arith.constant 0 : i32
      %dma_wait3A_116 = arith.constant 0 : i32
      %dma_wait3A_117 = tpu.memref_slice %arg11[%dma_wait3A_115, %dma_wait3A_116] : memref<64x128xf32, #tpu.memory_space<vmem>> -> memref<64x128xf32, #tpu.memory_space<vmem>>
      %dma_wait3A_118 = arith.constant 0 : i32
      %dma_wait3A_119 = tpu.memref_slice %arg12[%add3A_17, %dma_wait3A_118] : memref<10112x128xf32, #tpu.memory_space<vmem_shared>> -> memref<64x128xf32, #tpu.memory_space<vmem_shared>>
      %dma_wait3A_120 = arith.constant 0 : i32
      %dma_wait3A_121 = tpu.memref_slice %arg12[%add3A_17, %dma_wait3A_120] : memref<10112x128xf32, #tpu.memory_space<vmem_shared>> -> memref<64x128xf32, #tpu.memory_space<vmem_shared>>
      %dma_wait3A_122 = arith.constant 0 : i32
      %dma_wait3A_123 = arith.constant 0 : i32
      %dma_wait3A_124 = tpu.memref_slice %arg11[%dma_wait3A_122, %dma_wait3A_123] : memref<64x128xf32, #tpu.memory_space<vmem>> -> memref<64x128xf32, #tpu.memory_space<vmem>>
      tpu.wait_dma2 semaphore(%run_scoped3A_104 : memref<!tpu.dma_semaphore, #tpu.memory_space<semaphore_mem>>) src(%dma_wait3A_124 : memref<64x128xf32, #tpu.memory_space<vmem>>) dst(%dma_wait3A_121 : memref<64x128xf32, #tpu.memory_space<vmem_shared>>)
      tpu.yield
    }) : () -> ()
    %add3A_18 = arith.constant 320 : i32
    %add3A_19 = arith.addi %mul3A_7, %add3A_18 : i32
    "tpu.region"() ({
      %run_scoped3A_104 = tpu.sem_alloc : memref<!tpu.dma_semaphore, #tpu.memory_space<semaphore_mem>>
      %dma_start3A_105 = arith.constant 0 : i32
      %dma_start3A_106 = arith.constant 0 : i32
      %dma_start3A_107 = tpu.memref_slice %arg11[%dma_start3A_105, %dma_start3A_106] : memref<64x128xf32, #tpu.memory_space<vmem>> -> memref<64x128xf32, #tpu.memory_space<vmem>>
      %dma_start3A_108 = arith.constant 0 : i32
      %dma_start3A_109 = tpu.memref_slice %arg12[%add3A_19, %dma_start3A_108] : memref<10112x128xf32, #tpu.memory_space<vmem_shared>> -> memref<64x128xf32, #tpu.memory_space<vmem_shared>>
      %dma_start3A_110 = arith.constant 0 : i32
      %dma_start3A_111 = tpu.memref_slice %arg12[%add3A_19, %dma_start3A_110] : memref<10112x128xf32, #tpu.memory_space<vmem_shared>> -> memref<64x128xf32, #tpu.memory_space<vmem_shared>>
      %dma_start3A_112 = arith.constant 0 : i32
      %dma_start3A_113 = arith.constant 0 : i32
      %dma_start3A_114 = tpu.memref_slice %arg11[%dma_start3A_112, %dma_start3A_113] : memref<64x128xf32, #tpu.memory_space<vmem>> -> memref<64x128xf32, #tpu.memory_space<vmem>>
      tpu.enqueue_dma source(%dma_start3A_114 : memref<64x128xf32, #tpu.memory_space<vmem>>) target(%dma_start3A_111 : memref<64x128xf32, #tpu.memory_space<vmem_shared>>) target_semaphore(%run_scoped3A_104 : memref<!tpu.dma_semaphore, #tpu.memory_space<semaphore_mem>>)
      %dma_wait3A_115 = arith.constant 0 : i32
      %dma_wait3A_116 = arith.constant 0 : i32
      %dma_wait3A_117 = tpu.memref_slice %arg11[%dma_wait3A_115, %dma_wait3A_116] : memref<64x128xf32, #tpu.memory_space<vmem>> -> memref<64x128xf32, #tpu.memory_space<vmem>>
      %dma_wait3A_118 = arith.constant 0 : i32
      %dma_wait3A_119 = tpu.memref_slice %arg12[%add3A_19, %dma_wait3A_118] : memref<10112x128xf32, #tpu.memory_space<vmem_shared>> -> memref<64x128xf32, #tpu.memory_space<vmem_shared>>
      %dma_wait3A_120 = arith.constant 0 : i32
      %dma_wait3A_121 = tpu.memref_slice %arg12[%add3A_19, %dma_wait3A_120] : memref<10112x128xf32, #tpu.memory_space<vmem_shared>> -> memref<64x128xf32, #tpu.memory_space<vmem_shared>>
      %dma_wait3A_122 = arith.constant 0 : i32
      %dma_wait3A_123 = arith.constant 0 : i32
      %dma_wait3A_124 = tpu.memref_slice %arg11[%dma_wait3A_122, %dma_wait3A_123] : memref<64x128xf32, #tpu.memory_space<vmem>> -> memref<64x128xf32, #tpu.memory_space<vmem>>
      tpu.wait_dma2 semaphore(%run_scoped3A_104 : memref<!tpu.dma_semaphore, #tpu.memory_space<semaphore_mem>>) src(%dma_wait3A_124 : memref<64x128xf32, #tpu.memory_space<vmem>>) dst(%dma_wait3A_121 : memref<64x128xf32, #tpu.memory_space<vmem_shared>>)
      tpu.yield
    }) : () -> ()
    %add3A_20 = arith.constant 384 : i32
    %add3A_21 = arith.addi %mul3A_7, %add3A_20 : i32
    "tpu.region"() ({
      %run_scoped3A_104 = tpu.sem_alloc : memref<!tpu.dma_semaphore, #tpu.memory_space<semaphore_mem>>
      %dma_start3A_105 = arith.constant 0 : i32
      %dma_start3A_106 = arith.constant 0 : i32
      %dma_start3A_107 = tpu.memref_slice %arg11[%dma_start3A_105, %dma_start3A_106] : memref<64x128xf32, #tpu.memory_space<vmem>> -> memref<64x128xf32, #tpu.memory_space<vmem>>
      %dma_start3A_108 = arith.constant 0 : i32
      %dma_start3A_109 = tpu.memref_slice %arg12[%add3A_21, %dma_start3A_108] : memref<10112x128xf32, #tpu.memory_space<vmem_shared>> -> memref<64x128xf32, #tpu.memory_space<vmem_shared>>
      %dma_start3A_110 = arith.constant 0 : i32
      %dma_start3A_111 = tpu.memref_slice %arg12[%add3A_21, %dma_start3A_110] : memref<10112x128xf32, #tpu.memory_space<vmem_shared>> -> memref<64x128xf32, #tpu.memory_space<vmem_shared>>
      %dma_start3A_112 = arith.constant 0 : i32
      %dma_start3A_113 = arith.constant 0 : i32
      %dma_start3A_114 = tpu.memref_slice %arg11[%dma_start3A_112, %dma_start3A_113] : memref<64x128xf32, #tpu.memory_space<vmem>> -> memref<64x128xf32, #tpu.memory_space<vmem>>
      tpu.enqueue_dma source(%dma_start3A_114 : memref<64x128xf32, #tpu.memory_space<vmem>>) target(%dma_start3A_111 : memref<64x128xf32, #tpu.memory_space<vmem_shared>>) target_semaphore(%run_scoped3A_104 : memref<!tpu.dma_semaphore, #tpu.memory_space<semaphore_mem>>)
      %dma_wait3A_115 = arith.constant 0 : i32
      %dma_wait3A_116 = arith.constant 0 : i32
      %dma_wait3A_117 = tpu.memref_slice %arg11[%dma_wait3A_115, %dma_wait3A_116] : memref<64x128xf32, #tpu.memory_space<vmem>> -> memref<64x128xf32, #tpu.memory_space<vmem>>
      %dma_wait3A_118 = arith.constant 0 : i32
      %dma_wait3A_119 = tpu.memref_slice %arg12[%add3A_21, %dma_wait3A_118] : memref<10112x128xf32, #tpu.memory_space<vmem_shared>> -> memref<64x128xf32, #tpu.memory_space<vmem_shared>>
      %dma_wait3A_120 = arith.constant 0 : i32
      %dma_wait3A_121 = tpu.memref_slice %arg12[%add3A_21, %dma_wait3A_120] : memref<10112x128xf32, #tpu.memory_space<vmem_shared>> -> memref<64x128xf32, #tpu.memory_space<vmem_shared>>
      %dma_wait3A_122 = arith.constant 0 : i32
      %dma_wait3A_123 = arith.constant 0 : i32
      %dma_wait3A_124 = tpu.memref_slice %arg11[%dma_wait3A_122, %dma_wait3A_123] : memref<64x128xf32, #tpu.memory_space<vmem>> -> memref<64x128xf32, #tpu.memory_space<vmem>>
      tpu.wait_dma2 semaphore(%run_scoped3A_104 : memref<!tpu.dma_semaphore, #tpu.memory_space<semaphore_mem>>) src(%dma_wait3A_124 : memref<64x128xf32, #tpu.memory_space<vmem>>) dst(%dma_wait3A_121 : memref<64x128xf32, #tpu.memory_space<vmem_shared>>)
      tpu.yield
    }) : () -> ()
    %add3A_22 = arith.constant 448 : i32
    %add3A_23 = arith.addi %mul3A_7, %add3A_22 : i32
    "tpu.region"() ({
      %run_scoped3A_104 = tpu.sem_alloc : memref<!tpu.dma_semaphore, #tpu.memory_space<semaphore_mem>>
      %dma_start3A_105 = arith.constant 0 : i32
      %dma_start3A_106 = arith.constant 0 : i32
      %dma_start3A_107 = tpu.memref_slice %arg11[%dma_start3A_105, %dma_start3A_106] : memref<64x128xf32, #tpu.memory_space<vmem>> -> memref<64x128xf32, #tpu.memory_space<vmem>>
      %dma_start3A_108 = arith.constant 0 : i32
      %dma_start3A_109 = tpu.memref_slice %arg12[%add3A_23, %dma_start3A_108] : memref<10112x128xf32, #tpu.memory_space<vmem_shared>> -> memref<64x128xf32, #tpu.memory_space<vmem_shared>>
      %dma_start3A_110 = arith.constant 0 : i32
      %dma_start3A_111 = tpu.memref_slice %arg12[%add3A_23, %dma_start3A_110] : memref<10112x128xf32, #tpu.memory_space<vmem_shared>> -> memref<64x128xf32, #tpu.memory_space<vmem_shared>>
      %dma_start3A_112 = arith.constant 0 : i32
      %dma_start3A_113 = arith.constant 0 : i32
      %dma_start3A_114 = tpu.memref_slice %arg11[%dma_start3A_112, %dma_start3A_113] : memref<64x128xf32, #tpu.memory_space<vmem>> -> memref<64x128xf32, #tpu.memory_space<vmem>>
      tpu.enqueue_dma source(%dma_start3A_114 : memref<64x128xf32, #tpu.memory_space<vmem>>) target(%dma_start3A_111 : memref<64x128xf32, #tpu.memory_space<vmem_shared>>) target_semaphore(%run_scoped3A_104 : memref<!tpu.dma_semaphore, #tpu.memory_space<semaphore_mem>>)
      %dma_wait3A_115 = arith.constant 0 : i32
      %dma_wait3A_116 = arith.constant 0 : i32
      %dma_wait3A_117 = tpu.memref_slice %arg11[%dma_wait3A_115, %dma_wait3A_116] : memref<64x128xf32, #tpu.memory_space<vmem>> -> memref<64x128xf32, #tpu.memory_space<vmem>>
      %dma_wait3A_118 = arith.constant 0 : i32
      %dma_wait3A_119 = tpu.memref_slice %arg12[%add3A_23, %dma_wait3A_118] : memref<10112x128xf32, #tpu.memory_space<vmem_shared>> -> memref<64x128xf32, #tpu.memory_space<vmem_shared>>
      %dma_wait3A_120 = arith.constant 0 : i32
      %dma_wait3A_121 = tpu.memref_slice %arg12[%add3A_23, %dma_wait3A_120] : memref<10112x128xf32, #tpu.memory_space<vmem_shared>> -> memref<64x128xf32, #tpu.memory_space<vmem_shared>>
      %dma_wait3A_122 = arith.constant 0 : i32
      %dma_wait3A_123 = arith.constant 0 : i32
      %dma_wait3A_124 = tpu.memref_slice %arg11[%dma_wait3A_122, %dma_wait3A_123] : memref<64x128xf32, #tpu.memory_space<vmem>> -> memref<64x128xf32, #tpu.memory_space<vmem>>
      tpu.wait_dma2 semaphore(%run_scoped3A_104 : memref<!tpu.dma_semaphore, #tpu.memory_space<semaphore_mem>>) src(%dma_wait3A_124 : memref<64x128xf32, #tpu.memory_space<vmem>>) dst(%dma_wait3A_121 : memref<64x128xf32, #tpu.memory_space<vmem_shared>>)
      tpu.yield
    }) : () -> ()
    %add3A_24 = arith.constant 512 : i32
    %add3A_25 = arith.addi %mul3A_7, %add3A_24 : i32
    "tpu.region"() ({
      %run_scoped3A_104 = tpu.sem_alloc : memref<!tpu.dma_semaphore, #tpu.memory_space<semaphore_mem>>
      %dma_start3A_105 = arith.constant 0 : i32
      %dma_start3A_106 = arith.constant 0 : i32
      %dma_start3A_107 = tpu.memref_slice %arg11[%dma_start3A_105, %dma_start3A_106] : memref<64x128xf32, #tpu.memory_space<vmem>> -> memref<64x128xf32, #tpu.memory_space<vmem>>
      %dma_start3A_108 = arith.constant 0 : i32
      %dma_start3A_109 = tpu.memref_slice %arg12[%add3A_25, %dma_start3A_108] : memref<10112x128xf32, #tpu.memory_space<vmem_shared>> -> memref<64x128xf32, #tpu.memory_space<vmem_shared>>
      %dma_start3A_110 = arith.constant 0 : i32
      %dma_start3A_111 = tpu.memref_slice %arg12[%add3A_25, %dma_start3A_110] : memref<10112x128xf32, #tpu.memory_space<vmem_shared>> -> memref<64x128xf32, #tpu.memory_space<vmem_shared>>
      %dma_start3A_112 = arith.constant 0 : i32
      %dma_start3A_113 = arith.constant 0 : i32
      %dma_start3A_114 = tpu.memref_slice %arg11[%dma_start3A_112, %dma_start3A_113] : memref<64x128xf32, #tpu.memory_space<vmem>> -> memref<64x128xf32, #tpu.memory_space<vmem>>
      tpu.enqueue_dma source(%dma_start3A_114 : memref<64x128xf32, #tpu.memory_space<vmem>>) target(%dma_start3A_111 : memref<64x128xf32, #tpu.memory_space<vmem_shared>>) target_semaphore(%run_scoped3A_104 : memref<!tpu.dma_semaphore, #tpu.memory_space<semaphore_mem>>)
      %dma_wait3A_115 = arith.constant 0 : i32
      %dma_wait3A_116 = arith.constant 0 : i32
      %dma_wait3A_117 = tpu.memref_slice %arg11[%dma_wait3A_115, %dma_wait3A_116] : memref<64x128xf32, #tpu.memory_space<vmem>> -> memref<64x128xf32, #tpu.memory_space<vmem>>
      %dma_wait3A_118 = arith.constant 0 : i32
      %dma_wait3A_119 = tpu.memref_slice %arg12[%add3A_25, %dma_wait3A_118] : memref<10112x128xf32, #tpu.memory_space<vmem_shared>> -> memref<64x128xf32, #tpu.memory_space<vmem_shared>>
      %dma_wait3A_120 = arith.constant 0 : i32
      %dma_wait3A_121 = tpu.memref_slice %arg12[%add3A_25, %dma_wait3A_120] : memref<10112x128xf32, #tpu.memory_space<vmem_shared>> -> memref<64x128xf32, #tpu.memory_space<vmem_shared>>
      %dma_wait3A_122 = arith.constant 0 : i32
      %dma_wait3A_123 = arith.constant 0 : i32
      %dma_wait3A_124 = tpu.memref_slice %arg11[%dma_wait3A_122, %dma_wait3A_123] : memref<64x128xf32, #tpu.memory_space<vmem>> -> memref<64x128xf32, #tpu.memory_space<vmem>>
      tpu.wait_dma2 semaphore(%run_scoped3A_104 : memref<!tpu.dma_semaphore, #tpu.memory_space<semaphore_mem>>) src(%dma_wait3A_124 : memref<64x128xf32, #tpu.memory_space<vmem>>) dst(%dma_wait3A_121 : memref<64x128xf32, #tpu.memory_space<vmem_shared>>)
      tpu.yield
    }) : () -> ()
    %add3A_26 = arith.constant 576 : i32
    %add3A_27 = arith.addi %mul3A_7, %add3A_26 : i32
    "tpu.region"() ({
      %run_scoped3A_104 = tpu.sem_alloc : memref<!tpu.dma_semaphore, #tpu.memory_space<semaphore_mem>>
      %dma_start3A_105 = arith.constant 0 : i32
      %dma_start3A_106 = arith.constant 0 : i32
      %dma_start3A_107 = tpu.memref_slice %arg11[%dma_start3A_105, %dma_start3A_106] : memref<64x128xf32, #tpu.memory_space<vmem>> -> memref<56x128xf32, #tpu.memory_space<vmem>>
      %dma_start3A_108 = arith.constant 0 : i32
      %dma_start3A_109 = tpu.memref_slice %arg12[%add3A_27, %dma_start3A_108] : memref<10112x128xf32, #tpu.memory_space<vmem_shared>> -> memref<56x128xf32, #tpu.memory_space<vmem_shared>>
      %dma_start3A_110 = arith.constant 0 : i32
      %dma_start3A_111 = tpu.memref_slice %arg12[%add3A_27, %dma_start3A_110] : memref<10112x128xf32, #tpu.memory_space<vmem_shared>> -> memref<56x128xf32, #tpu.memory_space<vmem_shared>>
      %dma_start3A_112 = arith.constant 0 : i32
      %dma_start3A_113 = arith.constant 0 : i32
      %dma_start3A_114 = tpu.memref_slice %arg11[%dma_start3A_112, %dma_start3A_113] : memref<64x128xf32, #tpu.memory_space<vmem>> -> memref<56x128xf32, #tpu.memory_space<vmem>>
      tpu.enqueue_dma source(%dma_start3A_114 : memref<56x128xf32, #tpu.memory_space<vmem>>) target(%dma_start3A_111 : memref<56x128xf32, #tpu.memory_space<vmem_shared>>) target_semaphore(%run_scoped3A_104 : memref<!tpu.dma_semaphore, #tpu.memory_space<semaphore_mem>>)
      %dma_wait3A_115 = arith.constant 0 : i32
      %dma_wait3A_116 = arith.constant 0 : i32
      %dma_wait3A_117 = tpu.memref_slice %arg11[%dma_wait3A_115, %dma_wait3A_116] : memref<64x128xf32, #tpu.memory_space<vmem>> -> memref<56x128xf32, #tpu.memory_space<vmem>>
      %dma_wait3A_118 = arith.constant 0 : i32
      %dma_wait3A_119 = tpu.memref_slice %arg12[%add3A_27, %dma_wait3A_118] : memref<10112x128xf32, #tpu.memory_space<vmem_shared>> -> memref<56x128xf32, #tpu.memory_space<vmem_shared>>
      %dma_wait3A_120 = arith.constant 0 : i32
      %dma_wait3A_121 = tpu.memref_slice %arg12[%add3A_27, %dma_wait3A_120] : memref<10112x128xf32, #tpu.memory_space<vmem_shared>> -> memref<56x128xf32, #tpu.memory_space<vmem_shared>>
      %dma_wait3A_122 = arith.constant 0 : i32
      %dma_wait3A_123 = arith.constant 0 : i32
      %dma_wait3A_124 = tpu.memref_slice %arg11[%dma_wait3A_122, %dma_wait3A_123] : memref<64x128xf32, #tpu.memory_space<vmem>> -> memref<56x128xf32, #tpu.memory_space<vmem>>
      tpu.wait_dma2 semaphore(%run_scoped3A_104 : memref<!tpu.dma_semaphore, #tpu.memory_space<semaphore_mem>>) src(%dma_wait3A_124 : memref<56x128xf32, #tpu.memory_space<vmem>>) dst(%dma_wait3A_121 : memref<56x128xf32, #tpu.memory_space<vmem_shared>>)
      tpu.yield
    }) : () -> ()
    %barrier3A = arith.constant 0 : index
    tpu.barrier barrier_id(%barrier3A)
    %mul3A_28 = arith.constant 10000 : i32
    %mul3A_29 = arith.muli %add3A, %mul3A_28 : i32
    %dma_start3A = arith.constant 0 : i32
    %dma_start3A_30 = arith.constant 0 : i32
    %dma_start3A_31 = tpu.memref_slice %arg7[%dma_start3A, %dma_start3A_30] : memref<1x128xi32, #tpu.memory_space<vmem>> -> memref<1x128xi32, #tpu.memory_space<vmem>>
    %dma_start3A_32 = tpu.memref_squeeze %dma_start3A_31 : memref<1x128xi32, #tpu.memory_space<vmem>> -> memref<128xi32, #tpu.memory_space<vmem>>
    %dma_start3A_33 = tpu.memref_slice %arg3[%mul3A_29] : memref<320000xi32, #tpu.memory_space<hbm>> -> memref<128xi32, #tpu.memory_space<hbm>>
    %dma_start3A_34 = arith.constant 0 : i32
    %dma_start3A_35 = tpu.memref_slice %arg7[%dma_start3A, %dma_start3A_34] : memref<1x128xi32, #tpu.memory_space<vmem>> -> memref<1x128xi32, #tpu.memory_space<vmem>>
    %dma_start3A_36 = tpu.memref_squeeze %dma_start3A_35 : memref<1x128xi32, #tpu.memory_space<vmem>> -> memref<128xi32, #tpu.memory_space<vmem>>
    %dma_start3A_37 = tpu.memref_slice %arg3[%mul3A_29] : memref<320000xi32, #tpu.memory_space<hbm>> -> memref<128xi32, #tpu.memory_space<hbm>>
    tpu.enqueue_dma source(%dma_start3A_37 : memref<128xi32, #tpu.memory_space<hbm>>) target(%dma_start3A_36 : memref<128xi32, #tpu.memory_space<vmem>>) target_semaphore(%arg15 : memref<!tpu.dma_semaphore, #tpu.memory_space<semaphore_mem>>)
    %dma_start3A_38 = arith.constant 0 : i32
    %dma_start3A_39 = tpu.memref_slice %arg2[%mul3A_29, %dma_start3A_38] : memref<320000x128xf32, #tpu.memory_space<hbm>> -> memref<128x128xf32, #tpu.memory_space<hbm>>
    %dma_start3A_40 = arith.constant 0 : i32
    %dma_start3A_41 = tpu.memref_slice %arg2[%mul3A_29, %dma_start3A_40] : memref<320000x128xf32, #tpu.memory_space<hbm>> -> memref<128x128xf32, #tpu.memory_space<hbm>>
    tpu.enqueue_dma source(%dma_start3A_41 : memref<128x128xf32, #tpu.memory_space<hbm>>) target(%arg5 : memref<128x128xf32, #tpu.memory_space<vmem>>) target_semaphore(%arg13 : memref<!tpu.dma_semaphore, #tpu.memory_space<semaphore_mem>>)
    %scan3A_42 = arith.constant 0 : i32
    %scan3A_43 = arith.constant 0 : i32
    %scan3A_44 = arith.constant 39 : i32
    %scan3A_45 = arith.addi %scan3A_43, %scan3A_44 : i32
    %scan3A_46 = arith.constant 1 : i32
    scf.for %scan3A_104 = %scan3A_43 to %scan3A_45 step %scan3A_46  : i32 {
      %mul3A_105 = arith.constant 2 : i32
      %mul3A_106 = arith.muli %mul3A_105, %scan3A_104 : i32
      %add3A_107 = arith.constant 0 : i32
      %add3A_108 = arith.addi %mul3A_106, %add3A_107 : i32
      %mul3A_109 = arith.constant 128 : i32
      %mul3A_110 = arith.muli %add3A_108, %mul3A_109 : i32
      %add3A_111 = arith.addi %mul3A_29, %mul3A_110 : i32
      %dma_wait3A_112 = arith.constant 0 : i32
      %dma_wait3A_113 = arith.constant 0 : i32
      %dma_wait3A_114 = tpu.memref_slice %arg7[%dma_wait3A_112, %dma_wait3A_113] : memref<1x128xi32, #tpu.memory_space<vmem>> -> memref<1x128xi32, #tpu.memory_space<vmem>>
      %dma_wait3A_115 = tpu.memref_squeeze %dma_wait3A_114 : memref<1x128xi32, #tpu.memory_space<vmem>> -> memref<128xi32, #tpu.memory_space<vmem>>
      %dma_wait3A_116 = tpu.memref_slice %arg3[%add3A_111] : memref<320000xi32, #tpu.memory_space<hbm>> -> memref<128xi32, #tpu.memory_space<hbm>>
      %dma_wait3A_117 = arith.constant 0 : i32
      %dma_wait3A_118 = tpu.memref_slice %arg7[%dma_wait3A_112, %dma_wait3A_117] : memref<1x128xi32, #tpu.memory_space<vmem>> -> memref<1x128xi32, #tpu.memory_space<vmem>>
      %dma_wait3A_119 = tpu.memref_squeeze %dma_wait3A_118 : memref<1x128xi32, #tpu.memory_space<vmem>> -> memref<128xi32, #tpu.memory_space<vmem>>
      %dma_wait3A_120 = tpu.memref_slice %arg3[%add3A_111] : memref<320000xi32, #tpu.memory_space<hbm>> -> memref<128xi32, #tpu.memory_space<hbm>>
      tpu.wait_dma2 semaphore(%arg15 : memref<!tpu.dma_semaphore, #tpu.memory_space<semaphore_mem>>) src(%dma_wait3A_120 : memref<128xi32, #tpu.memory_space<hbm>>) dst(%dma_wait3A_119 : memref<128xi32, #tpu.memory_space<vmem>>)
      %dma_wait3A_121 = arith.constant 0 : i32
      %dma_wait3A_122 = tpu.memref_slice %arg2[%add3A_111, %dma_wait3A_121] : memref<320000x128xf32, #tpu.memory_space<hbm>> -> memref<128x128xf32, #tpu.memory_space<hbm>>
      %dma_wait3A_123 = arith.constant 0 : i32
      %dma_wait3A_124 = tpu.memref_slice %arg2[%add3A_111, %dma_wait3A_123] : memref<320000x128xf32, #tpu.memory_space<hbm>> -> memref<128x128xf32, #tpu.memory_space<hbm>>
      tpu.wait_dma2 semaphore(%arg13 : memref<!tpu.dma_semaphore, #tpu.memory_space<semaphore_mem>>) src(%dma_wait3A_124 : memref<128x128xf32, #tpu.memory_space<hbm>>) dst(%arg5 : memref<128x128xf32, #tpu.memory_space<vmem>>)
      %add3A_125 = arith.constant 1 : i32
      %add3A_126 = arith.addi %add3A_108, %add3A_125 : i32
      %min3A = arith.constant 77 : i32
      %min3A_127 = arith.minsi %add3A_126, %min3A : i32
      %mul3A_128 = arith.constant 128 : i32
      %mul3A_129 = arith.muli %min3A_127, %mul3A_128 : i32
      %add3A_130 = arith.addi %mul3A_29, %mul3A_129 : i32
      %dma_start3A_131 = arith.constant 0 : i32
      %dma_start3A_132 = arith.constant 0 : i32
      %dma_start3A_133 = tpu.memref_slice %arg8[%dma_start3A_131, %dma_start3A_132] : memref<1x128xi32, #tpu.memory_space<vmem>> -> memref<1x128xi32, #tpu.memory_space<vmem>>
      %dma_start3A_134 = tpu.memref_squeeze %dma_start3A_133 : memref<1x128xi32, #tpu.memory_space<vmem>> -> memref<128xi32, #tpu.memory_space<vmem>>
      %dma_start3A_135 = tpu.memref_slice %arg3[%add3A_130] : memref<320000xi32, #tpu.memory_space<hbm>> -> memref<128xi32, #tpu.memory_space<hbm>>
      %dma_start3A_136 = arith.constant 0 : i32
      %dma_start3A_137 = tpu.memref_slice %arg8[%dma_start3A_131, %dma_start3A_136] : memref<1x128xi32, #tpu.memory_space<vmem>> -> memref<1x128xi32, #tpu.memory_space<vmem>>
      %dma_start3A_138 = tpu.memref_squeeze %dma_start3A_137 : memref<1x128xi32, #tpu.memory_space<vmem>> -> memref<128xi32, #tpu.memory_space<vmem>>
      %dma_start3A_139 = tpu.memref_slice %arg3[%add3A_130] : memref<320000xi32, #tpu.memory_space<hbm>> -> memref<128xi32, #tpu.memory_space<hbm>>
      tpu.enqueue_dma source(%dma_start3A_139 : memref<128xi32, #tpu.memory_space<hbm>>) target(%dma_start3A_138 : memref<128xi32, #tpu.memory_space<vmem>>) target_semaphore(%arg16 : memref<!tpu.dma_semaphore, #tpu.memory_space<semaphore_mem>>)
      %dma_start3A_140 = arith.constant 0 : i32
      %dma_start3A_141 = tpu.memref_slice %arg2[%add3A_130, %dma_start3A_140] : memref<320000x128xf32, #tpu.memory_space<hbm>> -> memref<128x128xf32, #tpu.memory_space<hbm>>
      %dma_start3A_142 = arith.constant 0 : i32
      %dma_start3A_143 = tpu.memref_slice %arg2[%add3A_130, %dma_start3A_142] : memref<320000x128xf32, #tpu.memory_space<hbm>> -> memref<128x128xf32, #tpu.memory_space<hbm>>
      tpu.enqueue_dma source(%dma_start3A_143 : memref<128x128xf32, #tpu.memory_space<hbm>>) target(%arg6 : memref<128x128xf32, #tpu.memory_space<vmem>>) target_semaphore(%arg14 : memref<!tpu.dma_semaphore, #tpu.memory_space<semaphore_mem>>)
      %run_scoped3A_144 = arith.constant 0 : i32
      "tpu.region"() ({
        %run_scoped3A_186 = tpu.sem_alloc : memref<!tpu.dma_semaphore, #tpu.memory_space<semaphore_mem>>
        %dma_start3A_187 = arith.constant 0 : i32
        %dma_start3A_188 = tpu.memref_slice %arg7[%run_scoped3A_144, %dma_start3A_187] : memref<1x128xi32, #tpu.memory_space<vmem>> -> memref<1x128xi32, #tpu.memory_space<vmem>>
        %dma_start3A_189 = tpu.memref_squeeze %dma_start3A_188 : memref<1x128xi32, #tpu.memory_space<vmem>> -> memref<128xi32, #tpu.memory_space<vmem>>
        %dma_start3A_190 = arith.constant 0 : i32
        %dma_start3A_191 = arith.constant 0 : i32
        %dma_start3A_192 = tpu.memref_slice %arg12[%dma_start3A_190, %dma_start3A_191] : memref<10112x128xf32, #tpu.memory_space<vmem_shared>> -> memref<10112x128xf32, #tpu.memory_space<vmem_shared>>
        tpu.enqueue_indirect_dma source(%arg5 : memref<128x128xf32, #tpu.memory_space<vmem>>) target(%dma_start3A_192 : memref<10112x128xf32, #tpu.memory_space<vmem_shared>>) offsets(%dma_start3A_189 : memref<128xi32, #tpu.memory_space<vmem>>) semaphore(%run_scoped3A_186 : memref<!tpu.dma_semaphore, #tpu.memory_space<semaphore_mem>>) {add = true}
        %dma_wait3A_193 = arith.constant 0 : i32
        %dma_wait3A_194 = tpu.memref_slice %arg7[%run_scoped3A_144, %dma_wait3A_193] : memref<1x128xi32, #tpu.memory_space<vmem>> -> memref<1x128xi32, #tpu.memory_space<vmem>>
        %dma_wait3A_195 = tpu.memref_squeeze %dma_wait3A_194 : memref<1x128xi32, #tpu.memory_space<vmem>> -> memref<128xi32, #tpu.memory_space<vmem>>
        %dma_wait3A_196 = arith.constant 0 : i32
        %dma_wait3A_197 = arith.constant 0 : i32
        %dma_wait3A_198 = tpu.memref_slice %arg12[%dma_wait3A_196, %dma_wait3A_197] : memref<10112x128xf32, #tpu.memory_space<vmem_shared>> -> memref<10112x128xf32, #tpu.memory_space<vmem_shared>>
        tpu.wait_indirect_dma semaphore(%run_scoped3A_186 : memref<!tpu.dma_semaphore, #tpu.memory_space<semaphore_mem>>) src(%arg5 : memref<128x128xf32, #tpu.memory_space<vmem>>) dst(%dma_wait3A_198 : memref<10112x128xf32, #tpu.memory_space<vmem_shared>>)
        tpu.yield
      }) : () -> ()
      %mul3A_145 = arith.constant 2 : i32
      %mul3A_146 = arith.muli %mul3A_145, %scan3A_104 : i32
      %add3A_147 = arith.constant 1 : i32
      %add3A_148 = arith.addi %mul3A_146, %add3A_147 : i32
      %mul3A_149 = arith.constant 128 : i32
      %mul3A_150 = arith.muli %add3A_148, %mul3A_149 : i32
      %add3A_151 = arith.addi %mul3A_29, %mul3A_150 : i32
      %dma_wait3A_152 = arith.constant 0 : i32
      %dma_wait3A_153 = arith.constant 0 : i32
      %dma_wait3A_154 = tpu.memref_slice %arg8[%dma_wait3A_152, %dma_wait3A_153] : memref<1x128xi32, #tpu.memory_space<vmem>> -> memref<1x128xi32, #tpu.memory_space<vmem>>
      %dma_wait3A_155 = tpu.memref_squeeze %dma_wait3A_154 : memref<1x128xi32, #tpu.memory_space<vmem>> -> memref<128xi32, #tpu.memory_space<vmem>>
      %dma_wait3A_156 = tpu.memref_slice %arg3[%add3A_151] : memref<320000xi32, #tpu.memory_space<hbm>> -> memref<128xi32, #tpu.memory_space<hbm>>
      %dma_wait3A_157 = arith.constant 0 : i32
      %dma_wait3A_158 = tpu.memref_slice %arg8[%dma_wait3A_152, %dma_wait3A_157] : memref<1x128xi32, #tpu.memory_space<vmem>> -> memref<1x128xi32, #tpu.memory_space<vmem>>
      %dma_wait3A_159 = tpu.memref_squeeze %dma_wait3A_158 : memref<1x128xi32, #tpu.memory_space<vmem>> -> memref<128xi32, #tpu.memory_space<vmem>>
      %dma_wait3A_160 = tpu.memref_slice %arg3[%add3A_151] : memref<320000xi32, #tpu.memory_space<hbm>> -> memref<128xi32, #tpu.memory_space<hbm>>
      tpu.wait_dma2 semaphore(%arg16 : memref<!tpu.dma_semaphore, #tpu.memory_space<semaphore_mem>>) src(%dma_wait3A_160 : memref<128xi32, #tpu.memory_space<hbm>>) dst(%dma_wait3A_159 : memref<128xi32, #tpu.memory_space<vmem>>)
      %dma_wait3A_161 = arith.constant 0 : i32
      %dma_wait3A_162 = tpu.memref_slice %arg2[%add3A_151, %dma_wait3A_161] : memref<320000x128xf32, #tpu.memory_space<hbm>> -> memref<128x128xf32, #tpu.memory_space<hbm>>
      %dma_wait3A_163 = arith.constant 0 : i32
      %dma_wait3A_164 = tpu.memref_slice %arg2[%add3A_151, %dma_wait3A_163] : memref<320000x128xf32, #tpu.memory_space<hbm>> -> memref<128x128xf32, #tpu.memory_space<hbm>>
      tpu.wait_dma2 semaphore(%arg14 : memref<!tpu.dma_semaphore, #tpu.memory_space<semaphore_mem>>) src(%dma_wait3A_164 : memref<128x128xf32, #tpu.memory_space<hbm>>) dst(%arg6 : memref<128x128xf32, #tpu.memory_space<vmem>>)
      %add3A_165 = arith.constant 1 : i32
      %add3A_166 = arith.addi %add3A_148, %add3A_165 : i32
      %min3A_167 = arith.constant 77 : i32
      %min3A_168 = arith.minsi %add3A_166, %min3A_167 : i32
      %mul3A_169 = arith.constant 128 : i32
      %mul3A_170 = arith.muli %min3A_168, %mul3A_169 : i32
      %add3A_171 = arith.addi %mul3A_29, %mul3A_170 : i32
      %dma_start3A_172 = arith.constant 0 : i32
      %dma_start3A_173 = arith.constant 0 : i32
      %dma_start3A_174 = tpu.memref_slice %arg7[%dma_start3A_172, %dma_start3A_173] : memref<1x128xi32, #tpu.memory_space<vmem>> -> memref<1x128xi32, #tpu.memory_space<vmem>>
      %dma_start3A_175 = tpu.memref_squeeze %dma_start3A_174 : memref<1x128xi32, #tpu.memory_space<vmem>> -> memref<128xi32, #tpu.memory_space<vmem>>
      %dma_start3A_176 = tpu.memref_slice %arg3[%add3A_171] : memref<320000xi32, #tpu.memory_space<hbm>> -> memref<128xi32, #tpu.memory_space<hbm>>
      %dma_start3A_177 = arith.constant 0 : i32
      %dma_start3A_178 = tpu.memref_slice %arg7[%dma_start3A_172, %dma_start3A_177] : memref<1x128xi32, #tpu.memory_space<vmem>> -> memref<1x128xi32, #tpu.memory_space<vmem>>
      %dma_start3A_179 = tpu.memref_squeeze %dma_start3A_178 : memref<1x128xi32, #tpu.memory_space<vmem>> -> memref<128xi32, #tpu.memory_space<vmem>>
      %dma_start3A_180 = tpu.memref_slice %arg3[%add3A_171] : memref<320000xi32, #tpu.memory_space<hbm>> -> memref<128xi32, #tpu.memory_space<hbm>>
      tpu.enqueue_dma source(%dma_start3A_180 : memref<128xi32, #tpu.memory_space<hbm>>) target(%dma_start3A_179 : memref<128xi32, #tpu.memory_space<vmem>>) target_semaphore(%arg15 : memref<!tpu.dma_semaphore, #tpu.memory_space<semaphore_mem>>)
      %dma_start3A_181 = arith.constant 0 : i32
      %dma_start3A_182 = tpu.memref_slice %arg2[%add3A_171, %dma_start3A_181] : memref<320000x128xf32, #tpu.memory_space<hbm>> -> memref<128x128xf32, #tpu.memory_space<hbm>>
      %dma_start3A_183 = arith.constant 0 : i32
      %dma_start3A_184 = tpu.memref_slice %arg2[%add3A_171, %dma_start3A_183] : memref<320000x128xf32, #tpu.memory_space<hbm>> -> memref<128x128xf32, #tpu.memory_space<hbm>>
      tpu.enqueue_dma source(%dma_start3A_184 : memref<128x128xf32, #tpu.memory_space<hbm>>) target(%arg5 : memref<128x128xf32, #tpu.memory_space<vmem>>) target_semaphore(%arg13 : memref<!tpu.dma_semaphore, #tpu.memory_space<semaphore_mem>>)
      %run_scoped3A_185 = arith.constant 0 : i32
      "tpu.region"() ({
        %run_scoped3A_186 = tpu.sem_alloc : memref<!tpu.dma_semaphore, #tpu.memory_space<semaphore_mem>>
        %dma_start3A_187 = arith.constant 0 : i32
        %dma_start3A_188 = tpu.memref_slice %arg8[%run_scoped3A_185, %dma_start3A_187] : memref<1x128xi32, #tpu.memory_space<vmem>> -> memref<1x128xi32, #tpu.memory_space<vmem>>
        %dma_start3A_189 = tpu.memref_squeeze %dma_start3A_188 : memref<1x128xi32, #tpu.memory_space<vmem>> -> memref<128xi32, #tpu.memory_space<vmem>>
        %dma_start3A_190 = arith.constant 0 : i32
        %dma_start3A_191 = arith.constant 0 : i32
        %dma_start3A_192 = tpu.memref_slice %arg12[%dma_start3A_190, %dma_start3A_191] : memref<10112x128xf32, #tpu.memory_space<vmem_shared>> -> memref<10112x128xf32, #tpu.memory_space<vmem_shared>>
        tpu.enqueue_indirect_dma source(%arg6 : memref<128x128xf32, #tpu.memory_space<vmem>>) target(%dma_start3A_192 : memref<10112x128xf32, #tpu.memory_space<vmem_shared>>) offsets(%dma_start3A_189 : memref<128xi32, #tpu.memory_space<vmem>>) semaphore(%run_scoped3A_186 : memref<!tpu.dma_semaphore, #tpu.memory_space<semaphore_mem>>) {add = true}
        %dma_wait3A_193 = arith.constant 0 : i32
        %dma_wait3A_194 = tpu.memref_slice %arg8[%run_scoped3A_185, %dma_wait3A_193] : memref<1x128xi32, #tpu.memory_space<vmem>> -> memref<1x128xi32, #tpu.memory_space<vmem>>
        %dma_wait3A_195 = tpu.memref_squeeze %dma_wait3A_194 : memref<1x128xi32, #tpu.memory_space<vmem>> -> memref<128xi32, #tpu.memory_space<vmem>>
        %dma_wait3A_196 = arith.constant 0 : i32
        %dma_wait3A_197 = arith.constant 0 : i32
        %dma_wait3A_198 = tpu.memref_slice %arg12[%dma_wait3A_196, %dma_wait3A_197] : memref<10112x128xf32, #tpu.memory_space<vmem_shared>> -> memref<10112x128xf32, #tpu.memory_space<vmem_shared>>
        tpu.wait_indirect_dma semaphore(%run_scoped3A_186 : memref<!tpu.dma_semaphore, #tpu.memory_space<semaphore_mem>>) src(%arg6 : memref<128x128xf32, #tpu.memory_space<vmem>>) dst(%dma_wait3A_198 : memref<10112x128xf32, #tpu.memory_space<vmem_shared>>)
        tpu.yield
      }) : () -> ()
    }
    %scan3A_47 = arith.constant 39 : i32
    %dma_wait3A = arith.constant 0 : i32
    %dma_wait3A_48 = arith.constant 0 : i32
    %dma_wait3A_49 = tpu.memref_slice %arg7[%dma_wait3A, %dma_wait3A_48] : memref<1x128xi32, #tpu.memory_space<vmem>> -> memref<1x128xi32, #tpu.memory_space<vmem>>
    %dma_wait3A_50 = tpu.memref_squeeze %dma_wait3A_49 : memref<1x128xi32, #tpu.memory_space<vmem>> -> memref<128xi32, #tpu.memory_space<vmem>>
    %dma_wait3A_51 = tpu.memref_slice %arg3[%mul3A_29] : memref<320000xi32, #tpu.memory_space<hbm>> -> memref<128xi32, #tpu.memory_space<hbm>>
    %dma_wait3A_52 = arith.constant 0 : i32
    %dma_wait3A_53 = tpu.memref_slice %arg7[%dma_wait3A, %dma_wait3A_52] : memref<1x128xi32, #tpu.memory_space<vmem>> -> memref<1x128xi32, #tpu.memory_space<vmem>>
    %dma_wait3A_54 = tpu.memref_squeeze %dma_wait3A_53 : memref<1x128xi32, #tpu.memory_space<vmem>> -> memref<128xi32, #tpu.memory_space<vmem>>
    %dma_wait3A_55 = tpu.memref_slice %arg3[%mul3A_29] : memref<320000xi32, #tpu.memory_space<hbm>> -> memref<128xi32, #tpu.memory_space<hbm>>
    tpu.wait_dma2 semaphore(%arg15 : memref<!tpu.dma_semaphore, #tpu.memory_space<semaphore_mem>>) src(%dma_wait3A_55 : memref<128xi32, #tpu.memory_space<hbm>>) dst(%dma_wait3A_54 : memref<128xi32, #tpu.memory_space<vmem>>)
    %dma_wait3A_56 = arith.constant 0 : i32
    %dma_wait3A_57 = tpu.memref_slice %arg2[%mul3A_29, %dma_wait3A_56] : memref<320000x128xf32, #tpu.memory_space<hbm>> -> memref<128x128xf32, #tpu.memory_space<hbm>>
    %dma_wait3A_58 = arith.constant 0 : i32
    %dma_wait3A_59 = tpu.memref_slice %arg2[%mul3A_29, %dma_wait3A_58] : memref<320000x128xf32, #tpu.memory_space<hbm>> -> memref<128x128xf32, #tpu.memory_space<hbm>>
    tpu.wait_dma2 semaphore(%arg13 : memref<!tpu.dma_semaphore, #tpu.memory_space<semaphore_mem>>) src(%dma_wait3A_59 : memref<128x128xf32, #tpu.memory_space<hbm>>) dst(%arg5 : memref<128x128xf32, #tpu.memory_space<vmem>>)
    %add3A_60 = arith.constant 9984 : i32
    %add3A_61 = arith.addi %mul3A_29, %add3A_60 : i32
    %run_scoped3A = arith.constant 0 : i32
    "tpu.region"() ({
      %run_scoped3A_104 = tpu.sem_alloc : memref<!tpu.dma_semaphore, #tpu.memory_space<semaphore_mem>>
      %dma_start3A_105 = arith.constant 0 : i32
      %dma_start3A_106 = tpu.memref_slice %arg10[%run_scoped3A, %dma_start3A_105] : memref<1x16xi32, #tpu.memory_space<vmem>> -> memref<1x16xi32, #tpu.memory_space<vmem>>
      %dma_start3A_107 = tpu.memref_squeeze %dma_start3A_106 : memref<1x16xi32, #tpu.memory_space<vmem>> -> memref<16xi32, #tpu.memory_space<vmem>>
      %dma_start3A_108 = tpu.memref_slice %arg3[%add3A_61] : memref<320000xi32, #tpu.memory_space<hbm>> -> memref<16xi32, #tpu.memory_space<hbm>>
      %dma_start3A_109 = arith.constant 0 : i32
      %dma_start3A_110 = tpu.memref_slice %arg10[%run_scoped3A, %dma_start3A_109] : memref<1x16xi32, #tpu.memory_space<vmem>> -> memref<1x16xi32, #tpu.memory_space<vmem>>
      %dma_start3A_111 = tpu.memref_squeeze %dma_start3A_110 : memref<1x16xi32, #tpu.memory_space<vmem>> -> memref<16xi32, #tpu.memory_space<vmem>>
      %dma_start3A_112 = tpu.memref_slice %arg3[%add3A_61] : memref<320000xi32, #tpu.memory_space<hbm>> -> memref<16xi32, #tpu.memory_space<hbm>>
      tpu.enqueue_dma source(%dma_start3A_112 : memref<16xi32, #tpu.memory_space<hbm>>) target(%dma_start3A_111 : memref<16xi32, #tpu.memory_space<vmem>>) target_semaphore(%run_scoped3A_104 : memref<!tpu.dma_semaphore, #tpu.memory_space<semaphore_mem>>)
      %dma_wait3A_113 = arith.constant 0 : i32
      %dma_wait3A_114 = tpu.memref_slice %arg10[%run_scoped3A, %dma_wait3A_113] : memref<1x16xi32, #tpu.memory_space<vmem>> -> memref<1x16xi32, #tpu.memory_space<vmem>>
      %dma_wait3A_115 = tpu.memref_squeeze %dma_wait3A_114 : memref<1x16xi32, #tpu.memory_space<vmem>> -> memref<16xi32, #tpu.memory_space<vmem>>
      %dma_wait3A_116 = tpu.memref_slice %arg3[%add3A_61] : memref<320000xi32, #tpu.memory_space<hbm>> -> memref<16xi32, #tpu.memory_space<hbm>>
      %dma_wait3A_117 = arith.constant 0 : i32
      %dma_wait3A_118 = tpu.memref_slice %arg10[%run_scoped3A, %dma_wait3A_117] : memref<1x16xi32, #tpu.memory_space<vmem>> -> memref<1x16xi32, #tpu.memory_space<vmem>>
      %dma_wait3A_119 = tpu.memref_squeeze %dma_wait3A_118 : memref<1x16xi32, #tpu.memory_space<vmem>> -> memref<16xi32, #tpu.memory_space<vmem>>
      %dma_wait3A_120 = tpu.memref_slice %arg3[%add3A_61] : memref<320000xi32, #tpu.memory_space<hbm>> -> memref<16xi32, #tpu.memory_space<hbm>>
      tpu.wait_dma2 semaphore(%run_scoped3A_104 : memref<!tpu.dma_semaphore, #tpu.memory_space<semaphore_mem>>) src(%dma_wait3A_120 : memref<16xi32, #tpu.memory_space<hbm>>) dst(%dma_wait3A_119 : memref<16xi32, #tpu.memory_space<vmem>>)
      tpu.yield
    }) : () -> ()
    "tpu.region"() ({
      %run_scoped3A_104 = tpu.sem_alloc : memref<!tpu.dma_semaphore, #tpu.memory_space<semaphore_mem>>
      %dma_start3A_105 = arith.constant 0 : i32
      %dma_start3A_106 = tpu.memref_slice %arg2[%add3A_61, %dma_start3A_105] : memref<320000x128xf32, #tpu.memory_space<hbm>> -> memref<16x128xf32, #tpu.memory_space<hbm>>
      %dma_start3A_107 = arith.constant 0 : i32
      %dma_start3A_108 = tpu.memref_slice %arg2[%add3A_61, %dma_start3A_107] : memref<320000x128xf32, #tpu.memory_space<hbm>> -> memref<16x128xf32, #tpu.memory_space<hbm>>
      tpu.enqueue_dma source(%dma_start3A_108 : memref<16x128xf32, #tpu.memory_space<hbm>>) target(%arg9 : memref<16x128xf32, #tpu.memory_space<vmem>>) target_semaphore(%run_scoped3A_104 : memref<!tpu.dma_semaphore, #tpu.memory_space<semaphore_mem>>)
      %dma_wait3A_109 = arith.constant 0 : i32
      %dma_wait3A_110 = tpu.memref_slice %arg2[%add3A_61, %dma_wait3A_109] : memref<320000x128xf32, #tpu.memory_space<hbm>> -> memref<16x128xf32, #tpu.memory_space<hbm>>
      %dma_wait3A_111 = arith.constant 0 : i32
      %dma_wait3A_112 = tpu.memref_slice %arg2[%add3A_61, %dma_wait3A_111] : memref<320000x128xf32, #tpu.memory_space<hbm>> -> memref<16x128xf32, #tpu.memory_space<hbm>>
      tpu.wait_dma2 semaphore(%run_scoped3A_104 : memref<!tpu.dma_semaphore, #tpu.memory_space<semaphore_mem>>) src(%dma_wait3A_112 : memref<16x128xf32, #tpu.memory_space<hbm>>) dst(%arg9 : memref<16x128xf32, #tpu.memory_space<vmem>>)
      tpu.yield
    }) : () -> ()
    %run_scoped3A_62 = arith.constant 0 : i32
    "tpu.region"() ({
      %run_scoped3A_104 = tpu.sem_alloc : memref<!tpu.dma_semaphore, #tpu.memory_space<semaphore_mem>>
      %dma_start3A_105 = arith.constant 0 : i32
      %dma_start3A_106 = tpu.memref_slice %arg10[%run_scoped3A_62, %dma_start3A_105] : memref<1x16xi32, #tpu.memory_space<vmem>> -> memref<1x16xi32, #tpu.memory_space<vmem>>
      %dma_start3A_107 = tpu.memref_squeeze %dma_start3A_106 : memref<1x16xi32, #tpu.memory_space<vmem>> -> memref<16xi32, #tpu.memory_space<vmem>>
      %dma_start3A_108 = arith.constant 0 : i32
      %dma_start3A_109 = arith.constant 0 : i32
      %dma_start3A_110 = tpu.memref_slice %arg12[%dma_start3A_108, %dma_start3A_109] : memref<10112x128xf32, #tpu.memory_space<vmem_shared>> -> memref<10112x128xf32, #tpu.memory_space<vmem_shared>>
      tpu.enqueue_indirect_dma source(%arg9 : memref<16x128xf32, #tpu.memory_space<vmem>>) target(%dma_start3A_110 : memref<10112x128xf32, #tpu.memory_space<vmem_shared>>) offsets(%dma_start3A_107 : memref<16xi32, #tpu.memory_space<vmem>>) semaphore(%run_scoped3A_104 : memref<!tpu.dma_semaphore, #tpu.memory_space<semaphore_mem>>) {add = true}
      %dma_wait3A_111 = arith.constant 0 : i32
      %dma_wait3A_112 = tpu.memref_slice %arg10[%run_scoped3A_62, %dma_wait3A_111] : memref<1x16xi32, #tpu.memory_space<vmem>> -> memref<1x16xi32, #tpu.memory_space<vmem>>
      %dma_wait3A_113 = tpu.memref_squeeze %dma_wait3A_112 : memref<1x16xi32, #tpu.memory_space<vmem>> -> memref<16xi32, #tpu.memory_space<vmem>>
      %dma_wait3A_114 = arith.constant 0 : i32
      %dma_wait3A_115 = arith.constant 0 : i32
      %dma_wait3A_116 = tpu.memref_slice %arg12[%dma_wait3A_114, %dma_wait3A_115] : memref<10112x128xf32, #tpu.memory_space<vmem_shared>> -> memref<10112x128xf32, #tpu.memory_space<vmem_shared>>
      tpu.wait_indirect_dma semaphore(%run_scoped3A_104 : memref<!tpu.dma_semaphore, #tpu.memory_space<semaphore_mem>>) src(%arg9 : memref<16x128xf32, #tpu.memory_space<vmem>>) dst(%dma_wait3A_116 : memref<10112x128xf32, #tpu.memory_space<vmem_shared>>)
      tpu.yield
    }) : () -> ()
    %barrier3A_63 = arith.constant 0 : index
    tpu.barrier barrier_id(%barrier3A_63)
    %add3A_64 = arith.constant 0 : i32
    %add3A_65 = arith.addi %mul3A_7, %add3A_64 : i32
    "tpu.region"() ({
      %run_scoped3A_104 = tpu.sem_alloc : memref<!tpu.dma_semaphore, #tpu.memory_space<semaphore_mem>>
      %dma_start3A_105 = arith.constant 0 : i32
      %dma_start3A_106 = arith.constant 0 : i32
      %dma_start3A_107 = tpu.memref_slice %arg11[%dma_start3A_105, %dma_start3A_106] : memref<64x128xf32, #tpu.memory_space<vmem>> -> memref<64x128xf32, #tpu.memory_space<vmem>>
      %dma_start3A_108 = arith.constant 0 : i32
      %dma_start3A_109 = tpu.memref_slice %arg12[%add3A_65, %dma_start3A_108] : memref<10112x128xf32, #tpu.memory_space<vmem_shared>> -> memref<64x128xf32, #tpu.memory_space<vmem_shared>>
      %dma_start3A_110 = arith.constant 0 : i32
      %dma_start3A_111 = arith.constant 0 : i32
      %dma_start3A_112 = tpu.memref_slice %arg11[%dma_start3A_110, %dma_start3A_111] : memref<64x128xf32, #tpu.memory_space<vmem>> -> memref<64x128xf32, #tpu.memory_space<vmem>>
      %dma_start3A_113 = arith.constant 0 : i32
      %dma_start3A_114 = tpu.memref_slice %arg12[%add3A_65, %dma_start3A_113] : memref<10112x128xf32, #tpu.memory_space<vmem_shared>> -> memref<64x128xf32, #tpu.memory_space<vmem_shared>>
      tpu.enqueue_dma source(%dma_start3A_114 : memref<64x128xf32, #tpu.memory_space<vmem_shared>>) target(%dma_start3A_112 : memref<64x128xf32, #tpu.memory_space<vmem>>) target_semaphore(%run_scoped3A_104 : memref<!tpu.dma_semaphore, #tpu.memory_space<semaphore_mem>>)
      %dma_wait3A_115 = arith.constant 0 : i32
      %dma_wait3A_116 = arith.constant 0 : i32
      %dma_wait3A_117 = tpu.memref_slice %arg11[%dma_wait3A_115, %dma_wait3A_116] : memref<64x128xf32, #tpu.memory_space<vmem>> -> memref<64x128xf32, #tpu.memory_space<vmem>>
      %dma_wait3A_118 = arith.constant 0 : i32
      %dma_wait3A_119 = tpu.memref_slice %arg12[%add3A_65, %dma_wait3A_118] : memref<10112x128xf32, #tpu.memory_space<vmem_shared>> -> memref<64x128xf32, #tpu.memory_space<vmem_shared>>
      %dma_wait3A_120 = arith.constant 0 : i32
      %dma_wait3A_121 = arith.constant 0 : i32
      %dma_wait3A_122 = tpu.memref_slice %arg11[%dma_wait3A_120, %dma_wait3A_121] : memref<64x128xf32, #tpu.memory_space<vmem>> -> memref<64x128xf32, #tpu.memory_space<vmem>>
      %dma_wait3A_123 = arith.constant 0 : i32
      %dma_wait3A_124 = tpu.memref_slice %arg12[%add3A_65, %dma_wait3A_123] : memref<10112x128xf32, #tpu.memory_space<vmem_shared>> -> memref<64x128xf32, #tpu.memory_space<vmem_shared>>
      tpu.wait_dma2 semaphore(%run_scoped3A_104 : memref<!tpu.dma_semaphore, #tpu.memory_space<semaphore_mem>>) src(%dma_wait3A_124 : memref<64x128xf32, #tpu.memory_space<vmem_shared>>) dst(%dma_wait3A_122 : memref<64x128xf32, #tpu.memory_space<vmem>>)
      tpu.yield
    }) : () -> ()
    %add3A_66 = arith.constant 0 : i32
    %add3A_67 = arith.addi %mul3A_7, %add3A_66 : i32
    "tpu.region"() ({
      %run_scoped3A_104 = tpu.sem_alloc : memref<!tpu.dma_semaphore, #tpu.memory_space<semaphore_mem>>
      %dma_start3A_105 = arith.constant 0 : i32
      %dma_start3A_106 = arith.constant 0 : i32
      %dma_start3A_107 = tpu.memref_slice %arg11[%dma_start3A_105, %dma_start3A_106] : memref<64x128xf32, #tpu.memory_space<vmem>> -> memref<64x128xf32, #tpu.memory_space<vmem>>
      %dma_start3A_108 = arith.constant 0 : i32
      %dma_start3A_109 = tpu.memref_slice %arg4[%arg0, %add3A_67, %dma_start3A_108] : memref<2x10112x128xf32, #tpu.memory_space<hbm>> -> memref<1x64x128xf32, #tpu.memory_space<hbm>>
      %dma_start3A_110 = tpu.memref_squeeze %dma_start3A_109 : memref<1x64x128xf32, #tpu.memory_space<hbm>> -> memref<64x128xf32, #tpu.memory_space<hbm>>
      %dma_start3A_111 = arith.constant 0 : i32
      %dma_start3A_112 = tpu.memref_slice %arg4[%arg0, %add3A_67, %dma_start3A_111] : memref<2x10112x128xf32, #tpu.memory_space<hbm>> -> memref<1x64x128xf32, #tpu.memory_space<hbm>>
      %dma_start3A_113 = tpu.memref_squeeze %dma_start3A_112 : memref<1x64x128xf32, #tpu.memory_space<hbm>> -> memref<64x128xf32, #tpu.memory_space<hbm>>
      %dma_start3A_114 = arith.constant 0 : i32
      %dma_start3A_115 = arith.constant 0 : i32
      %dma_start3A_116 = tpu.memref_slice %arg11[%dma_start3A_114, %dma_start3A_115] : memref<64x128xf32, #tpu.memory_space<vmem>> -> memref<64x128xf32, #tpu.memory_space<vmem>>
      tpu.enqueue_dma source(%dma_start3A_116 : memref<64x128xf32, #tpu.memory_space<vmem>>) target(%dma_start3A_113 : memref<64x128xf32, #tpu.memory_space<hbm>>) target_semaphore(%run_scoped3A_104 : memref<!tpu.dma_semaphore, #tpu.memory_space<semaphore_mem>>)
      %dma_wait3A_117 = arith.constant 0 : i32
      %dma_wait3A_118 = arith.constant 0 : i32
      %dma_wait3A_119 = tpu.memref_slice %arg11[%dma_wait3A_117, %dma_wait3A_118] : memref<64x128xf32, #tpu.memory_space<vmem>> -> memref<64x128xf32, #tpu.memory_space<vmem>>
      %dma_wait3A_120 = arith.constant 0 : i32
      %dma_wait3A_121 = tpu.memref_slice %arg4[%arg0, %add3A_67, %dma_wait3A_120] : memref<2x10112x128xf32, #tpu.memory_space<hbm>> -> memref<1x64x128xf32, #tpu.memory_space<hbm>>
      %dma_wait3A_122 = tpu.memref_squeeze %dma_wait3A_121 : memref<1x64x128xf32, #tpu.memory_space<hbm>> -> memref<64x128xf32, #tpu.memory_space<hbm>>
      %dma_wait3A_123 = arith.constant 0 : i32
      %dma_wait3A_124 = tpu.memref_slice %arg4[%arg0, %add3A_67, %dma_wait3A_123] : memref<2x10112x128xf32, #tpu.memory_space<hbm>> -> memref<1x64x128xf32, #tpu.memory_space<hbm>>
      %dma_wait3A_125 = tpu.memref_squeeze %dma_wait3A_124 : memref<1x64x128xf32, #tpu.memory_space<hbm>> -> memref<64x128xf32, #tpu.memory_space<hbm>>
      %dma_wait3A_126 = arith.constant 0 : i32
      %dma_wait3A_127 = arith.constant 0 : i32
      %dma_wait3A_128 = tpu.memref_slice %arg11[%dma_wait3A_126, %dma_wait3A_127] : memref<64x128xf32, #tpu.memory_space<vmem>> -> memref<64x128xf32, #tpu.memory_space<vmem>>
      tpu.wait_dma2 semaphore(%run_scoped3A_104 : memref<!tpu.dma_semaphore, #tpu.memory_space<semaphore_mem>>) src(%dma_wait3A_128 : memref<64x128xf32, #tpu.memory_space<vmem>>) dst(%dma_wait3A_125 : memref<64x128xf32, #tpu.memory_space<hbm>>)
      tpu.yield
    }) : () -> ()
    %add3A_68 = arith.constant 64 : i32
    %add3A_69 = arith.addi %mul3A_7, %add3A_68 : i32
    "tpu.region"() ({
      %run_scoped3A_104 = tpu.sem_alloc : memref<!tpu.dma_semaphore, #tpu.memory_space<semaphore_mem>>
      %dma_start3A_105 = arith.constant 0 : i32
      %dma_start3A_106 = arith.constant 0 : i32
      %dma_start3A_107 = tpu.memref_slice %arg11[%dma_start3A_105, %dma_start3A_106] : memref<64x128xf32, #tpu.memory_space<vmem>> -> memref<64x128xf32, #tpu.memory_space<vmem>>
      %dma_start3A_108 = arith.constant 0 : i32
      %dma_start3A_109 = tpu.memref_slice %arg12[%add3A_69, %dma_start3A_108] : memref<10112x128xf32, #tpu.memory_space<vmem_shared>> -> memref<64x128xf32, #tpu.memory_space<vmem_shared>>
      %dma_start3A_110 = arith.constant 0 : i32
      %dma_start3A_111 = arith.constant 0 : i32
      %dma_start3A_112 = tpu.memref_slice %arg11[%dma_start3A_110, %dma_start3A_111] : memref<64x128xf32, #tpu.memory_space<vmem>> -> memref<64x128xf32, #tpu.memory_space<vmem>>
      %dma_start3A_113 = arith.constant 0 : i32
      %dma_start3A_114 = tpu.memref_slice %arg12[%add3A_69, %dma_start3A_113] : memref<10112x128xf32, #tpu.memory_space<vmem_shared>> -> memref<64x128xf32, #tpu.memory_space<vmem_shared>>
      tpu.enqueue_dma source(%dma_start3A_114 : memref<64x128xf32, #tpu.memory_space<vmem_shared>>) target(%dma_start3A_112 : memref<64x128xf32, #tpu.memory_space<vmem>>) target_semaphore(%run_scoped3A_104 : memref<!tpu.dma_semaphore, #tpu.memory_space<semaphore_mem>>)
      %dma_wait3A_115 = arith.constant 0 : i32
      %dma_wait3A_116 = arith.constant 0 : i32
      %dma_wait3A_117 = tpu.memref_slice %arg11[%dma_wait3A_115, %dma_wait3A_116] : memref<64x128xf32, #tpu.memory_space<vmem>> -> memref<64x128xf32, #tpu.memory_space<vmem>>
      %dma_wait3A_118 = arith.constant 0 : i32
      %dma_wait3A_119 = tpu.memref_slice %arg12[%add3A_69, %dma_wait3A_118] : memref<10112x128xf32, #tpu.memory_space<vmem_shared>> -> memref<64x128xf32, #tpu.memory_space<vmem_shared>>
      %dma_wait3A_120 = arith.constant 0 : i32
      %dma_wait3A_121 = arith.constant 0 : i32
      %dma_wait3A_122 = tpu.memref_slice %arg11[%dma_wait3A_120, %dma_wait3A_121] : memref<64x128xf32, #tpu.memory_space<vmem>> -> memref<64x128xf32, #tpu.memory_space<vmem>>
      %dma_wait3A_123 = arith.constant 0 : i32
      %dma_wait3A_124 = tpu.memref_slice %arg12[%add3A_69, %dma_wait3A_123] : memref<10112x128xf32, #tpu.memory_space<vmem_shared>> -> memref<64x128xf32, #tpu.memory_space<vmem_shared>>
      tpu.wait_dma2 semaphore(%run_scoped3A_104 : memref<!tpu.dma_semaphore, #tpu.memory_space<semaphore_mem>>) src(%dma_wait3A_124 : memref<64x128xf32, #tpu.memory_space<vmem_shared>>) dst(%dma_wait3A_122 : memref<64x128xf32, #tpu.memory_space<vmem>>)
      tpu.yield
    }) : () -> ()
    %add3A_70 = arith.constant 64 : i32
    %add3A_71 = arith.addi %mul3A_7, %add3A_70 : i32
    "tpu.region"() ({
      %run_scoped3A_104 = tpu.sem_alloc : memref<!tpu.dma_semaphore, #tpu.memory_space<semaphore_mem>>
      %dma_start3A_105 = arith.constant 0 : i32
      %dma_start3A_106 = arith.constant 0 : i32
      %dma_start3A_107 = tpu.memref_slice %arg11[%dma_start3A_105, %dma_start3A_106] : memref<64x128xf32, #tpu.memory_space<vmem>> -> memref<64x128xf32, #tpu.memory_space<vmem>>
      %dma_start3A_108 = arith.constant 0 : i32
      %dma_start3A_109 = tpu.memref_slice %arg4[%arg0, %add3A_71, %dma_start3A_108] : memref<2x10112x128xf32, #tpu.memory_space<hbm>> -> memref<1x64x128xf32, #tpu.memory_space<hbm>>
      %dma_start3A_110 = tpu.memref_squeeze %dma_start3A_109 : memref<1x64x128xf32, #tpu.memory_space<hbm>> -> memref<64x128xf32, #tpu.memory_space<hbm>>
      %dma_start3A_111 = arith.constant 0 : i32
      %dma_start3A_112 = tpu.memref_slice %arg4[%arg0, %add3A_71, %dma_start3A_111] : memref<2x10112x128xf32, #tpu.memory_space<hbm>> -> memref<1x64x128xf32, #tpu.memory_space<hbm>>
      %dma_start3A_113 = tpu.memref_squeeze %dma_start3A_112 : memref<1x64x128xf32, #tpu.memory_space<hbm>> -> memref<64x128xf32, #tpu.memory_space<hbm>>
      %dma_start3A_114 = arith.constant 0 : i32
      %dma_start3A_115 = arith.constant 0 : i32
      %dma_start3A_116 = tpu.memref_slice %arg11[%dma_start3A_114, %dma_start3A_115] : memref<64x128xf32, #tpu.memory_space<vmem>> -> memref<64x128xf32, #tpu.memory_space<vmem>>
      tpu.enqueue_dma source(%dma_start3A_116 : memref<64x128xf32, #tpu.memory_space<vmem>>) target(%dma_start3A_113 : memref<64x128xf32, #tpu.memory_space<hbm>>) target_semaphore(%run_scoped3A_104 : memref<!tpu.dma_semaphore, #tpu.memory_space<semaphore_mem>>)
      %dma_wait3A_117 = arith.constant 0 : i32
      %dma_wait3A_118 = arith.constant 0 : i32
      %dma_wait3A_119 = tpu.memref_slice %arg11[%dma_wait3A_117, %dma_wait3A_118] : memref<64x128xf32, #tpu.memory_space<vmem>> -> memref<64x128xf32, #tpu.memory_space<vmem>>
      %dma_wait3A_120 = arith.constant 0 : i32
      %dma_wait3A_121 = tpu.memref_slice %arg4[%arg0, %add3A_71, %dma_wait3A_120] : memref<2x10112x128xf32, #tpu.memory_space<hbm>> -> memref<1x64x128xf32, #tpu.memory_space<hbm>>
      %dma_wait3A_122 = tpu.memref_squeeze %dma_wait3A_121 : memref<1x64x128xf32, #tpu.memory_space<hbm>> -> memref<64x128xf32, #tpu.memory_space<hbm>>
      %dma_wait3A_123 = arith.constant 0 : i32
      %dma_wait3A_124 = tpu.memref_slice %arg4[%arg0, %add3A_71, %dma_wait3A_123] : memref<2x10112x128xf32, #tpu.memory_space<hbm>> -> memref<1x64x128xf32, #tpu.memory_space<hbm>>
      %dma_wait3A_125 = tpu.memref_squeeze %dma_wait3A_124 : memref<1x64x128xf32, #tpu.memory_space<hbm>> -> memref<64x128xf32, #tpu.memory_space<hbm>>
      %dma_wait3A_126 = arith.constant 0 : i32
      %dma_wait3A_127 = arith.constant 0 : i32
      %dma_wait3A_128 = tpu.memref_slice %arg11[%dma_wait3A_126, %dma_wait3A_127] : memref<64x128xf32, #tpu.memory_space<vmem>> -> memref<64x128xf32, #tpu.memory_space<vmem>>
      tpu.wait_dma2 semaphore(%run_scoped3A_104 : memref<!tpu.dma_semaphore, #tpu.memory_space<semaphore_mem>>) src(%dma_wait3A_128 : memref<64x128xf32, #tpu.memory_space<vmem>>) dst(%dma_wait3A_125 : memref<64x128xf32, #tpu.memory_space<hbm>>)
      tpu.yield
    }) : () -> ()
    %add3A_72 = arith.constant 128 : i32
    %add3A_73 = arith.addi %mul3A_7, %add3A_72 : i32
    "tpu.region"() ({
      %run_scoped3A_104 = tpu.sem_alloc : memref<!tpu.dma_semaphore, #tpu.memory_space<semaphore_mem>>
      %dma_start3A_105 = arith.constant 0 : i32
      %dma_start3A_106 = arith.constant 0 : i32
      %dma_start3A_107 = tpu.memref_slice %arg11[%dma_start3A_105, %dma_start3A_106] : memref<64x128xf32, #tpu.memory_space<vmem>> -> memref<64x128xf32, #tpu.memory_space<vmem>>
      %dma_start3A_108 = arith.constant 0 : i32
      %dma_start3A_109 = tpu.memref_slice %arg12[%add3A_73, %dma_start3A_108] : memref<10112x128xf32, #tpu.memory_space<vmem_shared>> -> memref<64x128xf32, #tpu.memory_space<vmem_shared>>
      %dma_start3A_110 = arith.constant 0 : i32
      %dma_start3A_111 = arith.constant 0 : i32
      %dma_start3A_112 = tpu.memref_slice %arg11[%dma_start3A_110, %dma_start3A_111] : memref<64x128xf32, #tpu.memory_space<vmem>> -> memref<64x128xf32, #tpu.memory_space<vmem>>
      %dma_start3A_113 = arith.constant 0 : i32
      %dma_start3A_114 = tpu.memref_slice %arg12[%add3A_73, %dma_start3A_113] : memref<10112x128xf32, #tpu.memory_space<vmem_shared>> -> memref<64x128xf32, #tpu.memory_space<vmem_shared>>
      tpu.enqueue_dma source(%dma_start3A_114 : memref<64x128xf32, #tpu.memory_space<vmem_shared>>) target(%dma_start3A_112 : memref<64x128xf32, #tpu.memory_space<vmem>>) target_semaphore(%run_scoped3A_104 : memref<!tpu.dma_semaphore, #tpu.memory_space<semaphore_mem>>)
      %dma_wait3A_115 = arith.constant 0 : i32
      %dma_wait3A_116 = arith.constant 0 : i32
      %dma_wait3A_117 = tpu.memref_slice %arg11[%dma_wait3A_115, %dma_wait3A_116] : memref<64x128xf32, #tpu.memory_space<vmem>> -> memref<64x128xf32, #tpu.memory_space<vmem>>
      %dma_wait3A_118 = arith.constant 0 : i32
      %dma_wait3A_119 = tpu.memref_slice %arg12[%add3A_73, %dma_wait3A_118] : memref<10112x128xf32, #tpu.memory_space<vmem_shared>> -> memref<64x128xf32, #tpu.memory_space<vmem_shared>>
      %dma_wait3A_120 = arith.constant 0 : i32
      %dma_wait3A_121 = arith.constant 0 : i32
      %dma_wait3A_122 = tpu.memref_slice %arg11[%dma_wait3A_120, %dma_wait3A_121] : memref<64x128xf32, #tpu.memory_space<vmem>> -> memref<64x128xf32, #tpu.memory_space<vmem>>
      %dma_wait3A_123 = arith.constant 0 : i32
      %dma_wait3A_124 = tpu.memref_slice %arg12[%add3A_73, %dma_wait3A_123] : memref<10112x128xf32, #tpu.memory_space<vmem_shared>> -> memref<64x128xf32, #tpu.memory_space<vmem_shared>>
      tpu.wait_dma2 semaphore(%run_scoped3A_104 : memref<!tpu.dma_semaphore, #tpu.memory_space<semaphore_mem>>) src(%dma_wait3A_124 : memref<64x128xf32, #tpu.memory_space<vmem_shared>>) dst(%dma_wait3A_122 : memref<64x128xf32, #tpu.memory_space<vmem>>)
      tpu.yield
    }) : () -> ()
    %add3A_74 = arith.constant 128 : i32
    %add3A_75 = arith.addi %mul3A_7, %add3A_74 : i32
    "tpu.region"() ({
      %run_scoped3A_104 = tpu.sem_alloc : memref<!tpu.dma_semaphore, #tpu.memory_space<semaphore_mem>>
      %dma_start3A_105 = arith.constant 0 : i32
      %dma_start3A_106 = arith.constant 0 : i32
      %dma_start3A_107 = tpu.memref_slice %arg11[%dma_start3A_105, %dma_start3A_106] : memref<64x128xf32, #tpu.memory_space<vmem>> -> memref<64x128xf32, #tpu.memory_space<vmem>>
      %dma_start3A_108 = arith.constant 0 : i32
      %dma_start3A_109 = tpu.memref_slice %arg4[%arg0, %add3A_75, %dma_start3A_108] : memref<2x10112x128xf32, #tpu.memory_space<hbm>> -> memref<1x64x128xf32, #tpu.memory_space<hbm>>
      %dma_start3A_110 = tpu.memref_squeeze %dma_start3A_109 : memref<1x64x128xf32, #tpu.memory_space<hbm>> -> memref<64x128xf32, #tpu.memory_space<hbm>>
      %dma_start3A_111 = arith.constant 0 : i32
      %dma_start3A_112 = tpu.memref_slice %arg4[%arg0, %add3A_75, %dma_start3A_111] : memref<2x10112x128xf32, #tpu.memory_space<hbm>> -> memref<1x64x128xf32, #tpu.memory_space<hbm>>
      %dma_start3A_113 = tpu.memref_squeeze %dma_start3A_112 : memref<1x64x128xf32, #tpu.memory_space<hbm>> -> memref<64x128xf32, #tpu.memory_space<hbm>>
      %dma_start3A_114 = arith.constant 0 : i32
      %dma_start3A_115 = arith.constant 0 : i32
      %dma_start3A_116 = tpu.memref_slice %arg11[%dma_start3A_114, %dma_start3A_115] : memref<64x128xf32, #tpu.memory_space<vmem>> -> memref<64x128xf32, #tpu.memory_space<vmem>>
      tpu.enqueue_dma source(%dma_start3A_116 : memref<64x128xf32, #tpu.memory_space<vmem>>) target(%dma_start3A_113 : memref<64x128xf32, #tpu.memory_space<hbm>>) target_semaphore(%run_scoped3A_104 : memref<!tpu.dma_semaphore, #tpu.memory_space<semaphore_mem>>)
      %dma_wait3A_117 = arith.constant 0 : i32
      %dma_wait3A_118 = arith.constant 0 : i32
      %dma_wait3A_119 = tpu.memref_slice %arg11[%dma_wait3A_117, %dma_wait3A_118] : memref<64x128xf32, #tpu.memory_space<vmem>> -> memref<64x128xf32, #tpu.memory_space<vmem>>
      %dma_wait3A_120 = arith.constant 0 : i32
      %dma_wait3A_121 = tpu.memref_slice %arg4[%arg0, %add3A_75, %dma_wait3A_120] : memref<2x10112x128xf32, #tpu.memory_space<hbm>> -> memref<1x64x128xf32, #tpu.memory_space<hbm>>
      %dma_wait3A_122 = tpu.memref_squeeze %dma_wait3A_121 : memref<1x64x128xf32, #tpu.memory_space<hbm>> -> memref<64x128xf32, #tpu.memory_space<hbm>>
      %dma_wait3A_123 = arith.constant 0 : i32
      %dma_wait3A_124 = tpu.memref_slice %arg4[%arg0, %add3A_75, %dma_wait3A_123] : memref<2x10112x128xf32, #tpu.memory_space<hbm>> -> memref<1x64x128xf32, #tpu.memory_space<hbm>>
      %dma_wait3A_125 = tpu.memref_squeeze %dma_wait3A_124 : memref<1x64x128xf32, #tpu.memory_space<hbm>> -> memref<64x128xf32, #tpu.memory_space<hbm>>
      %dma_wait3A_126 = arith.constant 0 : i32
      %dma_wait3A_127 = arith.constant 0 : i32
      %dma_wait3A_128 = tpu.memref_slice %arg11[%dma_wait3A_126, %dma_wait3A_127] : memref<64x128xf32, #tpu.memory_space<vmem>> -> memref<64x128xf32, #tpu.memory_space<vmem>>
      tpu.wait_dma2 semaphore(%run_scoped3A_104 : memref<!tpu.dma_semaphore, #tpu.memory_space<semaphore_mem>>) src(%dma_wait3A_128 : memref<64x128xf32, #tpu.memory_space<vmem>>) dst(%dma_wait3A_125 : memref<64x128xf32, #tpu.memory_space<hbm>>)
      tpu.yield
    }) : () -> ()
    %add3A_76 = arith.constant 192 : i32
    %add3A_77 = arith.addi %mul3A_7, %add3A_76 : i32
    "tpu.region"() ({
      %run_scoped3A_104 = tpu.sem_alloc : memref<!tpu.dma_semaphore, #tpu.memory_space<semaphore_mem>>
      %dma_start3A_105 = arith.constant 0 : i32
      %dma_start3A_106 = arith.constant 0 : i32
      %dma_start3A_107 = tpu.memref_slice %arg11[%dma_start3A_105, %dma_start3A_106] : memref<64x128xf32, #tpu.memory_space<vmem>> -> memref<64x128xf32, #tpu.memory_space<vmem>>
      %dma_start3A_108 = arith.constant 0 : i32
      %dma_start3A_109 = tpu.memref_slice %arg12[%add3A_77, %dma_start3A_108] : memref<10112x128xf32, #tpu.memory_space<vmem_shared>> -> memref<64x128xf32, #tpu.memory_space<vmem_shared>>
      %dma_start3A_110 = arith.constant 0 : i32
      %dma_start3A_111 = arith.constant 0 : i32
      %dma_start3A_112 = tpu.memref_slice %arg11[%dma_start3A_110, %dma_start3A_111] : memref<64x128xf32, #tpu.memory_space<vmem>> -> memref<64x128xf32, #tpu.memory_space<vmem>>
      %dma_start3A_113 = arith.constant 0 : i32
      %dma_start3A_114 = tpu.memref_slice %arg12[%add3A_77, %dma_start3A_113] : memref<10112x128xf32, #tpu.memory_space<vmem_shared>> -> memref<64x128xf32, #tpu.memory_space<vmem_shared>>
      tpu.enqueue_dma source(%dma_start3A_114 : memref<64x128xf32, #tpu.memory_space<vmem_shared>>) target(%dma_start3A_112 : memref<64x128xf32, #tpu.memory_space<vmem>>) target_semaphore(%run_scoped3A_104 : memref<!tpu.dma_semaphore, #tpu.memory_space<semaphore_mem>>)
      %dma_wait3A_115 = arith.constant 0 : i32
      %dma_wait3A_116 = arith.constant 0 : i32
      %dma_wait3A_117 = tpu.memref_slice %arg11[%dma_wait3A_115, %dma_wait3A_116] : memref<64x128xf32, #tpu.memory_space<vmem>> -> memref<64x128xf32, #tpu.memory_space<vmem>>
      %dma_wait3A_118 = arith.constant 0 : i32
      %dma_wait3A_119 = tpu.memref_slice %arg12[%add3A_77, %dma_wait3A_118] : memref<10112x128xf32, #tpu.memory_space<vmem_shared>> -> memref<64x128xf32, #tpu.memory_space<vmem_shared>>
      %dma_wait3A_120 = arith.constant 0 : i32
      %dma_wait3A_121 = arith.constant 0 : i32
      %dma_wait3A_122 = tpu.memref_slice %arg11[%dma_wait3A_120, %dma_wait3A_121] : memref<64x128xf32, #tpu.memory_space<vmem>> -> memref<64x128xf32, #tpu.memory_space<vmem>>
      %dma_wait3A_123 = arith.constant 0 : i32
      %dma_wait3A_124 = tpu.memref_slice %arg12[%add3A_77, %dma_wait3A_123] : memref<10112x128xf32, #tpu.memory_space<vmem_shared>> -> memref<64x128xf32, #tpu.memory_space<vmem_shared>>
      tpu.wait_dma2 semaphore(%run_scoped3A_104 : memref<!tpu.dma_semaphore, #tpu.memory_space<semaphore_mem>>) src(%dma_wait3A_124 : memref<64x128xf32, #tpu.memory_space<vmem_shared>>) dst(%dma_wait3A_122 : memref<64x128xf32, #tpu.memory_space<vmem>>)
      tpu.yield
    }) : () -> ()
    %add3A_78 = arith.constant 192 : i32
    %add3A_79 = arith.addi %mul3A_7, %add3A_78 : i32
    "tpu.region"() ({
      %run_scoped3A_104 = tpu.sem_alloc : memref<!tpu.dma_semaphore, #tpu.memory_space<semaphore_mem>>
      %dma_start3A_105 = arith.constant 0 : i32
      %dma_start3A_106 = arith.constant 0 : i32
      %dma_start3A_107 = tpu.memref_slice %arg11[%dma_start3A_105, %dma_start3A_106] : memref<64x128xf32, #tpu.memory_space<vmem>> -> memref<64x128xf32, #tpu.memory_space<vmem>>
      %dma_start3A_108 = arith.constant 0 : i32
      %dma_start3A_109 = tpu.memref_slice %arg4[%arg0, %add3A_79, %dma_start3A_108] : memref<2x10112x128xf32, #tpu.memory_space<hbm>> -> memref<1x64x128xf32, #tpu.memory_space<hbm>>
      %dma_start3A_110 = tpu.memref_squeeze %dma_start3A_109 : memref<1x64x128xf32, #tpu.memory_space<hbm>> -> memref<64x128xf32, #tpu.memory_space<hbm>>
      %dma_start3A_111 = arith.constant 0 : i32
      %dma_start3A_112 = tpu.memref_slice %arg4[%arg0, %add3A_79, %dma_start3A_111] : memref<2x10112x128xf32, #tpu.memory_space<hbm>> -> memref<1x64x128xf32, #tpu.memory_space<hbm>>
      %dma_start3A_113 = tpu.memref_squeeze %dma_start3A_112 : memref<1x64x128xf32, #tpu.memory_space<hbm>> -> memref<64x128xf32, #tpu.memory_space<hbm>>
      %dma_start3A_114 = arith.constant 0 : i32
      %dma_start3A_115 = arith.constant 0 : i32
      %dma_start3A_116 = tpu.memref_slice %arg11[%dma_start3A_114, %dma_start3A_115] : memref<64x128xf32, #tpu.memory_space<vmem>> -> memref<64x128xf32, #tpu.memory_space<vmem>>
      tpu.enqueue_dma source(%dma_start3A_116 : memref<64x128xf32, #tpu.memory_space<vmem>>) target(%dma_start3A_113 : memref<64x128xf32, #tpu.memory_space<hbm>>) target_semaphore(%run_scoped3A_104 : memref<!tpu.dma_semaphore, #tpu.memory_space<semaphore_mem>>)
      %dma_wait3A_117 = arith.constant 0 : i32
      %dma_wait3A_118 = arith.constant 0 : i32
      %dma_wait3A_119 = tpu.memref_slice %arg11[%dma_wait3A_117, %dma_wait3A_118] : memref<64x128xf32, #tpu.memory_space<vmem>> -> memref<64x128xf32, #tpu.memory_space<vmem>>
      %dma_wait3A_120 = arith.constant 0 : i32
      %dma_wait3A_121 = tpu.memref_slice %arg4[%arg0, %add3A_79, %dma_wait3A_120] : memref<2x10112x128xf32, #tpu.memory_space<hbm>> -> memref<1x64x128xf32, #tpu.memory_space<hbm>>
      %dma_wait3A_122 = tpu.memref_squeeze %dma_wait3A_121 : memref<1x64x128xf32, #tpu.memory_space<hbm>> -> memref<64x128xf32, #tpu.memory_space<hbm>>
      %dma_wait3A_123 = arith.constant 0 : i32
      %dma_wait3A_124 = tpu.memref_slice %arg4[%arg0, %add3A_79, %dma_wait3A_123] : memref<2x10112x128xf32, #tpu.memory_space<hbm>> -> memref<1x64x128xf32, #tpu.memory_space<hbm>>
      %dma_wait3A_125 = tpu.memref_squeeze %dma_wait3A_124 : memref<1x64x128xf32, #tpu.memory_space<hbm>> -> memref<64x128xf32, #tpu.memory_space<hbm>>
      %dma_wait3A_126 = arith.constant 0 : i32
      %dma_wait3A_127 = arith.constant 0 : i32
      %dma_wait3A_128 = tpu.memref_slice %arg11[%dma_wait3A_126, %dma_wait3A_127] : memref<64x128xf32, #tpu.memory_space<vmem>> -> memref<64x128xf32, #tpu.memory_space<vmem>>
      tpu.wait_dma2 semaphore(%run_scoped3A_104 : memref<!tpu.dma_semaphore, #tpu.memory_space<semaphore_mem>>) src(%dma_wait3A_128 : memref<64x128xf32, #tpu.memory_space<vmem>>) dst(%dma_wait3A_125 : memref<64x128xf32, #tpu.memory_space<hbm>>)
      tpu.yield
    }) : () -> ()
    %add3A_80 = arith.constant 256 : i32
    %add3A_81 = arith.addi %mul3A_7, %add3A_80 : i32
    "tpu.region"() ({
      %run_scoped3A_104 = tpu.sem_alloc : memref<!tpu.dma_semaphore, #tpu.memory_space<semaphore_mem>>
      %dma_start3A_105 = arith.constant 0 : i32
      %dma_start3A_106 = arith.constant 0 : i32
      %dma_start3A_107 = tpu.memref_slice %arg11[%dma_start3A_105, %dma_start3A_106] : memref<64x128xf32, #tpu.memory_space<vmem>> -> memref<64x128xf32, #tpu.memory_space<vmem>>
      %dma_start3A_108 = arith.constant 0 : i32
      %dma_start3A_109 = tpu.memref_slice %arg12[%add3A_81, %dma_start3A_108] : memref<10112x128xf32, #tpu.memory_space<vmem_shared>> -> memref<64x128xf32, #tpu.memory_space<vmem_shared>>
      %dma_start3A_110 = arith.constant 0 : i32
      %dma_start3A_111 = arith.constant 0 : i32
      %dma_start3A_112 = tpu.memref_slice %arg11[%dma_start3A_110, %dma_start3A_111] : memref<64x128xf32, #tpu.memory_space<vmem>> -> memref<64x128xf32, #tpu.memory_space<vmem>>
      %dma_start3A_113 = arith.constant 0 : i32
      %dma_start3A_114 = tpu.memref_slice %arg12[%add3A_81, %dma_start3A_113] : memref<10112x128xf32, #tpu.memory_space<vmem_shared>> -> memref<64x128xf32, #tpu.memory_space<vmem_shared>>
      tpu.enqueue_dma source(%dma_start3A_114 : memref<64x128xf32, #tpu.memory_space<vmem_shared>>) target(%dma_start3A_112 : memref<64x128xf32, #tpu.memory_space<vmem>>) target_semaphore(%run_scoped3A_104 : memref<!tpu.dma_semaphore, #tpu.memory_space<semaphore_mem>>)
      %dma_wait3A_115 = arith.constant 0 : i32
      %dma_wait3A_116 = arith.constant 0 : i32
      %dma_wait3A_117 = tpu.memref_slice %arg11[%dma_wait3A_115, %dma_wait3A_116] : memref<64x128xf32, #tpu.memory_space<vmem>> -> memref<64x128xf32, #tpu.memory_space<vmem>>
      %dma_wait3A_118 = arith.constant 0 : i32
      %dma_wait3A_119 = tpu.memref_slice %arg12[%add3A_81, %dma_wait3A_118] : memref<10112x128xf32, #tpu.memory_space<vmem_shared>> -> memref<64x128xf32, #tpu.memory_space<vmem_shared>>
      %dma_wait3A_120 = arith.constant 0 : i32
      %dma_wait3A_121 = arith.constant 0 : i32
      %dma_wait3A_122 = tpu.memref_slice %arg11[%dma_wait3A_120, %dma_wait3A_121] : memref<64x128xf32, #tpu.memory_space<vmem>> -> memref<64x128xf32, #tpu.memory_space<vmem>>
      %dma_wait3A_123 = arith.constant 0 : i32
      %dma_wait3A_124 = tpu.memref_slice %arg12[%add3A_81, %dma_wait3A_123] : memref<10112x128xf32, #tpu.memory_space<vmem_shared>> -> memref<64x128xf32, #tpu.memory_space<vmem_shared>>
      tpu.wait_dma2 semaphore(%run_scoped3A_104 : memref<!tpu.dma_semaphore, #tpu.memory_space<semaphore_mem>>) src(%dma_wait3A_124 : memref<64x128xf32, #tpu.memory_space<vmem_shared>>) dst(%dma_wait3A_122 : memref<64x128xf32, #tpu.memory_space<vmem>>)
      tpu.yield
    }) : () -> ()
    %add3A_82 = arith.constant 256 : i32
    %add3A_83 = arith.addi %mul3A_7, %add3A_82 : i32
    "tpu.region"() ({
      %run_scoped3A_104 = tpu.sem_alloc : memref<!tpu.dma_semaphore, #tpu.memory_space<semaphore_mem>>
      %dma_start3A_105 = arith.constant 0 : i32
      %dma_start3A_106 = arith.constant 0 : i32
      %dma_start3A_107 = tpu.memref_slice %arg11[%dma_start3A_105, %dma_start3A_106] : memref<64x128xf32, #tpu.memory_space<vmem>> -> memref<64x128xf32, #tpu.memory_space<vmem>>
      %dma_start3A_108 = arith.constant 0 : i32
      %dma_start3A_109 = tpu.memref_slice %arg4[%arg0, %add3A_83, %dma_start3A_108] : memref<2x10112x128xf32, #tpu.memory_space<hbm>> -> memref<1x64x128xf32, #tpu.memory_space<hbm>>
      %dma_start3A_110 = tpu.memref_squeeze %dma_start3A_109 : memref<1x64x128xf32, #tpu.memory_space<hbm>> -> memref<64x128xf32, #tpu.memory_space<hbm>>
      %dma_start3A_111 = arith.constant 0 : i32
      %dma_start3A_112 = tpu.memref_slice %arg4[%arg0, %add3A_83, %dma_start3A_111] : memref<2x10112x128xf32, #tpu.memory_space<hbm>> -> memref<1x64x128xf32, #tpu.memory_space<hbm>>
      %dma_start3A_113 = tpu.memref_squeeze %dma_start3A_112 : memref<1x64x128xf32, #tpu.memory_space<hbm>> -> memref<64x128xf32, #tpu.memory_space<hbm>>
      %dma_start3A_114 = arith.constant 0 : i32
      %dma_start3A_115 = arith.constant 0 : i32
      %dma_start3A_116 = tpu.memref_slice %arg11[%dma_start3A_114, %dma_start3A_115] : memref<64x128xf32, #tpu.memory_space<vmem>> -> memref<64x128xf32, #tpu.memory_space<vmem>>
      tpu.enqueue_dma source(%dma_start3A_116 : memref<64x128xf32, #tpu.memory_space<vmem>>) target(%dma_start3A_113 : memref<64x128xf32, #tpu.memory_space<hbm>>) target_semaphore(%run_scoped3A_104 : memref<!tpu.dma_semaphore, #tpu.memory_space<semaphore_mem>>)
      %dma_wait3A_117 = arith.constant 0 : i32
      %dma_wait3A_118 = arith.constant 0 : i32
      %dma_wait3A_119 = tpu.memref_slice %arg11[%dma_wait3A_117, %dma_wait3A_118] : memref<64x128xf32, #tpu.memory_space<vmem>> -> memref<64x128xf32, #tpu.memory_space<vmem>>
      %dma_wait3A_120 = arith.constant 0 : i32
      %dma_wait3A_121 = tpu.memref_slice %arg4[%arg0, %add3A_83, %dma_wait3A_120] : memref<2x10112x128xf32, #tpu.memory_space<hbm>> -> memref<1x64x128xf32, #tpu.memory_space<hbm>>
      %dma_wait3A_122 = tpu.memref_squeeze %dma_wait3A_121 : memref<1x64x128xf32, #tpu.memory_space<hbm>> -> memref<64x128xf32, #tpu.memory_space<hbm>>
      %dma_wait3A_123 = arith.constant 0 : i32
      %dma_wait3A_124 = tpu.memref_slice %arg4[%arg0, %add3A_83, %dma_wait3A_123] : memref<2x10112x128xf32, #tpu.memory_space<hbm>> -> memref<1x64x128xf32, #tpu.memory_space<hbm>>
      %dma_wait3A_125 = tpu.memref_squeeze %dma_wait3A_124 : memref<1x64x128xf32, #tpu.memory_space<hbm>> -> memref<64x128xf32, #tpu.memory_space<hbm>>
      %dma_wait3A_126 = arith.constant 0 : i32
      %dma_wait3A_127 = arith.constant 0 : i32
      %dma_wait3A_128 = tpu.memref_slice %arg11[%dma_wait3A_126, %dma_wait3A_127] : memref<64x128xf32, #tpu.memory_space<vmem>> -> memref<64x128xf32, #tpu.memory_space<vmem>>
      tpu.wait_dma2 semaphore(%run_scoped3A_104 : memref<!tpu.dma_semaphore, #tpu.memory_space<semaphore_mem>>) src(%dma_wait3A_128 : memref<64x128xf32, #tpu.memory_space<vmem>>) dst(%dma_wait3A_125 : memref<64x128xf32, #tpu.memory_space<hbm>>)
      tpu.yield
    }) : () -> ()
    %add3A_84 = arith.constant 320 : i32
    %add3A_85 = arith.addi %mul3A_7, %add3A_84 : i32
    "tpu.region"() ({
      %run_scoped3A_104 = tpu.sem_alloc : memref<!tpu.dma_semaphore, #tpu.memory_space<semaphore_mem>>
      %dma_start3A_105 = arith.constant 0 : i32
      %dma_start3A_106 = arith.constant 0 : i32
      %dma_start3A_107 = tpu.memref_slice %arg11[%dma_start3A_105, %dma_start3A_106] : memref<64x128xf32, #tpu.memory_space<vmem>> -> memref<64x128xf32, #tpu.memory_space<vmem>>
      %dma_start3A_108 = arith.constant 0 : i32
      %dma_start3A_109 = tpu.memref_slice %arg12[%add3A_85, %dma_start3A_108] : memref<10112x128xf32, #tpu.memory_space<vmem_shared>> -> memref<64x128xf32, #tpu.memory_space<vmem_shared>>
      %dma_start3A_110 = arith.constant 0 : i32
      %dma_start3A_111 = arith.constant 0 : i32
      %dma_start3A_112 = tpu.memref_slice %arg11[%dma_start3A_110, %dma_start3A_111] : memref<64x128xf32, #tpu.memory_space<vmem>> -> memref<64x128xf32, #tpu.memory_space<vmem>>
      %dma_start3A_113 = arith.constant 0 : i32
      %dma_start3A_114 = tpu.memref_slice %arg12[%add3A_85, %dma_start3A_113] : memref<10112x128xf32, #tpu.memory_space<vmem_shared>> -> memref<64x128xf32, #tpu.memory_space<vmem_shared>>
      tpu.enqueue_dma source(%dma_start3A_114 : memref<64x128xf32, #tpu.memory_space<vmem_shared>>) target(%dma_start3A_112 : memref<64x128xf32, #tpu.memory_space<vmem>>) target_semaphore(%run_scoped3A_104 : memref<!tpu.dma_semaphore, #tpu.memory_space<semaphore_mem>>)
      %dma_wait3A_115 = arith.constant 0 : i32
      %dma_wait3A_116 = arith.constant 0 : i32
      %dma_wait3A_117 = tpu.memref_slice %arg11[%dma_wait3A_115, %dma_wait3A_116] : memref<64x128xf32, #tpu.memory_space<vmem>> -> memref<64x128xf32, #tpu.memory_space<vmem>>
      %dma_wait3A_118 = arith.constant 0 : i32
      %dma_wait3A_119 = tpu.memref_slice %arg12[%add3A_85, %dma_wait3A_118] : memref<10112x128xf32, #tpu.memory_space<vmem_shared>> -> memref<64x128xf32, #tpu.memory_space<vmem_shared>>
      %dma_wait3A_120 = arith.constant 0 : i32
      %dma_wait3A_121 = arith.constant 0 : i32
      %dma_wait3A_122 = tpu.memref_slice %arg11[%dma_wait3A_120, %dma_wait3A_121] : memref<64x128xf32, #tpu.memory_space<vmem>> -> memref<64x128xf32, #tpu.memory_space<vmem>>
      %dma_wait3A_123 = arith.constant 0 : i32
      %dma_wait3A_124 = tpu.memref_slice %arg12[%add3A_85, %dma_wait3A_123] : memref<10112x128xf32, #tpu.memory_space<vmem_shared>> -> memref<64x128xf32, #tpu.memory_space<vmem_shared>>
      tpu.wait_dma2 semaphore(%run_scoped3A_104 : memref<!tpu.dma_semaphore, #tpu.memory_space<semaphore_mem>>) src(%dma_wait3A_124 : memref<64x128xf32, #tpu.memory_space<vmem_shared>>) dst(%dma_wait3A_122 : memref<64x128xf32, #tpu.memory_space<vmem>>)
      tpu.yield
    }) : () -> ()
    %add3A_86 = arith.constant 320 : i32
    %add3A_87 = arith.addi %mul3A_7, %add3A_86 : i32
    "tpu.region"() ({
      %run_scoped3A_104 = tpu.sem_alloc : memref<!tpu.dma_semaphore, #tpu.memory_space<semaphore_mem>>
      %dma_start3A_105 = arith.constant 0 : i32
      %dma_start3A_106 = arith.constant 0 : i32
      %dma_start3A_107 = tpu.memref_slice %arg11[%dma_start3A_105, %dma_start3A_106] : memref<64x128xf32, #tpu.memory_space<vmem>> -> memref<64x128xf32, #tpu.memory_space<vmem>>
      %dma_start3A_108 = arith.constant 0 : i32
      %dma_start3A_109 = tpu.memref_slice %arg4[%arg0, %add3A_87, %dma_start3A_108] : memref<2x10112x128xf32, #tpu.memory_space<hbm>> -> memref<1x64x128xf32, #tpu.memory_space<hbm>>
      %dma_start3A_110 = tpu.memref_squeeze %dma_start3A_109 : memref<1x64x128xf32, #tpu.memory_space<hbm>> -> memref<64x128xf32, #tpu.memory_space<hbm>>
      %dma_start3A_111 = arith.constant 0 : i32
      %dma_start3A_112 = tpu.memref_slice %arg4[%arg0, %add3A_87, %dma_start3A_111] : memref<2x10112x128xf32, #tpu.memory_space<hbm>> -> memref<1x64x128xf32, #tpu.memory_space<hbm>>
      %dma_start3A_113 = tpu.memref_squeeze %dma_start3A_112 : memref<1x64x128xf32, #tpu.memory_space<hbm>> -> memref<64x128xf32, #tpu.memory_space<hbm>>
      %dma_start3A_114 = arith.constant 0 : i32
      %dma_start3A_115 = arith.constant 0 : i32
      %dma_start3A_116 = tpu.memref_slice %arg11[%dma_start3A_114, %dma_start3A_115] : memref<64x128xf32, #tpu.memory_space<vmem>> -> memref<64x128xf32, #tpu.memory_space<vmem>>
      tpu.enqueue_dma source(%dma_start3A_116 : memref<64x128xf32, #tpu.memory_space<vmem>>) target(%dma_start3A_113 : memref<64x128xf32, #tpu.memory_space<hbm>>) target_semaphore(%run_scoped3A_104 : memref<!tpu.dma_semaphore, #tpu.memory_space<semaphore_mem>>)
      %dma_wait3A_117 = arith.constant 0 : i32
      %dma_wait3A_118 = arith.constant 0 : i32
      %dma_wait3A_119 = tpu.memref_slice %arg11[%dma_wait3A_117, %dma_wait3A_118] : memref<64x128xf32, #tpu.memory_space<vmem>> -> memref<64x128xf32, #tpu.memory_space<vmem>>
      %dma_wait3A_120 = arith.constant 0 : i32
      %dma_wait3A_121 = tpu.memref_slice %arg4[%arg0, %add3A_87, %dma_wait3A_120] : memref<2x10112x128xf32, #tpu.memory_space<hbm>> -> memref<1x64x128xf32, #tpu.memory_space<hbm>>
      %dma_wait3A_122 = tpu.memref_squeeze %dma_wait3A_121 : memref<1x64x128xf32, #tpu.memory_space<hbm>> -> memref<64x128xf32, #tpu.memory_space<hbm>>
      %dma_wait3A_123 = arith.constant 0 : i32
      %dma_wait3A_124 = tpu.memref_slice %arg4[%arg0, %add3A_87, %dma_wait3A_123] : memref<2x10112x128xf32, #tpu.memory_space<hbm>> -> memref<1x64x128xf32, #tpu.memory_space<hbm>>
      %dma_wait3A_125 = tpu.memref_squeeze %dma_wait3A_124 : memref<1x64x128xf32, #tpu.memory_space<hbm>> -> memref<64x128xf32, #tpu.memory_space<hbm>>
      %dma_wait3A_126 = arith.constant 0 : i32
      %dma_wait3A_127 = arith.constant 0 : i32
      %dma_wait3A_128 = tpu.memref_slice %arg11[%dma_wait3A_126, %dma_wait3A_127] : memref<64x128xf32, #tpu.memory_space<vmem>> -> memref<64x128xf32, #tpu.memory_space<vmem>>
      tpu.wait_dma2 semaphore(%run_scoped3A_104 : memref<!tpu.dma_semaphore, #tpu.memory_space<semaphore_mem>>) src(%dma_wait3A_128 : memref<64x128xf32, #tpu.memory_space<vmem>>) dst(%dma_wait3A_125 : memref<64x128xf32, #tpu.memory_space<hbm>>)
      tpu.yield
    }) : () -> ()
    %add3A_88 = arith.constant 384 : i32
    %add3A_89 = arith.addi %mul3A_7, %add3A_88 : i32
    "tpu.region"() ({
      %run_scoped3A_104 = tpu.sem_alloc : memref<!tpu.dma_semaphore, #tpu.memory_space<semaphore_mem>>
      %dma_start3A_105 = arith.constant 0 : i32
      %dma_start3A_106 = arith.constant 0 : i32
      %dma_start3A_107 = tpu.memref_slice %arg11[%dma_start3A_105, %dma_start3A_106] : memref<64x128xf32, #tpu.memory_space<vmem>> -> memref<64x128xf32, #tpu.memory_space<vmem>>
      %dma_start3A_108 = arith.constant 0 : i32
      %dma_start3A_109 = tpu.memref_slice %arg12[%add3A_89, %dma_start3A_108] : memref<10112x128xf32, #tpu.memory_space<vmem_shared>> -> memref<64x128xf32, #tpu.memory_space<vmem_shared>>
      %dma_start3A_110 = arith.constant 0 : i32
      %dma_start3A_111 = arith.constant 0 : i32
      %dma_start3A_112 = tpu.memref_slice %arg11[%dma_start3A_110, %dma_start3A_111] : memref<64x128xf32, #tpu.memory_space<vmem>> -> memref<64x128xf32, #tpu.memory_space<vmem>>
      %dma_start3A_113 = arith.constant 0 : i32
      %dma_start3A_114 = tpu.memref_slice %arg12[%add3A_89, %dma_start3A_113] : memref<10112x128xf32, #tpu.memory_space<vmem_shared>> -> memref<64x128xf32, #tpu.memory_space<vmem_shared>>
      tpu.enqueue_dma source(%dma_start3A_114 : memref<64x128xf32, #tpu.memory_space<vmem_shared>>) target(%dma_start3A_112 : memref<64x128xf32, #tpu.memory_space<vmem>>) target_semaphore(%run_scoped3A_104 : memref<!tpu.dma_semaphore, #tpu.memory_space<semaphore_mem>>)
      %dma_wait3A_115 = arith.constant 0 : i32
      %dma_wait3A_116 = arith.constant 0 : i32
      %dma_wait3A_117 = tpu.memref_slice %arg11[%dma_wait3A_115, %dma_wait3A_116] : memref<64x128xf32, #tpu.memory_space<vmem>> -> memref<64x128xf32, #tpu.memory_space<vmem>>
      %dma_wait3A_118 = arith.constant 0 : i32
      %dma_wait3A_119 = tpu.memref_slice %arg12[%add3A_89, %dma_wait3A_118] : memref<10112x128xf32, #tpu.memory_space<vmem_shared>> -> memref<64x128xf32, #tpu.memory_space<vmem_shared>>
      %dma_wait3A_120 = arith.constant 0 : i32
      %dma_wait3A_121 = arith.constant 0 : i32
      %dma_wait3A_122 = tpu.memref_slice %arg11[%dma_wait3A_120, %dma_wait3A_121] : memref<64x128xf32, #tpu.memory_space<vmem>> -> memref<64x128xf32, #tpu.memory_space<vmem>>
      %dma_wait3A_123 = arith.constant 0 : i32
      %dma_wait3A_124 = tpu.memref_slice %arg12[%add3A_89, %dma_wait3A_123] : memref<10112x128xf32, #tpu.memory_space<vmem_shared>> -> memref<64x128xf32, #tpu.memory_space<vmem_shared>>
      tpu.wait_dma2 semaphore(%run_scoped3A_104 : memref<!tpu.dma_semaphore, #tpu.memory_space<semaphore_mem>>) src(%dma_wait3A_124 : memref<64x128xf32, #tpu.memory_space<vmem_shared>>) dst(%dma_wait3A_122 : memref<64x128xf32, #tpu.memory_space<vmem>>)
      tpu.yield
    }) : () -> ()
    %add3A_90 = arith.constant 384 : i32
    %add3A_91 = arith.addi %mul3A_7, %add3A_90 : i32
    "tpu.region"() ({
      %run_scoped3A_104 = tpu.sem_alloc : memref<!tpu.dma_semaphore, #tpu.memory_space<semaphore_mem>>
      %dma_start3A_105 = arith.constant 0 : i32
      %dma_start3A_106 = arith.constant 0 : i32
      %dma_start3A_107 = tpu.memref_slice %arg11[%dma_start3A_105, %dma_start3A_106] : memref<64x128xf32, #tpu.memory_space<vmem>> -> memref<64x128xf32, #tpu.memory_space<vmem>>
      %dma_start3A_108 = arith.constant 0 : i32
      %dma_start3A_109 = tpu.memref_slice %arg4[%arg0, %add3A_91, %dma_start3A_108] : memref<2x10112x128xf32, #tpu.memory_space<hbm>> -> memref<1x64x128xf32, #tpu.memory_space<hbm>>
      %dma_start3A_110 = tpu.memref_squeeze %dma_start3A_109 : memref<1x64x128xf32, #tpu.memory_space<hbm>> -> memref<64x128xf32, #tpu.memory_space<hbm>>
      %dma_start3A_111 = arith.constant 0 : i32
      %dma_start3A_112 = tpu.memref_slice %arg4[%arg0, %add3A_91, %dma_start3A_111] : memref<2x10112x128xf32, #tpu.memory_space<hbm>> -> memref<1x64x128xf32, #tpu.memory_space<hbm>>
      %dma_start3A_113 = tpu.memref_squeeze %dma_start3A_112 : memref<1x64x128xf32, #tpu.memory_space<hbm>> -> memref<64x128xf32, #tpu.memory_space<hbm>>
      %dma_start3A_114 = arith.constant 0 : i32
      %dma_start3A_115 = arith.constant 0 : i32
      %dma_start3A_116 = tpu.memref_slice %arg11[%dma_start3A_114, %dma_start3A_115] : memref<64x128xf32, #tpu.memory_space<vmem>> -> memref<64x128xf32, #tpu.memory_space<vmem>>
      tpu.enqueue_dma source(%dma_start3A_116 : memref<64x128xf32, #tpu.memory_space<vmem>>) target(%dma_start3A_113 : memref<64x128xf32, #tpu.memory_space<hbm>>) target_semaphore(%run_scoped3A_104 : memref<!tpu.dma_semaphore, #tpu.memory_space<semaphore_mem>>)
      %dma_wait3A_117 = arith.constant 0 : i32
      %dma_wait3A_118 = arith.constant 0 : i32
      %dma_wait3A_119 = tpu.memref_slice %arg11[%dma_wait3A_117, %dma_wait3A_118] : memref<64x128xf32, #tpu.memory_space<vmem>> -> memref<64x128xf32, #tpu.memory_space<vmem>>
      %dma_wait3A_120 = arith.constant 0 : i32
      %dma_wait3A_121 = tpu.memref_slice %arg4[%arg0, %add3A_91, %dma_wait3A_120] : memref<2x10112x128xf32, #tpu.memory_space<hbm>> -> memref<1x64x128xf32, #tpu.memory_space<hbm>>
      %dma_wait3A_122 = tpu.memref_squeeze %dma_wait3A_121 : memref<1x64x128xf32, #tpu.memory_space<hbm>> -> memref<64x128xf32, #tpu.memory_space<hbm>>
      %dma_wait3A_123 = arith.constant 0 : i32
      %dma_wait3A_124 = tpu.memref_slice %arg4[%arg0, %add3A_91, %dma_wait3A_123] : memref<2x10112x128xf32, #tpu.memory_space<hbm>> -> memref<1x64x128xf32, #tpu.memory_space<hbm>>
      %dma_wait3A_125 = tpu.memref_squeeze %dma_wait3A_124 : memref<1x64x128xf32, #tpu.memory_space<hbm>> -> memref<64x128xf32, #tpu.memory_space<hbm>>
      %dma_wait3A_126 = arith.constant 0 : i32
      %dma_wait3A_127 = arith.constant 0 : i32
      %dma_wait3A_128 = tpu.memref_slice %arg11[%dma_wait3A_126, %dma_wait3A_127] : memref<64x128xf32, #tpu.memory_space<vmem>> -> memref<64x128xf32, #tpu.memory_space<vmem>>
      tpu.wait_dma2 semaphore(%run_scoped3A_104 : memref<!tpu.dma_semaphore, #tpu.memory_space<semaphore_mem>>) src(%dma_wait3A_128 : memref<64x128xf32, #tpu.memory_space<vmem>>) dst(%dma_wait3A_125 : memref<64x128xf32, #tpu.memory_space<hbm>>)
      tpu.yield
    }) : () -> ()
    %add3A_92 = arith.constant 448 : i32
    %add3A_93 = arith.addi %mul3A_7, %add3A_92 : i32
    "tpu.region"() ({
      %run_scoped3A_104 = tpu.sem_alloc : memref<!tpu.dma_semaphore, #tpu.memory_space<semaphore_mem>>
      %dma_start3A_105 = arith.constant 0 : i32
      %dma_start3A_106 = arith.constant 0 : i32
      %dma_start3A_107 = tpu.memref_slice %arg11[%dma_start3A_105, %dma_start3A_106] : memref<64x128xf32, #tpu.memory_space<vmem>> -> memref<64x128xf32, #tpu.memory_space<vmem>>
      %dma_start3A_108 = arith.constant 0 : i32
      %dma_start3A_109 = tpu.memref_slice %arg12[%add3A_93, %dma_start3A_108] : memref<10112x128xf32, #tpu.memory_space<vmem_shared>> -> memref<64x128xf32, #tpu.memory_space<vmem_shared>>
      %dma_start3A_110 = arith.constant 0 : i32
      %dma_start3A_111 = arith.constant 0 : i32
      %dma_start3A_112 = tpu.memref_slice %arg11[%dma_start3A_110, %dma_start3A_111] : memref<64x128xf32, #tpu.memory_space<vmem>> -> memref<64x128xf32, #tpu.memory_space<vmem>>
      %dma_start3A_113 = arith.constant 0 : i32
      %dma_start3A_114 = tpu.memref_slice %arg12[%add3A_93, %dma_start3A_113] : memref<10112x128xf32, #tpu.memory_space<vmem_shared>> -> memref<64x128xf32, #tpu.memory_space<vmem_shared>>
      tpu.enqueue_dma source(%dma_start3A_114 : memref<64x128xf32, #tpu.memory_space<vmem_shared>>) target(%dma_start3A_112 : memref<64x128xf32, #tpu.memory_space<vmem>>) target_semaphore(%run_scoped3A_104 : memref<!tpu.dma_semaphore, #tpu.memory_space<semaphore_mem>>)
      %dma_wait3A_115 = arith.constant 0 : i32
      %dma_wait3A_116 = arith.constant 0 : i32
      %dma_wait3A_117 = tpu.memref_slice %arg11[%dma_wait3A_115, %dma_wait3A_116] : memref<64x128xf32, #tpu.memory_space<vmem>> -> memref<64x128xf32, #tpu.memory_space<vmem>>
      %dma_wait3A_118 = arith.constant 0 : i32
      %dma_wait3A_119 = tpu.memref_slice %arg12[%add3A_93, %dma_wait3A_118] : memref<10112x128xf32, #tpu.memory_space<vmem_shared>> -> memref<64x128xf32, #tpu.memory_space<vmem_shared>>
      %dma_wait3A_120 = arith.constant 0 : i32
      %dma_wait3A_121 = arith.constant 0 : i32
      %dma_wait3A_122 = tpu.memref_slice %arg11[%dma_wait3A_120, %dma_wait3A_121] : memref<64x128xf32, #tpu.memory_space<vmem>> -> memref<64x128xf32, #tpu.memory_space<vmem>>
      %dma_wait3A_123 = arith.constant 0 : i32
      %dma_wait3A_124 = tpu.memref_slice %arg12[%add3A_93, %dma_wait3A_123] : memref<10112x128xf32, #tpu.memory_space<vmem_shared>> -> memref<64x128xf32, #tpu.memory_space<vmem_shared>>
      tpu.wait_dma2 semaphore(%run_scoped3A_104 : memref<!tpu.dma_semaphore, #tpu.memory_space<semaphore_mem>>) src(%dma_wait3A_124 : memref<64x128xf32, #tpu.memory_space<vmem_shared>>) dst(%dma_wait3A_122 : memref<64x128xf32, #tpu.memory_space<vmem>>)
      tpu.yield
    }) : () -> ()
    %add3A_94 = arith.constant 448 : i32
    %add3A_95 = arith.addi %mul3A_7, %add3A_94 : i32
    "tpu.region"() ({
      %run_scoped3A_104 = tpu.sem_alloc : memref<!tpu.dma_semaphore, #tpu.memory_space<semaphore_mem>>
      %dma_start3A_105 = arith.constant 0 : i32
      %dma_start3A_106 = arith.constant 0 : i32
      %dma_start3A_107 = tpu.memref_slice %arg11[%dma_start3A_105, %dma_start3A_106] : memref<64x128xf32, #tpu.memory_space<vmem>> -> memref<64x128xf32, #tpu.memory_space<vmem>>
      %dma_start3A_108 = arith.constant 0 : i32
      %dma_start3A_109 = tpu.memref_slice %arg4[%arg0, %add3A_95, %dma_start3A_108] : memref<2x10112x128xf32, #tpu.memory_space<hbm>> -> memref<1x64x128xf32, #tpu.memory_space<hbm>>
      %dma_start3A_110 = tpu.memref_squeeze %dma_start3A_109 : memref<1x64x128xf32, #tpu.memory_space<hbm>> -> memref<64x128xf32, #tpu.memory_space<hbm>>
      %dma_start3A_111 = arith.constant 0 : i32
      %dma_start3A_112 = tpu.memref_slice %arg4[%arg0, %add3A_95, %dma_start3A_111] : memref<2x10112x128xf32, #tpu.memory_space<hbm>> -> memref<1x64x128xf32, #tpu.memory_space<hbm>>
      %dma_start3A_113 = tpu.memref_squeeze %dma_start3A_112 : memref<1x64x128xf32, #tpu.memory_space<hbm>> -> memref<64x128xf32, #tpu.memory_space<hbm>>
      %dma_start3A_114 = arith.constant 0 : i32
      %dma_start3A_115 = arith.constant 0 : i32
      %dma_start3A_116 = tpu.memref_slice %arg11[%dma_start3A_114, %dma_start3A_115] : memref<64x128xf32, #tpu.memory_space<vmem>> -> memref<64x128xf32, #tpu.memory_space<vmem>>
      tpu.enqueue_dma source(%dma_start3A_116 : memref<64x128xf32, #tpu.memory_space<vmem>>) target(%dma_start3A_113 : memref<64x128xf32, #tpu.memory_space<hbm>>) target_semaphore(%run_scoped3A_104 : memref<!tpu.dma_semaphore, #tpu.memory_space<semaphore_mem>>)
      %dma_wait3A_117 = arith.constant 0 : i32
      %dma_wait3A_118 = arith.constant 0 : i32
      %dma_wait3A_119 = tpu.memref_slice %arg11[%dma_wait3A_117, %dma_wait3A_118] : memref<64x128xf32, #tpu.memory_space<vmem>> -> memref<64x128xf32, #tpu.memory_space<vmem>>
      %dma_wait3A_120 = arith.constant 0 : i32
      %dma_wait3A_121 = tpu.memref_slice %arg4[%arg0, %add3A_95, %dma_wait3A_120] : memref<2x10112x128xf32, #tpu.memory_space<hbm>> -> memref<1x64x128xf32, #tpu.memory_space<hbm>>
      %dma_wait3A_122 = tpu.memref_squeeze %dma_wait3A_121 : memref<1x64x128xf32, #tpu.memory_space<hbm>> -> memref<64x128xf32, #tpu.memory_space<hbm>>
      %dma_wait3A_123 = arith.constant 0 : i32
      %dma_wait3A_124 = tpu.memref_slice %arg4[%arg0, %add3A_95, %dma_wait3A_123] : memref<2x10112x128xf32, #tpu.memory_space<hbm>> -> memref<1x64x128xf32, #tpu.memory_space<hbm>>
      %dma_wait3A_125 = tpu.memref_squeeze %dma_wait3A_124 : memref<1x64x128xf32, #tpu.memory_space<hbm>> -> memref<64x128xf32, #tpu.memory_space<hbm>>
      %dma_wait3A_126 = arith.constant 0 : i32
      %dma_wait3A_127 = arith.constant 0 : i32
      %dma_wait3A_128 = tpu.memref_slice %arg11[%dma_wait3A_126, %dma_wait3A_127] : memref<64x128xf32, #tpu.memory_space<vmem>> -> memref<64x128xf32, #tpu.memory_space<vmem>>
      tpu.wait_dma2 semaphore(%run_scoped3A_104 : memref<!tpu.dma_semaphore, #tpu.memory_space<semaphore_mem>>) src(%dma_wait3A_128 : memref<64x128xf32, #tpu.memory_space<vmem>>) dst(%dma_wait3A_125 : memref<64x128xf32, #tpu.memory_space<hbm>>)
      tpu.yield
    }) : () -> ()
    %add3A_96 = arith.constant 512 : i32
    %add3A_97 = arith.addi %mul3A_7, %add3A_96 : i32
    "tpu.region"() ({
      %run_scoped3A_104 = tpu.sem_alloc : memref<!tpu.dma_semaphore, #tpu.memory_space<semaphore_mem>>
      %dma_start3A_105 = arith.constant 0 : i32
      %dma_start3A_106 = arith.constant 0 : i32
      %dma_start3A_107 = tpu.memref_slice %arg11[%dma_start3A_105, %dma_start3A_106] : memref<64x128xf32, #tpu.memory_space<vmem>> -> memref<64x128xf32, #tpu.memory_space<vmem>>
      %dma_start3A_108 = arith.constant 0 : i32
      %dma_start3A_109 = tpu.memref_slice %arg12[%add3A_97, %dma_start3A_108] : memref<10112x128xf32, #tpu.memory_space<vmem_shared>> -> memref<64x128xf32, #tpu.memory_space<vmem_shared>>
      %dma_start3A_110 = arith.constant 0 : i32
      %dma_start3A_111 = arith.constant 0 : i32
      %dma_start3A_112 = tpu.memref_slice %arg11[%dma_start3A_110, %dma_start3A_111] : memref<64x128xf32, #tpu.memory_space<vmem>> -> memref<64x128xf32, #tpu.memory_space<vmem>>
      %dma_start3A_113 = arith.constant 0 : i32
      %dma_start3A_114 = tpu.memref_slice %arg12[%add3A_97, %dma_start3A_113] : memref<10112x128xf32, #tpu.memory_space<vmem_shared>> -> memref<64x128xf32, #tpu.memory_space<vmem_shared>>
      tpu.enqueue_dma source(%dma_start3A_114 : memref<64x128xf32, #tpu.memory_space<vmem_shared>>) target(%dma_start3A_112 : memref<64x128xf32, #tpu.memory_space<vmem>>) target_semaphore(%run_scoped3A_104 : memref<!tpu.dma_semaphore, #tpu.memory_space<semaphore_mem>>)
      %dma_wait3A_115 = arith.constant 0 : i32
      %dma_wait3A_116 = arith.constant 0 : i32
      %dma_wait3A_117 = tpu.memref_slice %arg11[%dma_wait3A_115, %dma_wait3A_116] : memref<64x128xf32, #tpu.memory_space<vmem>> -> memref<64x128xf32, #tpu.memory_space<vmem>>
      %dma_wait3A_118 = arith.constant 0 : i32
      %dma_wait3A_119 = tpu.memref_slice %arg12[%add3A_97, %dma_wait3A_118] : memref<10112x128xf32, #tpu.memory_space<vmem_shared>> -> memref<64x128xf32, #tpu.memory_space<vmem_shared>>
      %dma_wait3A_120 = arith.constant 0 : i32
      %dma_wait3A_121 = arith.constant 0 : i32
      %dma_wait3A_122 = tpu.memref_slice %arg11[%dma_wait3A_120, %dma_wait3A_121] : memref<64x128xf32, #tpu.memory_space<vmem>> -> memref<64x128xf32, #tpu.memory_space<vmem>>
      %dma_wait3A_123 = arith.constant 0 : i32
      %dma_wait3A_124 = tpu.memref_slice %arg12[%add3A_97, %dma_wait3A_123] : memref<10112x128xf32, #tpu.memory_space<vmem_shared>> -> memref<64x128xf32, #tpu.memory_space<vmem_shared>>
      tpu.wait_dma2 semaphore(%run_scoped3A_104 : memref<!tpu.dma_semaphore, #tpu.memory_space<semaphore_mem>>) src(%dma_wait3A_124 : memref<64x128xf32, #tpu.memory_space<vmem_shared>>) dst(%dma_wait3A_122 : memref<64x128xf32, #tpu.memory_space<vmem>>)
      tpu.yield
    }) : () -> ()
    %add3A_98 = arith.constant 512 : i32
    %add3A_99 = arith.addi %mul3A_7, %add3A_98 : i32
    "tpu.region"() ({
      %run_scoped3A_104 = tpu.sem_alloc : memref<!tpu.dma_semaphore, #tpu.memory_space<semaphore_mem>>
      %dma_start3A_105 = arith.constant 0 : i32
      %dma_start3A_106 = arith.constant 0 : i32
      %dma_start3A_107 = tpu.memref_slice %arg11[%dma_start3A_105, %dma_start3A_106] : memref<64x128xf32, #tpu.memory_space<vmem>> -> memref<64x128xf32, #tpu.memory_space<vmem>>
      %dma_start3A_108 = arith.constant 0 : i32
      %dma_start3A_109 = tpu.memref_slice %arg4[%arg0, %add3A_99, %dma_start3A_108] : memref<2x10112x128xf32, #tpu.memory_space<hbm>> -> memref<1x64x128xf32, #tpu.memory_space<hbm>>
      %dma_start3A_110 = tpu.memref_squeeze %dma_start3A_109 : memref<1x64x128xf32, #tpu.memory_space<hbm>> -> memref<64x128xf32, #tpu.memory_space<hbm>>
      %dma_start3A_111 = arith.constant 0 : i32
      %dma_start3A_112 = tpu.memref_slice %arg4[%arg0, %add3A_99, %dma_start3A_111] : memref<2x10112x128xf32, #tpu.memory_space<hbm>> -> memref<1x64x128xf32, #tpu.memory_space<hbm>>
      %dma_start3A_113 = tpu.memref_squeeze %dma_start3A_112 : memref<1x64x128xf32, #tpu.memory_space<hbm>> -> memref<64x128xf32, #tpu.memory_space<hbm>>
      %dma_start3A_114 = arith.constant 0 : i32
      %dma_start3A_115 = arith.constant 0 : i32
      %dma_start3A_116 = tpu.memref_slice %arg11[%dma_start3A_114, %dma_start3A_115] : memref<64x128xf32, #tpu.memory_space<vmem>> -> memref<64x128xf32, #tpu.memory_space<vmem>>
      tpu.enqueue_dma source(%dma_start3A_116 : memref<64x128xf32, #tpu.memory_space<vmem>>) target(%dma_start3A_113 : memref<64x128xf32, #tpu.memory_space<hbm>>) target_semaphore(%run_scoped3A_104 : memref<!tpu.dma_semaphore, #tpu.memory_space<semaphore_mem>>)
      %dma_wait3A_117 = arith.constant 0 : i32
      %dma_wait3A_118 = arith.constant 0 : i32
      %dma_wait3A_119 = tpu.memref_slice %arg11[%dma_wait3A_117, %dma_wait3A_118] : memref<64x128xf32, #tpu.memory_space<vmem>> -> memref<64x128xf32, #tpu.memory_space<vmem>>
      %dma_wait3A_120 = arith.constant 0 : i32
      %dma_wait3A_121 = tpu.memref_slice %arg4[%arg0, %add3A_99, %dma_wait3A_120] : memref<2x10112x128xf32, #tpu.memory_space<hbm>> -> memref<1x64x128xf32, #tpu.memory_space<hbm>>
      %dma_wait3A_122 = tpu.memref_squeeze %dma_wait3A_121 : memref<1x64x128xf32, #tpu.memory_space<hbm>> -> memref<64x128xf32, #tpu.memory_space<hbm>>
      %dma_wait3A_123 = arith.constant 0 : i32
      %dma_wait3A_124 = tpu.memref_slice %arg4[%arg0, %add3A_99, %dma_wait3A_123] : memref<2x10112x128xf32, #tpu.memory_space<hbm>> -> memref<1x64x128xf32, #tpu.memory_space<hbm>>
      %dma_wait3A_125 = tpu.memref_squeeze %dma_wait3A_124 : memref<1x64x128xf32, #tpu.memory_space<hbm>> -> memref<64x128xf32, #tpu.memory_space<hbm>>
      %dma_wait3A_126 = arith.constant 0 : i32
      %dma_wait3A_127 = arith.constant 0 : i32
      %dma_wait3A_128 = tpu.memref_slice %arg11[%dma_wait3A_126, %dma_wait3A_127] : memref<64x128xf32, #tpu.memory_space<vmem>> -> memref<64x128xf32, #tpu.memory_space<vmem>>
      tpu.wait_dma2 semaphore(%run_scoped3A_104 : memref<!tpu.dma_semaphore, #tpu.memory_space<semaphore_mem>>) src(%dma_wait3A_128 : memref<64x128xf32, #tpu.memory_space<vmem>>) dst(%dma_wait3A_125 : memref<64x128xf32, #tpu.memory_space<hbm>>)
      tpu.yield
    }) : () -> ()
    %add3A_100 = arith.constant 576 : i32
    %add3A_101 = arith.addi %mul3A_7, %add3A_100 : i32
    "tpu.region"() ({
      %run_scoped3A_104 = tpu.sem_alloc : memref<!tpu.dma_semaphore, #tpu.memory_space<semaphore_mem>>
      %dma_start3A_105 = arith.constant 0 : i32
      %dma_start3A_106 = arith.constant 0 : i32
      %dma_start3A_107 = tpu.memref_slice %arg11[%dma_start3A_105, %dma_start3A_106] : memref<64x128xf32, #tpu.memory_space<vmem>> -> memref<56x128xf32, #tpu.memory_space<vmem>>
      %dma_start3A_108 = arith.constant 0 : i32
      %dma_start3A_109 = tpu.memref_slice %arg12[%add3A_101, %dma_start3A_108] : memref<10112x128xf32, #tpu.memory_space<vmem_shared>> -> memref<56x128xf32, #tpu.memory_space<vmem_shared>>
      %dma_start3A_110 = arith.constant 0 : i32
      %dma_start3A_111 = arith.constant 0 : i32
      %dma_start3A_112 = tpu.memref_slice %arg11[%dma_start3A_110, %dma_start3A_111] : memref<64x128xf32, #tpu.memory_space<vmem>> -> memref<56x128xf32, #tpu.memory_space<vmem>>
      %dma_start3A_113 = arith.constant 0 : i32
      %dma_start3A_114 = tpu.memref_slice %arg12[%add3A_101, %dma_start3A_113] : memref<10112x128xf32, #tpu.memory_space<vmem_shared>> -> memref<56x128xf32, #tpu.memory_space<vmem_shared>>
      tpu.enqueue_dma source(%dma_start3A_114 : memref<56x128xf32, #tpu.memory_space<vmem_shared>>) target(%dma_start3A_112 : memref<56x128xf32, #tpu.memory_space<vmem>>) target_semaphore(%run_scoped3A_104 : memref<!tpu.dma_semaphore, #tpu.memory_space<semaphore_mem>>)
      %dma_wait3A_115 = arith.constant 0 : i32
      %dma_wait3A_116 = arith.constant 0 : i32
      %dma_wait3A_117 = tpu.memref_slice %arg11[%dma_wait3A_115, %dma_wait3A_116] : memref<64x128xf32, #tpu.memory_space<vmem>> -> memref<56x128xf32, #tpu.memory_space<vmem>>
      %dma_wait3A_118 = arith.constant 0 : i32
      %dma_wait3A_119 = tpu.memref_slice %arg12[%add3A_101, %dma_wait3A_118] : memref<10112x128xf32, #tpu.memory_space<vmem_shared>> -> memref<56x128xf32, #tpu.memory_space<vmem_shared>>
      %dma_wait3A_120 = arith.constant 0 : i32
      %dma_wait3A_121 = arith.constant 0 : i32
      %dma_wait3A_122 = tpu.memref_slice %arg11[%dma_wait3A_120, %dma_wait3A_121] : memref<64x128xf32, #tpu.memory_space<vmem>> -> memref<56x128xf32, #tpu.memory_space<vmem>>
      %dma_wait3A_123 = arith.constant 0 : i32
      %dma_wait3A_124 = tpu.memref_slice %arg12[%add3A_101, %dma_wait3A_123] : memref<10112x128xf32, #tpu.memory_space<vmem_shared>> -> memref<56x128xf32, #tpu.memory_space<vmem_shared>>
      tpu.wait_dma2 semaphore(%run_scoped3A_104 : memref<!tpu.dma_semaphore, #tpu.memory_space<semaphore_mem>>) src(%dma_wait3A_124 : memref<56x128xf32, #tpu.memory_space<vmem_shared>>) dst(%dma_wait3A_122 : memref<56x128xf32, #tpu.memory_space<vmem>>)
      tpu.yield
    }) : () -> ()
    %add3A_102 = arith.constant 576 : i32
    %add3A_103 = arith.addi %mul3A_7, %add3A_102 : i32
    "tpu.region"() ({
      %run_scoped3A_104 = tpu.sem_alloc : memref<!tpu.dma_semaphore, #tpu.memory_space<semaphore_mem>>
      %dma_start3A_105 = arith.constant 0 : i32
      %dma_start3A_106 = arith.constant 0 : i32
      %dma_start3A_107 = tpu.memref_slice %arg11[%dma_start3A_105, %dma_start3A_106] : memref<64x128xf32, #tpu.memory_space<vmem>> -> memref<56x128xf32, #tpu.memory_space<vmem>>
      %dma_start3A_108 = arith.constant 0 : i32
      %dma_start3A_109 = tpu.memref_slice %arg4[%arg0, %add3A_103, %dma_start3A_108] : memref<2x10112x128xf32, #tpu.memory_space<hbm>> -> memref<1x56x128xf32, #tpu.memory_space<hbm>>
      %dma_start3A_110 = tpu.memref_squeeze %dma_start3A_109 : memref<1x56x128xf32, #tpu.memory_space<hbm>> -> memref<56x128xf32, #tpu.memory_space<hbm>>
      %dma_start3A_111 = arith.constant 0 : i32
      %dma_start3A_112 = tpu.memref_slice %arg4[%arg0, %add3A_103, %dma_start3A_111] : memref<2x10112x128xf32, #tpu.memory_space<hbm>> -> memref<1x56x128xf32, #tpu.memory_space<hbm>>
      %dma_start3A_113 = tpu.memref_squeeze %dma_start3A_112 : memref<1x56x128xf32, #tpu.memory_space<hbm>> -> memref<56x128xf32, #tpu.memory_space<hbm>>
      %dma_start3A_114 = arith.constant 0 : i32
      %dma_start3A_115 = arith.constant 0 : i32
      %dma_start3A_116 = tpu.memref_slice %arg11[%dma_start3A_114, %dma_start3A_115] : memref<64x128xf32, #tpu.memory_space<vmem>> -> memref<56x128xf32, #tpu.memory_space<vmem>>
      tpu.enqueue_dma source(%dma_start3A_116 : memref<56x128xf32, #tpu.memory_space<vmem>>) target(%dma_start3A_113 : memref<56x128xf32, #tpu.memory_space<hbm>>) target_semaphore(%run_scoped3A_104 : memref<!tpu.dma_semaphore, #tpu.memory_space<semaphore_mem>>)
      %dma_wait3A_117 = arith.constant 0 : i32
      %dma_wait3A_118 = arith.constant 0 : i32
      %dma_wait3A_119 = tpu.memref_slice %arg11[%dma_wait3A_117, %dma_wait3A_118] : memref<64x128xf32, #tpu.memory_space<vmem>> -> memref<56x128xf32, #tpu.memory_space<vmem>>
      %dma_wait3A_120 = arith.constant 0 : i32
      %dma_wait3A_121 = tpu.memref_slice %arg4[%arg0, %add3A_103, %dma_wait3A_120] : memref<2x10112x128xf32, #tpu.memory_space<hbm>> -> memref<1x56x128xf32, #tpu.memory_space<hbm>>
      %dma_wait3A_122 = tpu.memref_squeeze %dma_wait3A_121 : memref<1x56x128xf32, #tpu.memory_space<hbm>> -> memref<56x128xf32, #tpu.memory_space<hbm>>
      %dma_wait3A_123 = arith.constant 0 : i32
      %dma_wait3A_124 = tpu.memref_slice %arg4[%arg0, %add3A_103, %dma_wait3A_123] : memref<2x10112x128xf32, #tpu.memory_space<hbm>> -> memref<1x56x128xf32, #tpu.memory_space<hbm>>
      %dma_wait3A_125 = tpu.memref_squeeze %dma_wait3A_124 : memref<1x56x128xf32, #tpu.memory_space<hbm>> -> memref<56x128xf32, #tpu.memory_space<hbm>>
      %dma_wait3A_126 = arith.constant 0 : i32
      %dma_wait3A_127 = arith.constant 0 : i32
      %dma_wait3A_128 = tpu.memref_slice %arg11[%dma_wait3A_126, %dma_wait3A_127] : memref<64x128xf32, #tpu.memory_space<vmem>> -> memref<56x128xf32, #tpu.memory_space<vmem>>
      tpu.wait_dma2 semaphore(%run_scoped3A_104 : memref<!tpu.dma_semaphore, #tpu.memory_space<semaphore_mem>>) src(%dma_wait3A_128 : memref<56x128xf32, #tpu.memory_space<vmem>>) dst(%dma_wait3A_125 : memref<56x128xf32, #tpu.memory_space<hbm>>)
      tpu.yield
    }) : () -> ()
    return
  }
}

#map = affine_map<(d0, d1) -> (0, 0)>
#map1 = affine_map<(d0, d1) -> (0)>
module attributes {stable_mosaic.version = 14 : i64} {
  func.func @k(%arg0: i32, %arg1: i32, %arg2: memref<10000x128xf32, #tpu.memory_space<hbm>>, %arg3: memref<10000x128xf32, #tpu.memory_space<hbm>>, %arg4: memref<320000xi32, #tpu.memory_space<hbm>>, %arg5: memref<320000xi32, #tpu.memory_space<hbm>>, %arg6: memref<320000x128xf32, #tpu.memory_space<hbm>>, %arg7: memref<320000x128xf32, #tpu.memory_space<hbm>>, %arg8: memref<200xi32, #tpu.memory_space<vmem>>, %arg9: memref<200xi32, #tpu.memory_space<vmem>>, %arg10: memref<200xi32, #tpu.memory_space<vmem>>, %arg11: memref<200xi32, #tpu.memory_space<vmem>>, %arg12: memref<200x128xf32, #tpu.memory_space<vmem>>, %arg13: memref<200x128xf32, #tpu.memory_space<vmem>>, %arg14: memref<200x128xf32, #tpu.memory_space<vmem>>, %arg15: memref<200x128xf32, #tpu.memory_space<vmem>>, %arg16: memref<!tpu.dma_semaphore, #tpu.memory_space<semaphore_mem>>, %arg17: memref<!tpu.dma_semaphore, #tpu.memory_space<semaphore_mem>>, %arg18: memref<!tpu.dma_semaphore, #tpu.memory_space<semaphore_mem>>, %arg19: memref<!tpu.dma_semaphore, #tpu.memory_space<semaphore_mem>>, %arg20: memref<!tpu.dma_semaphore, #tpu.memory_space<semaphore_mem>>) attributes {dimension_semantics = [#tpu.dimension_semantics<core_parallel>, #tpu.dimension_semantics<subcore_parallel>], iteration_bounds = array<i64: 2, 16>, scalar_prefetch = 0 : i64, scratch_operands = 13 : i64, tpu.core_type = #tpu.core_type<sc_vector_subcore>, window_params = [{transform_indices = #map}, {transform_indices = #map}, {transform_indices = #map1}, {transform_indices = #map1}, {transform_indices = #map}, {transform_indices = #map}]} {
    %mul3A = arith.constant 2 : i32
    %mul3A_0 = arith.muli %arg1, %mul3A : i32
    %add3A = arith.addi %mul3A_0, %arg0 : i32
    %mul3A_1 = arith.constant 10000 : i32
    %mul3A_2 = arith.muli %add3A, %mul3A_1 : i32
    %add3A_3 = arith.constant 0 : i32
    %add3A_4 = arith.addi %mul3A_2, %add3A_3 : i32
    %dma_start3A = arith.constant 0 : i32
    %dma_start3A_5 = tpu.memref_slice %arg6[%add3A_4, %dma_start3A] : memref<320000x128xf32, #tpu.memory_space<hbm>> -> memref<200x128xf32, #tpu.memory_space<hbm>>
    %dma_start3A_6 = arith.constant 0 : i32
    %dma_start3A_7 = tpu.memref_slice %arg6[%add3A_4, %dma_start3A_6] : memref<320000x128xf32, #tpu.memory_space<hbm>> -> memref<200x128xf32, #tpu.memory_space<hbm>>
    tpu.enqueue_dma source(%arg12 : memref<200x128xf32, #tpu.memory_space<vmem>>) target(%dma_start3A_7 : memref<200x128xf32, #tpu.memory_space<hbm>>) target_semaphore(%arg19 : memref<!tpu.dma_semaphore, #tpu.memory_space<semaphore_mem>>)
    %dma_start3A_8 = arith.constant 0 : i32
    %dma_start3A_9 = tpu.memref_slice %arg7[%add3A_4, %dma_start3A_8] : memref<320000x128xf32, #tpu.memory_space<hbm>> -> memref<200x128xf32, #tpu.memory_space<hbm>>
    %dma_start3A_10 = arith.constant 0 : i32
    %dma_start3A_11 = tpu.memref_slice %arg7[%add3A_4, %dma_start3A_10] : memref<320000x128xf32, #tpu.memory_space<hbm>> -> memref<200x128xf32, #tpu.memory_space<hbm>>
    tpu.enqueue_dma source(%arg13 : memref<200x128xf32, #tpu.memory_space<vmem>>) target(%dma_start3A_11 : memref<200x128xf32, #tpu.memory_space<hbm>>) target_semaphore(%arg19 : memref<!tpu.dma_semaphore, #tpu.memory_space<semaphore_mem>>)
    %add3A_12 = arith.constant 200 : i32
    %add3A_13 = arith.addi %mul3A_2, %add3A_12 : i32
    %dma_start3A_14 = arith.constant 0 : i32
    %dma_start3A_15 = tpu.memref_slice %arg6[%add3A_13, %dma_start3A_14] : memref<320000x128xf32, #tpu.memory_space<hbm>> -> memref<200x128xf32, #tpu.memory_space<hbm>>
    %dma_start3A_16 = arith.constant 0 : i32
    %dma_start3A_17 = tpu.memref_slice %arg6[%add3A_13, %dma_start3A_16] : memref<320000x128xf32, #tpu.memory_space<hbm>> -> memref<200x128xf32, #tpu.memory_space<hbm>>
    tpu.enqueue_dma source(%arg14 : memref<200x128xf32, #tpu.memory_space<vmem>>) target(%dma_start3A_17 : memref<200x128xf32, #tpu.memory_space<hbm>>) target_semaphore(%arg20 : memref<!tpu.dma_semaphore, #tpu.memory_space<semaphore_mem>>)
    %dma_start3A_18 = arith.constant 0 : i32
    %dma_start3A_19 = tpu.memref_slice %arg7[%add3A_13, %dma_start3A_18] : memref<320000x128xf32, #tpu.memory_space<hbm>> -> memref<200x128xf32, #tpu.memory_space<hbm>>
    %dma_start3A_20 = arith.constant 0 : i32
    %dma_start3A_21 = tpu.memref_slice %arg7[%add3A_13, %dma_start3A_20] : memref<320000x128xf32, #tpu.memory_space<hbm>> -> memref<200x128xf32, #tpu.memory_space<hbm>>
    tpu.enqueue_dma source(%arg15 : memref<200x128xf32, #tpu.memory_space<vmem>>) target(%dma_start3A_21 : memref<200x128xf32, #tpu.memory_space<hbm>>) target_semaphore(%arg20 : memref<!tpu.dma_semaphore, #tpu.memory_space<semaphore_mem>>)
    %scan3A = arith.constant 0 : i32
    %scan3A_22 = arith.constant 0 : i32
    %scan3A_23 = arith.constant 25 : i32
    %scan3A_24 = arith.addi %scan3A_22, %scan3A_23 : i32
    %scan3A_25 = arith.constant 1 : i32
    scf.for %scan3A_46 = %scan3A_22 to %scan3A_24 step %scan3A_25  : i32 {
      %mul3A_47 = arith.constant 2 : i32
      %mul3A_48 = arith.muli %mul3A_47, %scan3A_46 : i32
      %add3A_49 = arith.constant 0 : i32
      %add3A_50 = arith.addi %mul3A_48, %add3A_49 : i32
      %mul3A_51 = arith.constant 200 : i32
      %mul3A_52 = arith.muli %add3A_50, %mul3A_51 : i32
      %add3A_53 = arith.addi %mul3A_2, %mul3A_52 : i32
      %dma_wait3A_54 = arith.constant 0 : i32
      %dma_wait3A_55 = tpu.memref_slice %arg6[%add3A_53, %dma_wait3A_54] : memref<320000x128xf32, #tpu.memory_space<hbm>> -> memref<200x128xf32, #tpu.memory_space<hbm>>
      %dma_wait3A_56 = arith.constant 0 : i32
      %dma_wait3A_57 = tpu.memref_slice %arg6[%add3A_53, %dma_wait3A_56] : memref<320000x128xf32, #tpu.memory_space<hbm>> -> memref<200x128xf32, #tpu.memory_space<hbm>>
      tpu.wait_dma2 semaphore(%arg19 : memref<!tpu.dma_semaphore, #tpu.memory_space<semaphore_mem>>) src(%arg12 : memref<200x128xf32, #tpu.memory_space<vmem>>) dst(%dma_wait3A_57 : memref<200x128xf32, #tpu.memory_space<hbm>>)
      %dma_wait3A_58 = arith.constant 0 : i32
      %dma_wait3A_59 = tpu.memref_slice %arg7[%add3A_53, %dma_wait3A_58] : memref<320000x128xf32, #tpu.memory_space<hbm>> -> memref<200x128xf32, #tpu.memory_space<hbm>>
      %dma_wait3A_60 = arith.constant 0 : i32
      %dma_wait3A_61 = tpu.memref_slice %arg7[%add3A_53, %dma_wait3A_60] : memref<320000x128xf32, #tpu.memory_space<hbm>> -> memref<200x128xf32, #tpu.memory_space<hbm>>
      tpu.wait_dma2 semaphore(%arg19 : memref<!tpu.dma_semaphore, #tpu.memory_space<semaphore_mem>>) src(%arg13 : memref<200x128xf32, #tpu.memory_space<vmem>>) dst(%dma_wait3A_61 : memref<200x128xf32, #tpu.memory_space<hbm>>)
      %dma_start3A_62 = tpu.memref_slice %arg4[%add3A_53] : memref<320000xi32, #tpu.memory_space<hbm>> -> memref<200xi32, #tpu.memory_space<hbm>>
      %dma_start3A_63 = tpu.memref_slice %arg4[%add3A_53] : memref<320000xi32, #tpu.memory_space<hbm>> -> memref<200xi32, #tpu.memory_space<hbm>>
      tpu.enqueue_dma source(%dma_start3A_63 : memref<200xi32, #tpu.memory_space<hbm>>) target(%arg8 : memref<200xi32, #tpu.memory_space<vmem>>) target_semaphore(%arg16 : memref<!tpu.dma_semaphore, #tpu.memory_space<semaphore_mem>>)
      %dma_start3A_64 = tpu.memref_slice %arg5[%add3A_53] : memref<320000xi32, #tpu.memory_space<hbm>> -> memref<200xi32, #tpu.memory_space<hbm>>
      %dma_start3A_65 = tpu.memref_slice %arg5[%add3A_53] : memref<320000xi32, #tpu.memory_space<hbm>> -> memref<200xi32, #tpu.memory_space<hbm>>
      tpu.enqueue_dma source(%dma_start3A_65 : memref<200xi32, #tpu.memory_space<hbm>>) target(%arg9 : memref<200xi32, #tpu.memory_space<vmem>>) target_semaphore(%arg16 : memref<!tpu.dma_semaphore, #tpu.memory_space<semaphore_mem>>)
      %dma_wait3A_66 = tpu.memref_slice %arg4[%add3A_53] : memref<320000xi32, #tpu.memory_space<hbm>> -> memref<200xi32, #tpu.memory_space<hbm>>
      %dma_wait3A_67 = tpu.memref_slice %arg4[%add3A_53] : memref<320000xi32, #tpu.memory_space<hbm>> -> memref<200xi32, #tpu.memory_space<hbm>>
      tpu.wait_dma2 semaphore(%arg16 : memref<!tpu.dma_semaphore, #tpu.memory_space<semaphore_mem>>) src(%dma_wait3A_67 : memref<200xi32, #tpu.memory_space<hbm>>) dst(%arg8 : memref<200xi32, #tpu.memory_space<vmem>>)
      %dma_wait3A_68 = tpu.memref_slice %arg5[%add3A_53] : memref<320000xi32, #tpu.memory_space<hbm>> -> memref<200xi32, #tpu.memory_space<hbm>>
      %dma_wait3A_69 = tpu.memref_slice %arg5[%add3A_53] : memref<320000xi32, #tpu.memory_space<hbm>> -> memref<200xi32, #tpu.memory_space<hbm>>
      tpu.wait_dma2 semaphore(%arg16 : memref<!tpu.dma_semaphore, #tpu.memory_space<semaphore_mem>>) src(%dma_wait3A_69 : memref<200xi32, #tpu.memory_space<hbm>>) dst(%arg9 : memref<200xi32, #tpu.memory_space<vmem>>)
      %dma_start3A_70 = arith.constant 0 : i32
      %dma_start3A_71 = arith.constant 0 : i32
      %dma_start3A_72 = tpu.memref_slice %arg12[%dma_start3A_70, %dma_start3A_71] : memref<200x128xf32, #tpu.memory_space<vmem>> -> memref<128x128xf32, #tpu.memory_space<vmem>>
      %dma_start3A_73 = arith.constant 0 : i32
      %dma_start3A_74 = tpu.memref_slice %arg8[%dma_start3A_73] : memref<200xi32, #tpu.memory_space<vmem>> -> memref<128xi32, #tpu.memory_space<vmem>>
      %dma_start3A_75 = arith.constant 0 : i32
      %dma_start3A_76 = arith.constant 0 : i32
      %dma_start3A_77 = tpu.memref_slice %arg2[%dma_start3A_75, %dma_start3A_76] : memref<10000x128xf32, #tpu.memory_space<hbm>> -> memref<10000x128xf32, #tpu.memory_space<hbm>>
      tpu.enqueue_indirect_dma source(%dma_start3A_77 : memref<10000x128xf32, #tpu.memory_space<hbm>>) target(%dma_start3A_72 : memref<128x128xf32, #tpu.memory_space<vmem>>) offsets(%dma_start3A_74 : memref<128xi32, #tpu.memory_space<vmem>>) semaphore(%arg17 : memref<!tpu.dma_semaphore, #tpu.memory_space<semaphore_mem>>)
      %dma_start3A_78 = arith.constant 0 : i32
      %dma_start3A_79 = arith.constant 0 : i32
      %dma_start3A_80 = tpu.memref_slice %arg13[%dma_start3A_78, %dma_start3A_79] : memref<200x128xf32, #tpu.memory_space<vmem>> -> memref<128x128xf32, #tpu.memory_space<vmem>>
      %dma_start3A_81 = arith.constant 0 : i32
      %dma_start3A_82 = tpu.memref_slice %arg9[%dma_start3A_81] : memref<200xi32, #tpu.memory_space<vmem>> -> memref<128xi32, #tpu.memory_space<vmem>>
      %dma_start3A_83 = arith.constant 0 : i32
      %dma_start3A_84 = arith.constant 0 : i32
      %dma_start3A_85 = tpu.memref_slice %arg3[%dma_start3A_83, %dma_start3A_84] : memref<10000x128xf32, #tpu.memory_space<hbm>> -> memref<10000x128xf32, #tpu.memory_space<hbm>>
      tpu.enqueue_indirect_dma source(%dma_start3A_85 : memref<10000x128xf32, #tpu.memory_space<hbm>>) target(%dma_start3A_80 : memref<128x128xf32, #tpu.memory_space<vmem>>) offsets(%dma_start3A_82 : memref<128xi32, #tpu.memory_space<vmem>>) semaphore(%arg17 : memref<!tpu.dma_semaphore, #tpu.memory_space<semaphore_mem>>)
      %dma_start3A_86 = arith.constant 128 : i32
      %dma_start3A_87 = arith.constant 0 : i32
      %dma_start3A_88 = tpu.memref_slice %arg12[%dma_start3A_86, %dma_start3A_87] : memref<200x128xf32, #tpu.memory_space<vmem>> -> memref<72x128xf32, #tpu.memory_space<vmem>>
      %dma_start3A_89 = arith.constant 128 : i32
      %dma_start3A_90 = tpu.memref_slice %arg8[%dma_start3A_89] : memref<200xi32, #tpu.memory_space<vmem>> -> memref<72xi32, #tpu.memory_space<vmem>>
      %dma_start3A_91 = arith.constant 0 : i32
      %dma_start3A_92 = arith.constant 0 : i32
      %dma_start3A_93 = tpu.memref_slice %arg2[%dma_start3A_91, %dma_start3A_92] : memref<10000x128xf32, #tpu.memory_space<hbm>> -> memref<10000x128xf32, #tpu.memory_space<hbm>>
      tpu.enqueue_indirect_dma source(%dma_start3A_93 : memref<10000x128xf32, #tpu.memory_space<hbm>>) target(%dma_start3A_88 : memref<72x128xf32, #tpu.memory_space<vmem>>) offsets(%dma_start3A_90 : memref<72xi32, #tpu.memory_space<vmem>>) semaphore(%arg17 : memref<!tpu.dma_semaphore, #tpu.memory_space<semaphore_mem>>)
      %dma_start3A_94 = arith.constant 128 : i32
      %dma_start3A_95 = arith.constant 0 : i32
      %dma_start3A_96 = tpu.memref_slice %arg13[%dma_start3A_94, %dma_start3A_95] : memref<200x128xf32, #tpu.memory_space<vmem>> -> memref<72x128xf32, #tpu.memory_space<vmem>>
      %dma_start3A_97 = arith.constant 128 : i32
      %dma_start3A_98 = tpu.memref_slice %arg9[%dma_start3A_97] : memref<200xi32, #tpu.memory_space<vmem>> -> memref<72xi32, #tpu.memory_space<vmem>>
      %dma_start3A_99 = arith.constant 0 : i32
      %dma_start3A_100 = arith.constant 0 : i32
      %dma_start3A_101 = tpu.memref_slice %arg3[%dma_start3A_99, %dma_start3A_100] : memref<10000x128xf32, #tpu.memory_space<hbm>> -> memref<10000x128xf32, #tpu.memory_space<hbm>>
      tpu.enqueue_indirect_dma source(%dma_start3A_101 : memref<10000x128xf32, #tpu.memory_space<hbm>>) target(%dma_start3A_96 : memref<72x128xf32, #tpu.memory_space<vmem>>) offsets(%dma_start3A_98 : memref<72xi32, #tpu.memory_space<vmem>>) semaphore(%arg17 : memref<!tpu.dma_semaphore, #tpu.memory_space<semaphore_mem>>)
      %dma_wait3A_102 = arith.constant 0 : i32
      %dma_wait3A_103 = arith.constant 0 : i32
      %dma_wait3A_104 = tpu.memref_slice %arg12[%dma_wait3A_102, %dma_wait3A_103] : memref<200x128xf32, #tpu.memory_space<vmem>> -> memref<128x128xf32, #tpu.memory_space<vmem>>
      %dma_wait3A_105 = arith.constant 0 : i32
      %dma_wait3A_106 = tpu.memref_slice %arg8[%dma_wait3A_105] : memref<200xi32, #tpu.memory_space<vmem>> -> memref<128xi32, #tpu.memory_space<vmem>>
      %dma_wait3A_107 = arith.constant 0 : i32
      %dma_wait3A_108 = arith.constant 0 : i32
      %dma_wait3A_109 = tpu.memref_slice %arg2[%dma_wait3A_107, %dma_wait3A_108] : memref<10000x128xf32, #tpu.memory_space<hbm>> -> memref<10000x128xf32, #tpu.memory_space<hbm>>
      tpu.wait_indirect_dma semaphore(%arg17 : memref<!tpu.dma_semaphore, #tpu.memory_space<semaphore_mem>>) src(%dma_wait3A_109 : memref<10000x128xf32, #tpu.memory_space<hbm>>) dst(%dma_wait3A_104 : memref<128x128xf32, #tpu.memory_space<vmem>>)
      %dma_wait3A_110 = arith.constant 0 : i32
      %dma_wait3A_111 = arith.constant 0 : i32
      %dma_wait3A_112 = tpu.memref_slice %arg13[%dma_wait3A_110, %dma_wait3A_111] : memref<200x128xf32, #tpu.memory_space<vmem>> -> memref<128x128xf32, #tpu.memory_space<vmem>>
      %dma_wait3A_113 = arith.constant 0 : i32
      %dma_wait3A_114 = tpu.memref_slice %arg9[%dma_wait3A_113] : memref<200xi32, #tpu.memory_space<vmem>> -> memref<128xi32, #tpu.memory_space<vmem>>
      %dma_wait3A_115 = arith.constant 0 : i32
      %dma_wait3A_116 = arith.constant 0 : i32
      %dma_wait3A_117 = tpu.memref_slice %arg3[%dma_wait3A_115, %dma_wait3A_116] : memref<10000x128xf32, #tpu.memory_space<hbm>> -> memref<10000x128xf32, #tpu.memory_space<hbm>>
      tpu.wait_indirect_dma semaphore(%arg17 : memref<!tpu.dma_semaphore, #tpu.memory_space<semaphore_mem>>) src(%dma_wait3A_117 : memref<10000x128xf32, #tpu.memory_space<hbm>>) dst(%dma_wait3A_112 : memref<128x128xf32, #tpu.memory_space<vmem>>)
      %dma_wait3A_118 = arith.constant 128 : i32
      %dma_wait3A_119 = arith.constant 0 : i32
      %dma_wait3A_120 = tpu.memref_slice %arg12[%dma_wait3A_118, %dma_wait3A_119] : memref<200x128xf32, #tpu.memory_space<vmem>> -> memref<72x128xf32, #tpu.memory_space<vmem>>
      %dma_wait3A_121 = arith.constant 128 : i32
      %dma_wait3A_122 = tpu.memref_slice %arg8[%dma_wait3A_121] : memref<200xi32, #tpu.memory_space<vmem>> -> memref<72xi32, #tpu.memory_space<vmem>>
      %dma_wait3A_123 = arith.constant 0 : i32
      %dma_wait3A_124 = arith.constant 0 : i32
      %dma_wait3A_125 = tpu.memref_slice %arg2[%dma_wait3A_123, %dma_wait3A_124] : memref<10000x128xf32, #tpu.memory_space<hbm>> -> memref<10000x128xf32, #tpu.memory_space<hbm>>
      tpu.wait_indirect_dma semaphore(%arg17 : memref<!tpu.dma_semaphore, #tpu.memory_space<semaphore_mem>>) src(%dma_wait3A_125 : memref<10000x128xf32, #tpu.memory_space<hbm>>) dst(%dma_wait3A_120 : memref<72x128xf32, #tpu.memory_space<vmem>>)
      %dma_wait3A_126 = arith.constant 128 : i32
      %dma_wait3A_127 = arith.constant 0 : i32
      %dma_wait3A_128 = tpu.memref_slice %arg13[%dma_wait3A_126, %dma_wait3A_127] : memref<200x128xf32, #tpu.memory_space<vmem>> -> memref<72x128xf32, #tpu.memory_space<vmem>>
      %dma_wait3A_129 = arith.constant 128 : i32
      %dma_wait3A_130 = tpu.memref_slice %arg9[%dma_wait3A_129] : memref<200xi32, #tpu.memory_space<vmem>> -> memref<72xi32, #tpu.memory_space<vmem>>
      %dma_wait3A_131 = arith.constant 0 : i32
      %dma_wait3A_132 = arith.constant 0 : i32
      %dma_wait3A_133 = tpu.memref_slice %arg3[%dma_wait3A_131, %dma_wait3A_132] : memref<10000x128xf32, #tpu.memory_space<hbm>> -> memref<10000x128xf32, #tpu.memory_space<hbm>>
      tpu.wait_indirect_dma semaphore(%arg17 : memref<!tpu.dma_semaphore, #tpu.memory_space<semaphore_mem>>) src(%dma_wait3A_133 : memref<10000x128xf32, #tpu.memory_space<hbm>>) dst(%dma_wait3A_128 : memref<72x128xf32, #tpu.memory_space<vmem>>)
      %dma_start3A_134 = arith.constant 0 : i32
      %dma_start3A_135 = tpu.memref_slice %arg6[%add3A_53, %dma_start3A_134] : memref<320000x128xf32, #tpu.memory_space<hbm>> -> memref<200x128xf32, #tpu.memory_space<hbm>>
      %dma_start3A_136 = arith.constant 0 : i32
      %dma_start3A_137 = tpu.memref_slice %arg6[%add3A_53, %dma_start3A_136] : memref<320000x128xf32, #tpu.memory_space<hbm>> -> memref<200x128xf32, #tpu.memory_space<hbm>>
      tpu.enqueue_dma source(%arg12 : memref<200x128xf32, #tpu.memory_space<vmem>>) target(%dma_start3A_137 : memref<200x128xf32, #tpu.memory_space<hbm>>) target_semaphore(%arg19 : memref<!tpu.dma_semaphore, #tpu.memory_space<semaphore_mem>>)
      %dma_start3A_138 = arith.constant 0 : i32
      %dma_start3A_139 = tpu.memref_slice %arg7[%add3A_53, %dma_start3A_138] : memref<320000x128xf32, #tpu.memory_space<hbm>> -> memref<200x128xf32, #tpu.memory_space<hbm>>
      %dma_start3A_140 = arith.constant 0 : i32
      %dma_start3A_141 = tpu.memref_slice %arg7[%add3A_53, %dma_start3A_140] : memref<320000x128xf32, #tpu.memory_space<hbm>> -> memref<200x128xf32, #tpu.memory_space<hbm>>
      tpu.enqueue_dma source(%arg13 : memref<200x128xf32, #tpu.memory_space<vmem>>) target(%dma_start3A_141 : memref<200x128xf32, #tpu.memory_space<hbm>>) target_semaphore(%arg19 : memref<!tpu.dma_semaphore, #tpu.memory_space<semaphore_mem>>)
      %mul3A_142 = arith.constant 2 : i32
      %mul3A_143 = arith.muli %mul3A_142, %scan3A_46 : i32
      %add3A_144 = arith.constant 1 : i32
      %add3A_145 = arith.addi %mul3A_143, %add3A_144 : i32
      %mul3A_146 = arith.constant 200 : i32
      %mul3A_147 = arith.muli %add3A_145, %mul3A_146 : i32
      %add3A_148 = arith.addi %mul3A_2, %mul3A_147 : i32
      %dma_wait3A_149 = arith.constant 0 : i32
      %dma_wait3A_150 = tpu.memref_slice %arg6[%add3A_148, %dma_wait3A_149] : memref<320000x128xf32, #tpu.memory_space<hbm>> -> memref<200x128xf32, #tpu.memory_space<hbm>>
      %dma_wait3A_151 = arith.constant 0 : i32
      %dma_wait3A_152 = tpu.memref_slice %arg6[%add3A_148, %dma_wait3A_151] : memref<320000x128xf32, #tpu.memory_space<hbm>> -> memref<200x128xf32, #tpu.memory_space<hbm>>
      tpu.wait_dma2 semaphore(%arg20 : memref<!tpu.dma_semaphore, #tpu.memory_space<semaphore_mem>>) src(%arg14 : memref<200x128xf32, #tpu.memory_space<vmem>>) dst(%dma_wait3A_152 : memref<200x128xf32, #tpu.memory_space<hbm>>)
      %dma_wait3A_153 = arith.constant 0 : i32
      %dma_wait3A_154 = tpu.memref_slice %arg7[%add3A_148, %dma_wait3A_153] : memref<320000x128xf32, #tpu.memory_space<hbm>> -> memref<200x128xf32, #tpu.memory_space<hbm>>
      %dma_wait3A_155 = arith.constant 0 : i32
      %dma_wait3A_156 = tpu.memref_slice %arg7[%add3A_148, %dma_wait3A_155] : memref<320000x128xf32, #tpu.memory_space<hbm>> -> memref<200x128xf32, #tpu.memory_space<hbm>>
      tpu.wait_dma2 semaphore(%arg20 : memref<!tpu.dma_semaphore, #tpu.memory_space<semaphore_mem>>) src(%arg15 : memref<200x128xf32, #tpu.memory_space<vmem>>) dst(%dma_wait3A_156 : memref<200x128xf32, #tpu.memory_space<hbm>>)
      %dma_start3A_157 = tpu.memref_slice %arg4[%add3A_148] : memref<320000xi32, #tpu.memory_space<hbm>> -> memref<200xi32, #tpu.memory_space<hbm>>
      %dma_start3A_158 = tpu.memref_slice %arg4[%add3A_148] : memref<320000xi32, #tpu.memory_space<hbm>> -> memref<200xi32, #tpu.memory_space<hbm>>
      tpu.enqueue_dma source(%dma_start3A_158 : memref<200xi32, #tpu.memory_space<hbm>>) target(%arg10 : memref<200xi32, #tpu.memory_space<vmem>>) target_semaphore(%arg16 : memref<!tpu.dma_semaphore, #tpu.memory_space<semaphore_mem>>)
      %dma_start3A_159 = tpu.memref_slice %arg5[%add3A_148] : memref<320000xi32, #tpu.memory_space<hbm>> -> memref<200xi32, #tpu.memory_space<hbm>>
      %dma_start3A_160 = tpu.memref_slice %arg5[%add3A_148] : memref<320000xi32, #tpu.memory_space<hbm>> -> memref<200xi32, #tpu.memory_space<hbm>>
      tpu.enqueue_dma source(%dma_start3A_160 : memref<200xi32, #tpu.memory_space<hbm>>) target(%arg11 : memref<200xi32, #tpu.memory_space<vmem>>) target_semaphore(%arg16 : memref<!tpu.dma_semaphore, #tpu.memory_space<semaphore_mem>>)
      %dma_wait3A_161 = tpu.memref_slice %arg4[%add3A_148] : memref<320000xi32, #tpu.memory_space<hbm>> -> memref<200xi32, #tpu.memory_space<hbm>>
      %dma_wait3A_162 = tpu.memref_slice %arg4[%add3A_148] : memref<320000xi32, #tpu.memory_space<hbm>> -> memref<200xi32, #tpu.memory_space<hbm>>
      tpu.wait_dma2 semaphore(%arg16 : memref<!tpu.dma_semaphore, #tpu.memory_space<semaphore_mem>>) src(%dma_wait3A_162 : memref<200xi32, #tpu.memory_space<hbm>>) dst(%arg10 : memref<200xi32, #tpu.memory_space<vmem>>)
      %dma_wait3A_163 = tpu.memref_slice %arg5[%add3A_148] : memref<320000xi32, #tpu.memory_space<hbm>> -> memref<200xi32, #tpu.memory_space<hbm>>
      %dma_wait3A_164 = tpu.memref_slice %arg5[%add3A_148] : memref<320000xi32, #tpu.memory_space<hbm>> -> memref<200xi32, #tpu.memory_space<hbm>>
      tpu.wait_dma2 semaphore(%arg16 : memref<!tpu.dma_semaphore, #tpu.memory_space<semaphore_mem>>) src(%dma_wait3A_164 : memref<200xi32, #tpu.memory_space<hbm>>) dst(%arg11 : memref<200xi32, #tpu.memory_space<vmem>>)
      %dma_start3A_165 = arith.constant 0 : i32
      %dma_start3A_166 = arith.constant 0 : i32
      %dma_start3A_167 = tpu.memref_slice %arg14[%dma_start3A_165, %dma_start3A_166] : memref<200x128xf32, #tpu.memory_space<vmem>> -> memref<128x128xf32, #tpu.memory_space<vmem>>
      %dma_start3A_168 = arith.constant 0 : i32
      %dma_start3A_169 = tpu.memref_slice %arg10[%dma_start3A_168] : memref<200xi32, #tpu.memory_space<vmem>> -> memref<128xi32, #tpu.memory_space<vmem>>
      %dma_start3A_170 = arith.constant 0 : i32
      %dma_start3A_171 = arith.constant 0 : i32
      %dma_start3A_172 = tpu.memref_slice %arg2[%dma_start3A_170, %dma_start3A_171] : memref<10000x128xf32, #tpu.memory_space<hbm>> -> memref<10000x128xf32, #tpu.memory_space<hbm>>
      tpu.enqueue_indirect_dma source(%dma_start3A_172 : memref<10000x128xf32, #tpu.memory_space<hbm>>) target(%dma_start3A_167 : memref<128x128xf32, #tpu.memory_space<vmem>>) offsets(%dma_start3A_169 : memref<128xi32, #tpu.memory_space<vmem>>) semaphore(%arg18 : memref<!tpu.dma_semaphore, #tpu.memory_space<semaphore_mem>>)
      %dma_start3A_173 = arith.constant 0 : i32
      %dma_start3A_174 = arith.constant 0 : i32
      %dma_start3A_175 = tpu.memref_slice %arg15[%dma_start3A_173, %dma_start3A_174] : memref<200x128xf32, #tpu.memory_space<vmem>> -> memref<128x128xf32, #tpu.memory_space<vmem>>
      %dma_start3A_176 = arith.constant 0 : i32
      %dma_start3A_177 = tpu.memref_slice %arg11[%dma_start3A_176] : memref<200xi32, #tpu.memory_space<vmem>> -> memref<128xi32, #tpu.memory_space<vmem>>
      %dma_start3A_178 = arith.constant 0 : i32
      %dma_start3A_179 = arith.constant 0 : i32
      %dma_start3A_180 = tpu.memref_slice %arg3[%dma_start3A_178, %dma_start3A_179] : memref<10000x128xf32, #tpu.memory_space<hbm>> -> memref<10000x128xf32, #tpu.memory_space<hbm>>
      tpu.enqueue_indirect_dma source(%dma_start3A_180 : memref<10000x128xf32, #tpu.memory_space<hbm>>) target(%dma_start3A_175 : memref<128x128xf32, #tpu.memory_space<vmem>>) offsets(%dma_start3A_177 : memref<128xi32, #tpu.memory_space<vmem>>) semaphore(%arg18 : memref<!tpu.dma_semaphore, #tpu.memory_space<semaphore_mem>>)
      %dma_start3A_181 = arith.constant 128 : i32
      %dma_start3A_182 = arith.constant 0 : i32
      %dma_start3A_183 = tpu.memref_slice %arg14[%dma_start3A_181, %dma_start3A_182] : memref<200x128xf32, #tpu.memory_space<vmem>> -> memref<72x128xf32, #tpu.memory_space<vmem>>
      %dma_start3A_184 = arith.constant 128 : i32
      %dma_start3A_185 = tpu.memref_slice %arg10[%dma_start3A_184] : memref<200xi32, #tpu.memory_space<vmem>> -> memref<72xi32, #tpu.memory_space<vmem>>
      %dma_start3A_186 = arith.constant 0 : i32
      %dma_start3A_187 = arith.constant 0 : i32
      %dma_start3A_188 = tpu.memref_slice %arg2[%dma_start3A_186, %dma_start3A_187] : memref<10000x128xf32, #tpu.memory_space<hbm>> -> memref<10000x128xf32, #tpu.memory_space<hbm>>
      tpu.enqueue_indirect_dma source(%dma_start3A_188 : memref<10000x128xf32, #tpu.memory_space<hbm>>) target(%dma_start3A_183 : memref<72x128xf32, #tpu.memory_space<vmem>>) offsets(%dma_start3A_185 : memref<72xi32, #tpu.memory_space<vmem>>) semaphore(%arg18 : memref<!tpu.dma_semaphore, #tpu.memory_space<semaphore_mem>>)
      %dma_start3A_189 = arith.constant 128 : i32
      %dma_start3A_190 = arith.constant 0 : i32
      %dma_start3A_191 = tpu.memref_slice %arg15[%dma_start3A_189, %dma_start3A_190] : memref<200x128xf32, #tpu.memory_space<vmem>> -> memref<72x128xf32, #tpu.memory_space<vmem>>
      %dma_start3A_192 = arith.constant 128 : i32
      %dma_start3A_193 = tpu.memref_slice %arg11[%dma_start3A_192] : memref<200xi32, #tpu.memory_space<vmem>> -> memref<72xi32, #tpu.memory_space<vmem>>
      %dma_start3A_194 = arith.constant 0 : i32
      %dma_start3A_195 = arith.constant 0 : i32
      %dma_start3A_196 = tpu.memref_slice %arg3[%dma_start3A_194, %dma_start3A_195] : memref<10000x128xf32, #tpu.memory_space<hbm>> -> memref<10000x128xf32, #tpu.memory_space<hbm>>
      tpu.enqueue_indirect_dma source(%dma_start3A_196 : memref<10000x128xf32, #tpu.memory_space<hbm>>) target(%dma_start3A_191 : memref<72x128xf32, #tpu.memory_space<vmem>>) offsets(%dma_start3A_193 : memref<72xi32, #tpu.memory_space<vmem>>) semaphore(%arg18 : memref<!tpu.dma_semaphore, #tpu.memory_space<semaphore_mem>>)
      %dma_wait3A_197 = arith.constant 0 : i32
      %dma_wait3A_198 = arith.constant 0 : i32
      %dma_wait3A_199 = tpu.memref_slice %arg14[%dma_wait3A_197, %dma_wait3A_198] : memref<200x128xf32, #tpu.memory_space<vmem>> -> memref<128x128xf32, #tpu.memory_space<vmem>>
      %dma_wait3A_200 = arith.constant 0 : i32
      %dma_wait3A_201 = tpu.memref_slice %arg10[%dma_wait3A_200] : memref<200xi32, #tpu.memory_space<vmem>> -> memref<128xi32, #tpu.memory_space<vmem>>
      %dma_wait3A_202 = arith.constant 0 : i32
      %dma_wait3A_203 = arith.constant 0 : i32
      %dma_wait3A_204 = tpu.memref_slice %arg2[%dma_wait3A_202, %dma_wait3A_203] : memref<10000x128xf32, #tpu.memory_space<hbm>> -> memref<10000x128xf32, #tpu.memory_space<hbm>>
      tpu.wait_indirect_dma semaphore(%arg18 : memref<!tpu.dma_semaphore, #tpu.memory_space<semaphore_mem>>) src(%dma_wait3A_204 : memref<10000x128xf32, #tpu.memory_space<hbm>>) dst(%dma_wait3A_199 : memref<128x128xf32, #tpu.memory_space<vmem>>)
      %dma_wait3A_205 = arith.constant 0 : i32
      %dma_wait3A_206 = arith.constant 0 : i32
      %dma_wait3A_207 = tpu.memref_slice %arg15[%dma_wait3A_205, %dma_wait3A_206] : memref<200x128xf32, #tpu.memory_space<vmem>> -> memref<128x128xf32, #tpu.memory_space<vmem>>
      %dma_wait3A_208 = arith.constant 0 : i32
      %dma_wait3A_209 = tpu.memref_slice %arg11[%dma_wait3A_208] : memref<200xi32, #tpu.memory_space<vmem>> -> memref<128xi32, #tpu.memory_space<vmem>>
      %dma_wait3A_210 = arith.constant 0 : i32
      %dma_wait3A_211 = arith.constant 0 : i32
      %dma_wait3A_212 = tpu.memref_slice %arg3[%dma_wait3A_210, %dma_wait3A_211] : memref<10000x128xf32, #tpu.memory_space<hbm>> -> memref<10000x128xf32, #tpu.memory_space<hbm>>
      tpu.wait_indirect_dma semaphore(%arg18 : memref<!tpu.dma_semaphore, #tpu.memory_space<semaphore_mem>>) src(%dma_wait3A_212 : memref<10000x128xf32, #tpu.memory_space<hbm>>) dst(%dma_wait3A_207 : memref<128x128xf32, #tpu.memory_space<vmem>>)
      %dma_wait3A_213 = arith.constant 128 : i32
      %dma_wait3A_214 = arith.constant 0 : i32
      %dma_wait3A_215 = tpu.memref_slice %arg14[%dma_wait3A_213, %dma_wait3A_214] : memref<200x128xf32, #tpu.memory_space<vmem>> -> memref<72x128xf32, #tpu.memory_space<vmem>>
      %dma_wait3A_216 = arith.constant 128 : i32
      %dma_wait3A_217 = tpu.memref_slice %arg10[%dma_wait3A_216] : memref<200xi32, #tpu.memory_space<vmem>> -> memref<72xi32, #tpu.memory_space<vmem>>
      %dma_wait3A_218 = arith.constant 0 : i32
      %dma_wait3A_219 = arith.constant 0 : i32
      %dma_wait3A_220 = tpu.memref_slice %arg2[%dma_wait3A_218, %dma_wait3A_219] : memref<10000x128xf32, #tpu.memory_space<hbm>> -> memref<10000x128xf32, #tpu.memory_space<hbm>>
      tpu.wait_indirect_dma semaphore(%arg18 : memref<!tpu.dma_semaphore, #tpu.memory_space<semaphore_mem>>) src(%dma_wait3A_220 : memref<10000x128xf32, #tpu.memory_space<hbm>>) dst(%dma_wait3A_215 : memref<72x128xf32, #tpu.memory_space<vmem>>)
      %dma_wait3A_221 = arith.constant 128 : i32
      %dma_wait3A_222 = arith.constant 0 : i32
      %dma_wait3A_223 = tpu.memref_slice %arg15[%dma_wait3A_221, %dma_wait3A_222] : memref<200x128xf32, #tpu.memory_space<vmem>> -> memref<72x128xf32, #tpu.memory_space<vmem>>
      %dma_wait3A_224 = arith.constant 128 : i32
      %dma_wait3A_225 = tpu.memref_slice %arg11[%dma_wait3A_224] : memref<200xi32, #tpu.memory_space<vmem>> -> memref<72xi32, #tpu.memory_space<vmem>>
      %dma_wait3A_226 = arith.constant 0 : i32
      %dma_wait3A_227 = arith.constant 0 : i32
      %dma_wait3A_228 = tpu.memref_slice %arg3[%dma_wait3A_226, %dma_wait3A_227] : memref<10000x128xf32, #tpu.memory_space<hbm>> -> memref<10000x128xf32, #tpu.memory_space<hbm>>
      tpu.wait_indirect_dma semaphore(%arg18 : memref<!tpu.dma_semaphore, #tpu.memory_space<semaphore_mem>>) src(%dma_wait3A_228 : memref<10000x128xf32, #tpu.memory_space<hbm>>) dst(%dma_wait3A_223 : memref<72x128xf32, #tpu.memory_space<vmem>>)
      %dma_start3A_229 = arith.constant 0 : i32
      %dma_start3A_230 = tpu.memref_slice %arg6[%add3A_148, %dma_start3A_229] : memref<320000x128xf32, #tpu.memory_space<hbm>> -> memref<200x128xf32, #tpu.memory_space<hbm>>
      %dma_start3A_231 = arith.constant 0 : i32
      %dma_start3A_232 = tpu.memref_slice %arg6[%add3A_148, %dma_start3A_231] : memref<320000x128xf32, #tpu.memory_space<hbm>> -> memref<200x128xf32, #tpu.memory_space<hbm>>
      tpu.enqueue_dma source(%arg14 : memref<200x128xf32, #tpu.memory_space<vmem>>) target(%dma_start3A_232 : memref<200x128xf32, #tpu.memory_space<hbm>>) target_semaphore(%arg20 : memref<!tpu.dma_semaphore, #tpu.memory_space<semaphore_mem>>)
      %dma_start3A_233 = arith.constant 0 : i32
      %dma_start3A_234 = tpu.memref_slice %arg7[%add3A_148, %dma_start3A_233] : memref<320000x128xf32, #tpu.memory_space<hbm>> -> memref<200x128xf32, #tpu.memory_space<hbm>>
      %dma_start3A_235 = arith.constant 0 : i32
      %dma_start3A_236 = tpu.memref_slice %arg7[%add3A_148, %dma_start3A_235] : memref<320000x128xf32, #tpu.memory_space<hbm>> -> memref<200x128xf32, #tpu.memory_space<hbm>>
      tpu.enqueue_dma source(%arg15 : memref<200x128xf32, #tpu.memory_space<vmem>>) target(%dma_start3A_236 : memref<200x128xf32, #tpu.memory_space<hbm>>) target_semaphore(%arg20 : memref<!tpu.dma_semaphore, #tpu.memory_space<semaphore_mem>>)
    }
    %scan3A_26 = arith.constant 25 : i32
    %add3A_27 = arith.constant 0 : i32
    %add3A_28 = arith.addi %mul3A_2, %add3A_27 : i32
    %dma_wait3A = arith.constant 0 : i32
    %dma_wait3A_29 = tpu.memref_slice %arg6[%add3A_28, %dma_wait3A] : memref<320000x128xf32, #tpu.memory_space<hbm>> -> memref<200x128xf32, #tpu.memory_space<hbm>>
    %dma_wait3A_30 = arith.constant 0 : i32
    %dma_wait3A_31 = tpu.memref_slice %arg6[%add3A_28, %dma_wait3A_30] : memref<320000x128xf32, #tpu.memory_space<hbm>> -> memref<200x128xf32, #tpu.memory_space<hbm>>
    tpu.wait_dma2 semaphore(%arg19 : memref<!tpu.dma_semaphore, #tpu.memory_space<semaphore_mem>>) src(%arg12 : memref<200x128xf32, #tpu.memory_space<vmem>>) dst(%dma_wait3A_31 : memref<200x128xf32, #tpu.memory_space<hbm>>)
    %dma_wait3A_32 = arith.constant 0 : i32
    %dma_wait3A_33 = tpu.memref_slice %arg7[%add3A_28, %dma_wait3A_32] : memref<320000x128xf32, #tpu.memory_space<hbm>> -> memref<200x128xf32, #tpu.memory_space<hbm>>
    %dma_wait3A_34 = arith.constant 0 : i32
    %dma_wait3A_35 = tpu.memref_slice %arg7[%add3A_28, %dma_wait3A_34] : memref<320000x128xf32, #tpu.memory_space<hbm>> -> memref<200x128xf32, #tpu.memory_space<hbm>>
    tpu.wait_dma2 semaphore(%arg19 : memref<!tpu.dma_semaphore, #tpu.memory_space<semaphore_mem>>) src(%arg13 : memref<200x128xf32, #tpu.memory_space<vmem>>) dst(%dma_wait3A_35 : memref<200x128xf32, #tpu.memory_space<hbm>>)
    %add3A_36 = arith.constant 200 : i32
    %add3A_37 = arith.addi %mul3A_2, %add3A_36 : i32
    %dma_wait3A_38 = arith.constant 0 : i32
    %dma_wait3A_39 = tpu.memref_slice %arg6[%add3A_37, %dma_wait3A_38] : memref<320000x128xf32, #tpu.memory_space<hbm>> -> memref<200x128xf32, #tpu.memory_space<hbm>>
    %dma_wait3A_40 = arith.constant 0 : i32
    %dma_wait3A_41 = tpu.memref_slice %arg6[%add3A_37, %dma_wait3A_40] : memref<320000x128xf32, #tpu.memory_space<hbm>> -> memref<200x128xf32, #tpu.memory_space<hbm>>
    tpu.wait_dma2 semaphore(%arg20 : memref<!tpu.dma_semaphore, #tpu.memory_space<semaphore_mem>>) src(%arg14 : memref<200x128xf32, #tpu.memory_space<vmem>>) dst(%dma_wait3A_41 : memref<200x128xf32, #tpu.memory_space<hbm>>)
    %dma_wait3A_42 = arith.constant 0 : i32
    %dma_wait3A_43 = tpu.memref_slice %arg7[%add3A_37, %dma_wait3A_42] : memref<320000x128xf32, #tpu.memory_space<hbm>> -> memref<200x128xf32, #tpu.memory_space<hbm>>
    %dma_wait3A_44 = arith.constant 0 : i32
    %dma_wait3A_45 = tpu.memref_slice %arg7[%add3A_37, %dma_wait3A_44] : memref<320000x128xf32, #tpu.memory_space<hbm>> -> memref<200x128xf32, #tpu.memory_space<hbm>>
    tpu.wait_dma2 semaphore(%arg20 : memref<!tpu.dma_semaphore, #tpu.memory_space<semaphore_mem>>) src(%arg15 : memref<200x128xf32, #tpu.memory_space<vmem>>) dst(%dma_wait3A_45 : memref<200x128xf32, #tpu.memory_space<hbm>>)
    return
  }
}

module attributes {stable_mosaic.version = 14 : i64} {
  func.func @_fuse_w_body(%arg0: memref<128x128xf32, #tpu.memory_space<vmem>>, %arg1: memref<128x128xf32, #tpu.memory_space<vmem>>, %arg2: memref<1x128xf32, #tpu.memory_space<vmem>>, %arg3: memref<1x128xf32, #tpu.memory_space<vmem>>, %arg4: memref<128x128xf32, #tpu.memory_space<vmem>>, %arg5: memref<1x128xf32, #tpu.memory_space<vmem>>) attributes {dimension_semantics = [], scalar_prefetch = 0 : i64, scratch_operands = 0 : i64, tpu.core_type = #tpu.core_type<tc>} {
    %get3A = arith.constant 0 : index
    %get3A_0 = arith.constant 0 : index
    %get3A_1 = vector.load %arg0[%get3A, %get3A_0] : memref<128x128xf32, #tpu.memory_space<vmem>>, vector<128x128xf32>
    %get3A_2 = arith.constant 0 : index
    %get3A_3 = arith.constant 0 : index
    %get3A_4 = vector.load %arg1[%get3A_2, %get3A_3] : memref<128x128xf32, #tpu.memory_space<vmem>>, vector<128x128xf32>
    %dot_general3A = arith.constant dense<0.000000e+00> : vector<128x128xf32>
    %dot_general3A_5 = tpu.matmul %get3A_1, %get3A_4, %dot_general3A {dimension_numbers = #tpu.dot_dimension_numbers<[1], [0], [0], [1], [0, 0, 1, 1], [], []>, transpose_lhs_hint = false} : vector<128x128xf32>, vector<128x128xf32>, vector<128x128xf32> -> vector<128x128xf32>
    %swap3A = arith.constant 0 : index
    %swap3A_6 = arith.constant 0 : index
    %swap3A_7 = vector.load %arg4[%swap3A, %swap3A_6] : memref<128x128xf32, #tpu.memory_space<vmem>>, vector<128x128xf32>
    tpu.vector_store %arg4[%swap3A, %swap3A_6], %dot_general3A_5 {strides = array<i32>} : memref<128x128xf32, #tpu.memory_space<vmem>>, vector<128x128xf32>,
    %get3A_8 = arith.constant 0 : index
    %get3A_9 = arith.constant 0 : index
    %get3A_10 = vector.load %arg2[%get3A_8, %get3A_9] : memref<1x128xf32, #tpu.memory_space<vmem>>, vector<1x128xf32>
    %get3A_11 = arith.constant 0 : index
    %get3A_12 = arith.constant 0 : index
    %get3A_13 = vector.load %arg1[%get3A_11, %get3A_12] : memref<128x128xf32, #tpu.memory_space<vmem>>, vector<128x128xf32>
    %dot_general3A_14 = arith.constant dense<0.000000e+00> : vector<1x128xf32>
    %dot_general3A_15 = tpu.matmul %get3A_10, %get3A_13, %dot_general3A_14 {dimension_numbers = #tpu.dot_dimension_numbers<[1], [0], [0], [1], [0, 0, 1, 1], [], []>, transpose_lhs_hint = false} : vector<1x128xf32>, vector<128x128xf32>, vector<1x128xf32> -> vector<1x128xf32>
    %get3A_16 = arith.constant 0 : index
    %get3A_17 = arith.constant 0 : index
    %get3A_18 = vector.load %arg3[%get3A_16, %get3A_17] : memref<1x128xf32, #tpu.memory_space<vmem>>, vector<1x128xf32>
    %add3A = arith.addf %dot_general3A_15, %get3A_18 : vector<1x128xf32>
    %swap3A_19 = arith.constant 0 : index
    %swap3A_20 = arith.constant 0 : index
    %swap3A_21 = vector.load %arg5[%swap3A_19, %swap3A_20] : memref<1x128xf32, #tpu.memory_space<vmem>>, vector<1x128xf32>
    tpu.vector_store %arg5[%swap3A_19, %swap3A_20], %add3A {strides = array<i32>} : memref<1x128xf32, #tpu.memory_space<vmem>>, vector<1x128xf32>,
    return
  }
}

module attributes {stable_mosaic.version = 14 : i64} {
  func.func @_edge_stats_body(%arg0: i32, %arg1: memref<4000x128xf32, #tpu.memory_space<vmem>>, %arg2: memref<4000x128xf32, #tpu.memory_space<vmem>>, %arg3: memref<4000x16xf32, #tpu.memory_space<vmem>>, %arg4: memref<272x128xf32, #tpu.memory_space<vmem>>, %arg5: memref<1x128xf32, #tpu.memory_space<vmem>>, %arg6: memref<4000x128xbf16, #tpu.memory_space<vmem>>, %arg7: memref<8x128xf32, #tpu.memory_space<vmem>>) attributes {dimension_semantics = [#tpu.dimension_semantics<arbitrary>], iteration_bounds = array<i64: 80>, scalar_prefetch = 0 : i64, scratch_operands = 0 : i64, tpu.core_type = #tpu.core_type<tc>, window_params = [{transform_indices = @transform_0, window_bounds = array<i64: 4000, 128>}, {transform_indices = @transform_1, window_bounds = array<i64: 4000, 128>}, {transform_indices = @transform_2, window_bounds = array<i64: 4000, 16>}, {pipeline_mode = #tpu.pipeline_mode<synchronous>, transform_indices = @transform_3, window_bounds = array<i64: 272, 128>}, {pipeline_mode = #tpu.pipeline_mode<synchronous>, transform_indices = @transform_4, window_bounds = array<i64: 1, 128>}, {transform_indices = @transform_5, window_bounds = array<i64: 4000, 128>}, {pipeline_mode = #tpu.pipeline_mode<synchronous>, transform_indices = @transform_6, window_bounds = array<i64: 8, 128>}]} {
    %get3A = arith.constant 0 : index
    %get3A_0 = arith.constant 0 : index
    %get3A_1 = vector.load %arg3[%get3A, %get3A_0] : memref<4000x16xf32, #tpu.memory_space<vmem>>, vector<4000x16xf32>
    %get3A_2 = arith.constant 256 : index
    %get3A_3 = arith.constant 0 : index
    %get3A_4 = vector.load %arg4[%get3A_2, %get3A_3] : memref<272x128xf32, #tpu.memory_space<vmem>>, vector<16x128xf32>
    %dot_general3A = arith.constant dense<0.000000e+00> : vector<4000x128xf32>
    %dot_general3A_5 = tpu.matmul %get3A_1, %get3A_4, %dot_general3A {dimension_numbers = #tpu.dot_dimension_numbers<[1], [0], [0], [1], [0, 0, 1, 1], [], []>, transpose_lhs_hint = false} : vector<4000x16xf32>, vector<16x128xf32>, vector<4000x128xf32> -> vector<4000x128xf32>
    %get3A_6 = arith.constant 0 : index
    %get3A_7 = arith.constant 0 : index
    %get3A_8 = vector.load %arg5[%get3A_6, %get3A_7] : memref<1x128xf32, #tpu.memory_space<vmem>>, vector<1x128xf32>
    %add3A = vector.broadcast %get3A_8 : vector<1x128xf32> to vector<4000x128xf32>
    %add3A_9 = arith.addf %dot_general3A_5, %add3A : vector<4000x128xf32>
    %get3A_10 = arith.constant 0 : index
    %get3A_11 = arith.constant 0 : index
    %get3A_12 = vector.load %arg1[%get3A_10, %get3A_11] : memref<4000x128xf32, #tpu.memory_space<vmem>>, vector<4000x128xf32>
    %get3A_13 = arith.constant 0 : index
    %get3A_14 = arith.constant 0 : index
    %get3A_15 = vector.load %arg2[%get3A_13, %get3A_14] : memref<4000x128xf32, #tpu.memory_space<vmem>>, vector<4000x128xf32>
    %add3A_16 = arith.addf %get3A_12, %get3A_15 : vector<4000x128xf32>
    %add3A_17 = arith.addf %add3A_16, %add3A_9 : vector<4000x128xf32>
    %convert_element_type3A = arith.truncf %add3A_17 : vector<4000x128xf32> to vector<4000x128xbf16>
    %swap3A = arith.constant 0 : index
    %swap3A_18 = arith.constant 0 : index
    %swap3A_19 = vector.load %arg6[%swap3A, %swap3A_18] : memref<4000x128xbf16, #tpu.memory_space<vmem>>, vector<4000x128xbf16>
    tpu.vector_store %arg6[%swap3A, %swap3A_18], %convert_element_type3A {strides = array<i32>} : memref<4000x128xbf16, #tpu.memory_space<vmem>>, vector<4000x128xbf16>,
    %eq3A = arith.constant 0 : i32
    %eq3A_20 = arith.cmpi eq, %arg0, %eq3A : i32
    %convert_element_type3A_21 = arith.extui %eq3A_20 : i1 to i32
    %cond3A = arith.constant 0 : i32
    %cond3A_22 = arith.cmpi ne, %convert_element_type3A_21, %cond3A : i32
    scf.if %cond3A_22 {
      %broadcast_in_dim3A = arith.constant 0.000000e+00 : f32
      %broadcast_in_dim3A_46 = vector.broadcast %broadcast_in_dim3A : f32 to vector<8x128xf32>
      %swap3A_47 = arith.constant 0 : index
      %swap3A_48 = arith.constant 0 : index
      %swap3A_49 = vector.load %arg7[%swap3A_47, %swap3A_48] : memref<8x128xf32, #tpu.memory_space<vmem>>, vector<8x128xf32>
      tpu.vector_store %arg7[%swap3A_47, %swap3A_48], %broadcast_in_dim3A_46 {strides = array<i32>} : memref<8x128xf32, #tpu.memory_space<vmem>>, vector<8x128xf32>,
    } else {
    }
    %get3A_23 = arith.constant 0 : index
    %get3A_24 = arith.constant 0 : index
    %get3A_25 = vector.load %arg7[%get3A_23, %get3A_24] : memref<8x128xf32, #tpu.memory_space<vmem>>, vector<1x128xf32>
    %get3A_26 = vector.shape_cast %get3A_25 : vector<1x128xf32> to vector<128xf32>
    %reduce_sum3A = arith.constant dense<0.000000e+00> : vector<128xf32>
    %reduce_sum3A_27 = vector.multi_reduction <add>, %add3A_17, %reduce_sum3A [0] : vector<4000x128xf32> to vector<128xf32>
    %add3A_28 = arith.addf %get3A_26, %reduce_sum3A_27 : vector<128xf32>
    %swap3A_29 = arith.constant 0 : index
    %swap3A_30 = arith.constant 0 : index
    %swap3A_31 = vector.load %arg7[%swap3A_29, %swap3A_30] : memref<8x128xf32, #tpu.memory_space<vmem>>, vector<1x128xf32>
    %swap3A_32 = vector.shape_cast %swap3A_31 : vector<1x128xf32> to vector<128xf32>
    %swap3A_33 = vector.shape_cast %add3A_28 : vector<128xf32> to vector<1x128xf32>
    tpu.vector_store %arg7[%swap3A_29, %swap3A_30], %swap3A_33 {strides = array<i32>} : memref<8x128xf32, #tpu.memory_space<vmem>>, vector<1x128xf32>,
    %get3A_34 = arith.constant 1 : index
    %get3A_35 = arith.constant 0 : index
    %get3A_36 = vector.load %arg7[%get3A_34, %get3A_35] : memref<8x128xf32, #tpu.memory_space<vmem>>, vector<1x128xf32>
    %get3A_37 = vector.shape_cast %get3A_36 : vector<1x128xf32> to vector<128xf32>
    %mul3A = arith.mulf %add3A_17, %add3A_17 : vector<4000x128xf32>
    %reduce_sum3A_38 = arith.constant dense<0.000000e+00> : vector<128xf32>
    %reduce_sum3A_39 = vector.multi_reduction <add>, %mul3A, %reduce_sum3A_38 [0] : vector<4000x128xf32> to vector<128xf32>
    %add3A_40 = arith.addf %get3A_37, %reduce_sum3A_39 : vector<128xf32>
    %swap3A_41 = arith.constant 1 : index
    %swap3A_42 = arith.constant 0 : index
    %swap3A_43 = vector.load %arg7[%swap3A_41, %swap3A_42] : memref<8x128xf32, #tpu.memory_space<vmem>>, vector<1x128xf32>
    %swap3A_44 = vector.shape_cast %swap3A_43 : vector<1x128xf32> to vector<128xf32>
    %swap3A_45 = vector.shape_cast %add3A_40 : vector<128xf32> to vector<1x128xf32>
    tpu.vector_store %arg7[%swap3A_41, %swap3A_42], %swap3A_45 {strides = array<i32>} : memref<8x128xf32, #tpu.memory_space<vmem>>, vector<1x128xf32>,
    return
  }
  func.func @transform_0(%arg0: i32) -> (i32, i32) {
    %c0_i32 = arith.constant 0 : i32
    %c0_i32_0 = arith.constant 0 : i32
    return %arg0, %c0_i32 : i32, i32
  }
  func.func @transform_1(%arg0: i32) -> (i32, i32) {
    %c0_i32 = arith.constant 0 : i32
    %c0_i32_0 = arith.constant 0 : i32
    return %arg0, %c0_i32 : i32, i32
  }
  func.func @transform_2(%arg0: i32) -> (i32, i32) {
    %c0_i32 = arith.constant 0 : i32
    %c0_i32_0 = arith.constant 0 : i32
    return %arg0, %c0_i32 : i32, i32
  }
  func.func @transform_3(%arg0: i32) -> (i32, i32) {
    %c0_i32 = arith.constant 0 : i32
    %c0_i32_0 = arith.constant 0 : i32
    %c0_i32_1 = arith.constant 0 : i32
    return %c0_i32, %c0_i32_0 : i32, i32
  }
  func.func @transform_4(%arg0: i32) -> (i32, i32) {
    %c0_i32 = arith.constant 0 : i32
    %c0_i32_0 = arith.constant 0 : i32
    %c0_i32_1 = arith.constant 0 : i32
    return %c0_i32, %c0_i32_0 : i32, i32
  }
  func.func @transform_5(%arg0: i32) -> (i32, i32) {
    %c0_i32 = arith.constant 0 : i32
    %c0_i32_0 = arith.constant 0 : i32
    return %arg0, %c0_i32 : i32, i32
  }
  func.func @transform_6(%arg0: i32) -> (i32, i32) {
    %c0_i32 = arith.constant 0 : i32
    %c0_i32_0 = arith.constant 0 : i32
    %c0_i32_1 = arith.constant 0 : i32
    return %c0_i32, %c0_i32_0 : i32, i32
  }
}

module attributes {stable_mosaic.version = 14 : i64} {
  func.func @_prep_nodes_body(%arg0: i32, %arg1: memref<2000x128xf32, #tpu.memory_space<vmem>>, %arg2: memref<272x128xf32, #tpu.memory_space<vmem>>, %arg3: memref<2000x128xf32, #tpu.memory_space<vmem>>, %arg4: memref<2000x128xf32, #tpu.memory_space<vmem>>) attributes {dimension_semantics = [#tpu.dimension_semantics<arbitrary>], iteration_bounds = array<i64: 5>, scalar_prefetch = 0 : i64, scratch_operands = 0 : i64, tpu.core_type = #tpu.core_type<tc>, window_params = [{transform_indices = @transform_0, window_bounds = array<i64: 2000, 128>}, {pipeline_mode = #tpu.pipeline_mode<synchronous>, transform_indices = @transform_1, window_bounds = array<i64: 272, 128>}, {transform_indices = @transform_2, window_bounds = array<i64: 2000, 128>}, {transform_indices = @transform_3, window_bounds = array<i64: 2000, 128>}]} {
    %get3A = arith.constant 0 : index
    %get3A_0 = arith.constant 0 : index
    %get3A_1 = vector.load %arg1[%get3A, %get3A_0] : memref<2000x128xf32, #tpu.memory_space<vmem>>, vector<2000x128xf32>
    %get3A_2 = arith.constant 0 : index
    %get3A_3 = arith.constant 0 : index
    %get3A_4 = vector.load %arg2[%get3A_2, %get3A_3] : memref<272x128xf32, #tpu.memory_space<vmem>>, vector<272x128xf32>
    %slice3A = vector.extract_strided_slice %get3A_4 {offsets = [0, 0], sizes = [128, 128], strides = [1, 1]} : vector<272x128xf32> to vector<128x128xf32>
    %dot_general3A = arith.constant dense<0.000000e+00> : vector<2000x128xf32>
    %dot_general3A_5 = tpu.matmul %get3A_1, %slice3A, %dot_general3A {dimension_numbers = #tpu.dot_dimension_numbers<[1], [0], [0], [1], [0, 0, 1, 1], [], []>, transpose_lhs_hint = false} : vector<2000x128xf32>, vector<128x128xf32>, vector<2000x128xf32> -> vector<2000x128xf32>
    %swap3A = arith.constant 0 : index
    %swap3A_6 = arith.constant 0 : index
    %swap3A_7 = vector.load %arg3[%swap3A, %swap3A_6] : memref<2000x128xf32, #tpu.memory_space<vmem>>, vector<2000x128xf32>
    tpu.vector_store %arg3[%swap3A, %swap3A_6], %dot_general3A_5 {strides = array<i32>} : memref<2000x128xf32, #tpu.memory_space<vmem>>, vector<2000x128xf32>,
    %slice3A_8 = vector.extract_strided_slice %get3A_4 {offsets = [128, 0], sizes = [128, 128], strides = [1, 1]} : vector<272x128xf32> to vector<128x128xf32>
    %dot_general3A_9 = arith.constant dense<0.000000e+00> : vector<2000x128xf32>
    %dot_general3A_10 = tpu.matmul %get3A_1, %slice3A_8, %dot_general3A_9 {dimension_numbers = #tpu.dot_dimension_numbers<[1], [0], [0], [1], [0, 0, 1, 1], [], []>, transpose_lhs_hint = false} : vector<2000x128xf32>, vector<128x128xf32>, vector<2000x128xf32> -> vector<2000x128xf32>
    %swap3A_11 = arith.constant 0 : index
    %swap3A_12 = arith.constant 0 : index
    %swap3A_13 = vector.load %arg4[%swap3A_11, %swap3A_12] : memref<2000x128xf32, #tpu.memory_space<vmem>>, vector<2000x128xf32>
    tpu.vector_store %arg4[%swap3A_11, %swap3A_12], %dot_general3A_10 {strides = array<i32>} : memref<2000x128xf32, #tpu.memory_space<vmem>>, vector<2000x128xf32>,
    return
  }
  func.func @transform_0(%arg0: i32) -> (i32, i32) {
    %c0_i32 = arith.constant 0 : i32
    %c0_i32_0 = arith.constant 0 : i32
    return %arg0, %c0_i32 : i32, i32
  }
  func.func @transform_1(%arg0: i32) -> (i32, i32) {
    %c0_i32 = arith.constant 0 : i32
    %c0_i32_0 = arith.constant 0 : i32
    %c0_i32_1 = arith.constant 0 : i32
    return %c0_i32, %c0_i32_0 : i32, i32
  }
  func.func @transform_2(%arg0: i32) -> (i32, i32) {
    %c0_i32 = arith.constant 0 : i32
    %c0_i32_0 = arith.constant 0 : i32
    return %arg0, %c0_i32 : i32, i32
  }
  func.func @transform_3(%arg0: i32) -> (i32, i32) {
    %c0_i32 = arith.constant 0 : i32
    %c0_i32_0 = arith.constant 0 : i32
    return %arg0, %c0_i32 : i32, i32
  }
}

module attributes {stable_mosaic.version = 14 : i64} {
  func.func @_edge_apply_body(%arg0: i32, %arg1: memref<4000x128xbf16, #tpu.memory_space<vmem>>, %arg2: memref<8x128xf32, #tpu.memory_space<vmem>>, %arg3: memref<128x128xf32, #tpu.memory_space<vmem>>, %arg4: memref<1x128xf32, #tpu.memory_space<vmem>>, %arg5: memref<1x128xf32, #tpu.memory_space<vmem>>, %arg6: memref<1x128xf32, #tpu.memory_space<vmem>>, %arg7: memref<4000x128xf32, #tpu.memory_space<vmem>>) attributes {dimension_semantics = [#tpu.dimension_semantics<arbitrary>], iteration_bounds = array<i64: 80>, scalar_prefetch = 0 : i64, scratch_operands = 0 : i64, tpu.core_type = #tpu.core_type<tc>, window_params = [{transform_indices = @transform_0, window_bounds = array<i64: 4000, 128>}, {pipeline_mode = #tpu.pipeline_mode<synchronous>, transform_indices = @transform_1, window_bounds = array<i64: 8, 128>}, {pipeline_mode = #tpu.pipeline_mode<synchronous>, transform_indices = @transform_2, window_bounds = array<i64: 128, 128>}, {pipeline_mode = #tpu.pipeline_mode<synchronous>, transform_indices = @transform_3, window_bounds = array<i64: 1, 128>}, {pipeline_mode = #tpu.pipeline_mode<synchronous>, transform_indices = @transform_4, window_bounds = array<i64: 1, 128>}, {pipeline_mode = #tpu.pipeline_mode<synchronous>, transform_indices = @transform_5, window_bounds = array<i64: 1, 128>}, {transform_indices = @transform_6, window_bounds = array<i64: 4000, 128>}]} {
    %get3A = arith.constant 0 : index
    %get3A_0 = arith.constant 0 : index
    %get3A_1 = vector.load %arg1[%get3A, %get3A_0] : memref<4000x128xbf16, #tpu.memory_space<vmem>>, vector<4000x128xbf16>
    %convert_element_type3A = arith.extf %get3A_1 : vector<4000x128xbf16> to vector<4000x128xf32>
    %get3A_2 = arith.constant 0 : index
    %get3A_3 = arith.constant 0 : index
    %get3A_4 = vector.load %arg2[%get3A_2, %get3A_3] : memref<8x128xf32, #tpu.memory_space<vmem>>, vector<1x128xf32>
    %get3A_5 = vector.shape_cast %get3A_4 : vector<1x128xf32> to vector<128xf32>
    %mul3A = arith.constant 3.125000e-06 : f32
    %mul3A_6 = vector.broadcast %mul3A : f32 to vector<128xf32>
    %mul3A_7 = arith.mulf %get3A_5, %mul3A_6 : vector<128xf32>
    %get3A_8 = arith.constant 1 : index
    %get3A_9 = arith.constant 0 : index
    %get3A_10 = vector.load %arg2[%get3A_8, %get3A_9] : memref<8x128xf32, #tpu.memory_space<vmem>>, vector<1x128xf32>
    %get3A_11 = vector.shape_cast %get3A_10 : vector<1x128xf32> to vector<128xf32>
    %mul3A_12 = arith.constant 3.125000e-06 : f32
    %mul3A_13 = vector.broadcast %mul3A_12 : f32 to vector<128xf32>
    %mul3A_14 = arith.mulf %get3A_11, %mul3A_13 : vector<128xf32>
    %mul3A_15 = arith.mulf %mul3A_7, %mul3A_7 : vector<128xf32>
    %sub3A = arith.subf %mul3A_14, %mul3A_15 : vector<128xf32>
    %get3A_16 = arith.constant 0 : index
    %get3A_17 = arith.constant 0 : index
    %get3A_18 = vector.load %arg5[%get3A_16, %get3A_17] : memref<1x128xf32, #tpu.memory_space<vmem>>, vector<1x128xf32>
    %get3A_19 = vector.shape_cast %get3A_18 : vector<1x128xf32> to vector<128xf32>
    %add3A = arith.constant 9.99999974E-6 : f32
    %add3A_20 = vector.broadcast %add3A : f32 to vector<128xf32>
    %add3A_21 = arith.addf %sub3A, %add3A_20 : vector<128xf32>
    %rsqrt3A = math.rsqrt %add3A_21 : vector<128xf32>
    %mul3A_22 = arith.mulf %get3A_19, %rsqrt3A : vector<128xf32>
    %get3A_23 = arith.constant 0 : index
    %get3A_24 = arith.constant 0 : index
    %get3A_25 = vector.load %arg6[%get3A_23, %get3A_24] : memref<1x128xf32, #tpu.memory_space<vmem>>, vector<1x128xf32>
    %get3A_26 = vector.shape_cast %get3A_25 : vector<1x128xf32> to vector<128xf32>
    %mul3A_27 = arith.mulf %mul3A_7, %mul3A_22 : vector<128xf32>
    %sub3A_28 = arith.subf %get3A_26, %mul3A_27 : vector<128xf32>
    %broadcast_in_dim3A = vector.shape_cast %mul3A_22 : vector<128xf32> to vector<1x128xf32>
    %mul3A_29 = vector.broadcast %broadcast_in_dim3A : vector<1x128xf32> to vector<4000x128xf32>
    %mul3A_30 = arith.mulf %convert_element_type3A, %mul3A_29 : vector<4000x128xf32>
    %broadcast_in_dim3A_31 = vector.shape_cast %sub3A_28 : vector<128xf32> to vector<1x128xf32>
    %add3A_32 = vector.broadcast %broadcast_in_dim3A_31 : vector<1x128xf32> to vector<4000x128xf32>
    %add3A_33 = arith.addf %mul3A_30, %add3A_32 : vector<4000x128xf32>
    %max3A = arith.constant 0.000000e+00 : f32
    %max3A_34 = vector.broadcast %max3A : f32 to vector<4000x128xf32>
    %max3A_35 = arith.maximumf %add3A_33, %max3A_34 : vector<4000x128xf32>
    %get3A_36 = arith.constant 0 : index
    %get3A_37 = arith.constant 0 : index
    %get3A_38 = vector.load %arg3[%get3A_36, %get3A_37] : memref<128x128xf32, #tpu.memory_space<vmem>>, vector<128x128xf32>
    %dot_general3A = arith.constant dense<0.000000e+00> : vector<4000x128xf32>
    %dot_general3A_39 = tpu.matmul %max3A_35, %get3A_38, %dot_general3A {dimension_numbers = #tpu.dot_dimension_numbers<[1], [0], [0], [1], [0, 0, 1, 1], [], []>, transpose_lhs_hint = false} : vector<4000x128xf32>, vector<128x128xf32>, vector<4000x128xf32> -> vector<4000x128xf32>
    %get3A_40 = arith.constant 0 : index
    %get3A_41 = arith.constant 0 : index
    %get3A_42 = vector.load %arg4[%get3A_40, %get3A_41] : memref<1x128xf32, #tpu.memory_space<vmem>>, vector<1x128xf32>
    %add3A_43 = vector.broadcast %get3A_42 : vector<1x128xf32> to vector<4000x128xf32>
    %add3A_44 = arith.addf %dot_general3A_39, %add3A_43 : vector<4000x128xf32>
    %max3A_45 = arith.constant 0.000000e+00 : f32
    %max3A_46 = vector.broadcast %max3A_45 : f32 to vector<4000x128xf32>
    %max3A_47 = arith.maximumf %add3A_44, %max3A_46 : vector<4000x128xf32>
    %swap3A = arith.constant 0 : index
    %swap3A_48 = arith.constant 0 : index
    %swap3A_49 = vector.load %arg7[%swap3A, %swap3A_48] : memref<4000x128xf32, #tpu.memory_space<vmem>>, vector<4000x128xf32>
    tpu.vector_store %arg7[%swap3A, %swap3A_48], %max3A_47 {strides = array<i32>} : memref<4000x128xf32, #tpu.memory_space<vmem>>, vector<4000x128xf32>,
    return
  }
  func.func @transform_0(%arg0: i32) -> (i32, i32) {
    %c0_i32 = arith.constant 0 : i32
    %c0_i32_0 = arith.constant 0 : i32
    return %arg0, %c0_i32 : i32, i32
  }
  func.func @transform_1(%arg0: i32) -> (i32, i32) {
    %c0_i32 = arith.constant 0 : i32
    %c0_i32_0 = arith.constant 0 : i32
    %c0_i32_1 = arith.constant 0 : i32
    return %c0_i32, %c0_i32_0 : i32, i32
  }
  func.func @transform_2(%arg0: i32) -> (i32, i32) {
    %c0_i32 = arith.constant 0 : i32
    %c0_i32_0 = arith.constant 0 : i32
    %c0_i32_1 = arith.constant 0 : i32
    return %c0_i32, %c0_i32_0 : i32, i32
  }
  func.func @transform_3(%arg0: i32) -> (i32, i32) {
    %c0_i32 = arith.constant 0 : i32
    %c0_i32_0 = arith.constant 0 : i32
    %c0_i32_1 = arith.constant 0 : i32
    return %c0_i32, %c0_i32_0 : i32, i32
  }
  func.func @transform_4(%arg0: i32) -> (i32, i32) {
    %c0_i32 = arith.constant 0 : i32
    %c0_i32_0 = arith.constant 0 : i32
    %c0_i32_1 = arith.constant 0 : i32
    return %c0_i32, %c0_i32_0 : i32, i32
  }
  func.func @transform_5(%arg0: i32) -> (i32, i32) {
    %c0_i32 = arith.constant 0 : i32
    %c0_i32_0 = arith.constant 0 : i32
    %c0_i32_1 = arith.constant 0 : i32
    return %c0_i32, %c0_i32_0 : i32, i32
  }
  func.func @transform_6(%arg0: i32) -> (i32, i32) {
    %c0_i32 = arith.constant 0 : i32
    %c0_i32_0 = arith.constant 0 : i32
    return %arg0, %c0_i32 : i32, i32
  }
}

module attributes {stable_mosaic.version = 14 : i64} {
  func.func @_node_stats_body(%arg0: i32, %arg1: memref<1000x128xf32, #tpu.memory_space<vmem>>, %arg2: memref<1x1000x128xf32, #tpu.memory_space<vmem>>, %arg3: memref<1x1000x128xf32, #tpu.memory_space<vmem>>, %arg4: memref<256x128xf32, #tpu.memory_space<vmem>>, %arg5: memref<1x128xf32, #tpu.memory_space<vmem>>, %arg6: memref<8x128xf32, #tpu.memory_space<vmem>>) attributes {dimension_semantics = [#tpu.dimension_semantics<arbitrary>], iteration_bounds = array<i64: 10>, scalar_prefetch = 0 : i64, scratch_operands = 0 : i64, tpu.core_type = #tpu.core_type<tc>, window_params = [{transform_indices = @transform_0, window_bounds = array<i64: 1000, 128>}, {transform_indices = @transform_1, window_bounds = array<i64: 1, 1000, 128>}, {transform_indices = @transform_2, window_bounds = array<i64: 1, 1000, 128>}, {pipeline_mode = #tpu.pipeline_mode<synchronous>, transform_indices = @transform_3, window_bounds = array<i64: 256, 128>}, {pipeline_mode = #tpu.pipeline_mode<synchronous>, transform_indices = @transform_4, window_bounds = array<i64: 1, 128>}, {pipeline_mode = #tpu.pipeline_mode<synchronous>, transform_indices = @transform_5, window_bounds = array<i64: 8, 128>}]} {
    %get3A = arith.constant 0 : index
    %get3A_0 = arith.constant 0 : index
    %get3A_1 = arith.constant 0 : index
    %get3A_2 = vector.load %arg2[%get3A, %get3A_0, %get3A_1] : memref<1x1000x128xf32, #tpu.memory_space<vmem>>, vector<1x1000x128xf32>
    %get3A_3 = vector.shape_cast %get3A_2 : vector<1x1000x128xf32> to vector<1000x128xf32>
    %get3A_4 = arith.constant 0 : index
    %get3A_5 = arith.constant 0 : index
    %get3A_6 = arith.constant 0 : index
    %get3A_7 = vector.load %arg3[%get3A_4, %get3A_5, %get3A_6] : memref<1x1000x128xf32, #tpu.memory_space<vmem>>, vector<1x1000x128xf32>
    %get3A_8 = vector.shape_cast %get3A_7 : vector<1x1000x128xf32> to vector<1000x128xf32>
    %add3A = arith.addf %get3A_3, %get3A_8 : vector<1000x128xf32>
    %get3A_9 = arith.constant 0 : index
    %get3A_10 = arith.constant 0 : index
    %get3A_11 = vector.load %arg4[%get3A_9, %get3A_10] : memref<256x128xf32, #tpu.memory_space<vmem>>, vector<256x128xf32>
    %get3A_12 = arith.constant 0 : index
    %get3A_13 = arith.constant 0 : index
    %get3A_14 = vector.load %arg1[%get3A_12, %get3A_13] : memref<1000x128xf32, #tpu.memory_space<vmem>>, vector<1000x128xf32>
    %slice3A = vector.extract_strided_slice %get3A_11 {offsets = [0, 0], sizes = [128, 128], strides = [1, 1]} : vector<256x128xf32> to vector<128x128xf32>
    %dot_general3A = arith.constant dense<0.000000e+00> : vector<1000x128xf32>
    %dot_general3A_15 = tpu.matmul %get3A_14, %slice3A, %dot_general3A {dimension_numbers = #tpu.dot_dimension_numbers<[1], [0], [0], [1], [0, 0, 1, 1], [], []>, transpose_lhs_hint = false} : vector<1000x128xf32>, vector<128x128xf32>, vector<1000x128xf32> -> vector<1000x128xf32>
    %slice3A_16 = vector.extract_strided_slice %get3A_11 {offsets = [128, 0], sizes = [128, 128], strides = [1, 1]} : vector<256x128xf32> to vector<128x128xf32>
    %dot_general3A_17 = arith.constant dense<0.000000e+00> : vector<1000x128xf32>
    %dot_general3A_18 = tpu.matmul %add3A, %slice3A_16, %dot_general3A_17 {dimension_numbers = #tpu.dot_dimension_numbers<[1], [0], [0], [1], [0, 0, 1, 1], [], []>, transpose_lhs_hint = false} : vector<1000x128xf32>, vector<128x128xf32>, vector<1000x128xf32> -> vector<1000x128xf32>
    %add3A_19 = arith.addf %dot_general3A_15, %dot_general3A_18 : vector<1000x128xf32>
    %get3A_20 = arith.constant 0 : index
    %get3A_21 = arith.constant 0 : index
    %get3A_22 = vector.load %arg5[%get3A_20, %get3A_21] : memref<1x128xf32, #tpu.memory_space<vmem>>, vector<1x128xf32>
    %add3A_23 = vector.broadcast %get3A_22 : vector<1x128xf32> to vector<1000x128xf32>
    %add3A_24 = arith.addf %add3A_19, %add3A_23 : vector<1000x128xf32>
    %eq3A = arith.constant 0 : i32
    %eq3A_25 = arith.cmpi eq, %arg0, %eq3A : i32
    %convert_element_type3A = arith.extui %eq3A_25 : i1 to i32
    %cond3A = arith.constant 0 : i32
    %cond3A_26 = arith.cmpi ne, %convert_element_type3A, %cond3A : i32
    scf.if %cond3A_26 {
      %broadcast_in_dim3A = arith.constant 0.000000e+00 : f32
      %broadcast_in_dim3A_49 = vector.broadcast %broadcast_in_dim3A : f32 to vector<8x128xf32>
      %swap3A_50 = arith.constant 0 : index
      %swap3A_51 = arith.constant 0 : index
      %swap3A_52 = vector.load %arg6[%swap3A_50, %swap3A_51] : memref<8x128xf32, #tpu.memory_space<vmem>>, vector<8x128xf32>
      tpu.vector_store %arg6[%swap3A_50, %swap3A_51], %broadcast_in_dim3A_49 {strides = array<i32>} : memref<8x128xf32, #tpu.memory_space<vmem>>, vector<8x128xf32>,
    } else {
    }
    %get3A_27 = arith.constant 0 : index
    %get3A_28 = arith.constant 0 : index
    %get3A_29 = vector.load %arg6[%get3A_27, %get3A_28] : memref<8x128xf32, #tpu.memory_space<vmem>>, vector<1x128xf32>
    %get3A_30 = vector.shape_cast %get3A_29 : vector<1x128xf32> to vector<128xf32>
    %reduce_sum3A = arith.constant dense<0.000000e+00> : vector<128xf32>
    %reduce_sum3A_31 = vector.multi_reduction <add>, %add3A_24, %reduce_sum3A [0] : vector<1000x128xf32> to vector<128xf32>
    %add3A_32 = arith.addf %get3A_30, %reduce_sum3A_31 : vector<128xf32>
    %swap3A = arith.constant 0 : index
    %swap3A_33 = arith.constant 0 : index
    %swap3A_34 = vector.load %arg6[%swap3A, %swap3A_33] : memref<8x128xf32, #tpu.memory_space<vmem>>, vector<1x128xf32>
    %swap3A_35 = vector.shape_cast %swap3A_34 : vector<1x128xf32> to vector<128xf32>
    %swap3A_36 = vector.shape_cast %add3A_32 : vector<128xf32> to vector<1x128xf32>
    tpu.vector_store %arg6[%swap3A, %swap3A_33], %swap3A_36 {strides = array<i32>} : memref<8x128xf32, #tpu.memory_space<vmem>>, vector<1x128xf32>,
    %get3A_37 = arith.constant 1 : index
    %get3A_38 = arith.constant 0 : index
    %get3A_39 = vector.load %arg6[%get3A_37, %get3A_38] : memref<8x128xf32, #tpu.memory_space<vmem>>, vector<1x128xf32>
    %get3A_40 = vector.shape_cast %get3A_39 : vector<1x128xf32> to vector<128xf32>
    %mul3A = arith.mulf %add3A_24, %add3A_24 : vector<1000x128xf32>
    %reduce_sum3A_41 = arith.constant dense<0.000000e+00> : vector<128xf32>
    %reduce_sum3A_42 = vector.multi_reduction <add>, %mul3A, %reduce_sum3A_41 [0] : vector<1000x128xf32> to vector<128xf32>
    %add3A_43 = arith.addf %get3A_40, %reduce_sum3A_42 : vector<128xf32>
    %swap3A_44 = arith.constant 1 : index
    %swap3A_45 = arith.constant 0 : index
    %swap3A_46 = vector.load %arg6[%swap3A_44, %swap3A_45] : memref<8x128xf32, #tpu.memory_space<vmem>>, vector<1x128xf32>
    %swap3A_47 = vector.shape_cast %swap3A_46 : vector<1x128xf32> to vector<128xf32>
    %swap3A_48 = vector.shape_cast %add3A_43 : vector<128xf32> to vector<1x128xf32>
    tpu.vector_store %arg6[%swap3A_44, %swap3A_45], %swap3A_48 {strides = array<i32>} : memref<8x128xf32, #tpu.memory_space<vmem>>, vector<1x128xf32>,
    return
  }
  func.func @transform_0(%arg0: i32) -> (i32, i32) {
    %c0_i32 = arith.constant 0 : i32
    %c0_i32_0 = arith.constant 0 : i32
    return %arg0, %c0_i32 : i32, i32
  }
  func.func @transform_1(%arg0: i32) -> (i32, i32, i32) {
    %c0_i32 = arith.constant 0 : i32
    %c0_i32_0 = arith.constant 0 : i32
    %c0_i32_1 = arith.constant 0 : i32
    return %c0_i32, %arg0, %c0_i32_0 : i32, i32, i32
  }
  func.func @transform_2(%arg0: i32) -> (i32, i32, i32) {
    %c1_i32 = arith.constant 1 : i32
    %c0_i32 = arith.constant 0 : i32
    %c0_i32_0 = arith.constant 0 : i32
    return %c1_i32, %arg0, %c0_i32 : i32, i32, i32
  }
  func.func @transform_3(%arg0: i32) -> (i32, i32) {
    %c0_i32 = arith.constant 0 : i32
    %c0_i32_0 = arith.constant 0 : i32
    %c0_i32_1 = arith.constant 0 : i32
    return %c0_i32, %c0_i32_0 : i32, i32
  }
  func.func @transform_4(%arg0: i32) -> (i32, i32) {
    %c0_i32 = arith.constant 0 : i32
    %c0_i32_0 = arith.constant 0 : i32
    %c0_i32_1 = arith.constant 0 : i32
    return %c0_i32, %c0_i32_0 : i32, i32
  }
  func.func @transform_5(%arg0: i32) -> (i32, i32) {
    %c0_i32 = arith.constant 0 : i32
    %c0_i32_0 = arith.constant 0 : i32
    %c0_i32_1 = arith.constant 0 : i32
    return %c0_i32, %c0_i32_0 : i32, i32
  }
}

module attributes {stable_mosaic.version = 14 : i64} {
  func.func @_node_apply_body(%arg0: i32, %arg1: memref<1000x128xf32, #tpu.memory_space<vmem>>, %arg2: memref<1x1000x128xf32, #tpu.memory_space<vmem>>, %arg3: memref<1x1000x128xf32, #tpu.memory_space<vmem>>, %arg4: memref<256x128xf32, #tpu.memory_space<vmem>>, %arg5: memref<1x128xf32, #tpu.memory_space<vmem>>, %arg6: memref<8x128xf32, #tpu.memory_space<vmem>>, %arg7: memref<1x128xf32, #tpu.memory_space<vmem>>, %arg8: memref<1x128xf32, #tpu.memory_space<vmem>>, %arg9: memref<128x128xf32, #tpu.memory_space<vmem>>, %arg10: memref<1x128xf32, #tpu.memory_space<vmem>>, %arg11: memref<1000x128xf32, #tpu.memory_space<vmem>>) attributes {dimension_semantics = [#tpu.dimension_semantics<arbitrary>], iteration_bounds = array<i64: 10>, scalar_prefetch = 0 : i64, scratch_operands = 0 : i64, tpu.core_type = #tpu.core_type<tc>, window_params = [{transform_indices = @transform_0, window_bounds = array<i64: 1000, 128>}, {transform_indices = @transform_1, window_bounds = array<i64: 1, 1000, 128>}, {transform_indices = @transform_2, window_bounds = array<i64: 1, 1000, 128>}, {pipeline_mode = #tpu.pipeline_mode<synchronous>, transform_indices = @transform_3, window_bounds = array<i64: 256, 128>}, {pipeline_mode = #tpu.pipeline_mode<synchronous>, transform_indices = @transform_4, window_bounds = array<i64: 1, 128>}, {pipeline_mode = #tpu.pipeline_mode<synchronous>, transform_indices = @transform_5, window_bounds = array<i64: 8, 128>}, {pipeline_mode = #tpu.pipeline_mode<synchronous>, transform_indices = @transform_6, window_bounds = array<i64: 1, 128>}, {pipeline_mode = #tpu.pipeline_mode<synchronous>, transform_indices = @transform_7, window_bounds = array<i64: 1, 128>}, {pipeline_mode = #tpu.pipeline_mode<synchronous>, transform_indices = @transform_8, window_bounds = array<i64: 128, 128>}, {pipeline_mode = #tpu.pipeline_mode<synchronous>, transform_indices = @transform_9, window_bounds = array<i64: 1, 128>}, {transform_indices = @transform_10, window_bounds = array<i64: 1000, 128>}]} {
    %get3A = arith.constant 0 : index
    %get3A_0 = arith.constant 0 : index
    %get3A_1 = arith.constant 0 : index
    %get3A_2 = vector.load %arg2[%get3A, %get3A_0, %get3A_1] : memref<1x1000x128xf32, #tpu.memory_space<vmem>>, vector<1x1000x128xf32>
    %get3A_3 = vector.shape_cast %get3A_2 : vector<1x1000x128xf32> to vector<1000x128xf32>
    %get3A_4 = arith.constant 0 : index
    %get3A_5 = arith.constant 0 : index
    %get3A_6 = arith.constant 0 : index
    %get3A_7 = vector.load %arg3[%get3A_4, %get3A_5, %get3A_6] : memref<1x1000x128xf32, #tpu.memory_space<vmem>>, vector<1x1000x128xf32>
    %get3A_8 = vector.shape_cast %get3A_7 : vector<1x1000x128xf32> to vector<1000x128xf32>
    %add3A = arith.addf %get3A_3, %get3A_8 : vector<1000x128xf32>
    %get3A_9 = arith.constant 0 : index
    %get3A_10 = arith.constant 0 : index
    %get3A_11 = vector.load %arg4[%get3A_9, %get3A_10] : memref<256x128xf32, #tpu.memory_space<vmem>>, vector<256x128xf32>
    %get3A_12 = arith.constant 0 : index
    %get3A_13 = arith.constant 0 : index
    %get3A_14 = vector.load %arg1[%get3A_12, %get3A_13] : memref<1000x128xf32, #tpu.memory_space<vmem>>, vector<1000x128xf32>
    %slice3A = vector.extract_strided_slice %get3A_11 {offsets = [0, 0], sizes = [128, 128], strides = [1, 1]} : vector<256x128xf32> to vector<128x128xf32>
    %dot_general3A = arith.constant dense<0.000000e+00> : vector<1000x128xf32>
    %dot_general3A_15 = tpu.matmul %get3A_14, %slice3A, %dot_general3A {dimension_numbers = #tpu.dot_dimension_numbers<[1], [0], [0], [1], [0, 0, 1, 1], [], []>, transpose_lhs_hint = false} : vector<1000x128xf32>, vector<128x128xf32>, vector<1000x128xf32> -> vector<1000x128xf32>
    %slice3A_16 = vector.extract_strided_slice %get3A_11 {offsets = [128, 0], sizes = [128, 128], strides = [1, 1]} : vector<256x128xf32> to vector<128x128xf32>
    %dot_general3A_17 = arith.constant dense<0.000000e+00> : vector<1000x128xf32>
    %dot_general3A_18 = tpu.matmul %add3A, %slice3A_16, %dot_general3A_17 {dimension_numbers = #tpu.dot_dimension_numbers<[1], [0], [0], [1], [0, 0, 1, 1], [], []>, transpose_lhs_hint = false} : vector<1000x128xf32>, vector<128x128xf32>, vector<1000x128xf32> -> vector<1000x128xf32>
    %add3A_19 = arith.addf %dot_general3A_15, %dot_general3A_18 : vector<1000x128xf32>
    %get3A_20 = arith.constant 0 : index
    %get3A_21 = arith.constant 0 : index
    %get3A_22 = vector.load %arg5[%get3A_20, %get3A_21] : memref<1x128xf32, #tpu.memory_space<vmem>>, vector<1x128xf32>
    %add3A_23 = vector.broadcast %get3A_22 : vector<1x128xf32> to vector<1000x128xf32>
    %add3A_24 = arith.addf %add3A_19, %add3A_23 : vector<1000x128xf32>
    %get3A_25 = arith.constant 0 : index
    %get3A_26 = arith.constant 0 : index
    %get3A_27 = vector.load %arg6[%get3A_25, %get3A_26] : memref<8x128xf32, #tpu.memory_space<vmem>>, vector<1x128xf32>
    %get3A_28 = vector.shape_cast %get3A_27 : vector<1x128xf32> to vector<128xf32>
    %mul3A = arith.constant 9.99999974E-5 : f32
    %mul3A_29 = vector.broadcast %mul3A : f32 to vector<128xf32>
    %mul3A_30 = arith.mulf %get3A_28, %mul3A_29 : vector<128xf32>
    %get3A_31 = arith.constant 1 : index
    %get3A_32 = arith.constant 0 : index
    %get3A_33 = vector.load %arg6[%get3A_31, %get3A_32] : memref<8x128xf32, #tpu.memory_space<vmem>>, vector<1x128xf32>
    %get3A_34 = vector.shape_cast %get3A_33 : vector<1x128xf32> to vector<128xf32>
    %mul3A_35 = arith.constant 9.99999974E-5 : f32
    %mul3A_36 = vector.broadcast %mul3A_35 : f32 to vector<128xf32>
    %mul3A_37 = arith.mulf %get3A_34, %mul3A_36 : vector<128xf32>
    %mul3A_38 = arith.mulf %mul3A_30, %mul3A_30 : vector<128xf32>
    %sub3A = arith.subf %mul3A_37, %mul3A_38 : vector<128xf32>
    %get3A_39 = arith.constant 0 : index
    %get3A_40 = arith.constant 0 : index
    %get3A_41 = vector.load %arg7[%get3A_39, %get3A_40] : memref<1x128xf32, #tpu.memory_space<vmem>>, vector<1x128xf32>
    %get3A_42 = vector.shape_cast %get3A_41 : vector<1x128xf32> to vector<128xf32>
    %add3A_43 = arith.constant 9.99999974E-6 : f32
    %add3A_44 = vector.broadcast %add3A_43 : f32 to vector<128xf32>
    %add3A_45 = arith.addf %sub3A, %add3A_44 : vector<128xf32>
    %rsqrt3A = math.rsqrt %add3A_45 : vector<128xf32>
    %mul3A_46 = arith.mulf %get3A_42, %rsqrt3A : vector<128xf32>
    %get3A_47 = arith.constant 0 : index
    %get3A_48 = arith.constant 0 : index
    %get3A_49 = vector.load %arg8[%get3A_47, %get3A_48] : memref<1x128xf32, #tpu.memory_space<vmem>>, vector<1x128xf32>
    %get3A_50 = vector.shape_cast %get3A_49 : vector<1x128xf32> to vector<128xf32>
    %mul3A_51 = arith.mulf %mul3A_30, %mul3A_46 : vector<128xf32>
    %sub3A_52 = arith.subf %get3A_50, %mul3A_51 : vector<128xf32>
    %broadcast_in_dim3A = vector.shape_cast %mul3A_46 : vector<128xf32> to vector<1x128xf32>
    %mul3A_53 = vector.broadcast %broadcast_in_dim3A : vector<1x128xf32> to vector<1000x128xf32>
    %mul3A_54 = arith.mulf %add3A_24, %mul3A_53 : vector<1000x128xf32>
    %broadcast_in_dim3A_55 = vector.shape_cast %sub3A_52 : vector<128xf32> to vector<1x128xf32>
    %add3A_56 = vector.broadcast %broadcast_in_dim3A_55 : vector<1x128xf32> to vector<1000x128xf32>
    %add3A_57 = arith.addf %mul3A_54, %add3A_56 : vector<1000x128xf32>
    %max3A = arith.constant 0.000000e+00 : f32
    %max3A_58 = vector.broadcast %max3A : f32 to vector<1000x128xf32>
    %max3A_59 = arith.maximumf %add3A_57, %max3A_58 : vector<1000x128xf32>
    %get3A_60 = arith.constant 0 : index
    %get3A_61 = arith.constant 0 : index
    %get3A_62 = vector.load %arg9[%get3A_60, %get3A_61] : memref<128x128xf32, #tpu.memory_space<vmem>>, vector<128x128xf32>
    %dot_general3A_63 = arith.constant dense<0.000000e+00> : vector<1000x128xf32>
    %dot_general3A_64 = tpu.matmul %max3A_59, %get3A_62, %dot_general3A_63 {dimension_numbers = #tpu.dot_dimension_numbers<[1], [0], [0], [1], [0, 0, 1, 1], [], []>, transpose_lhs_hint = false} : vector<1000x128xf32>, vector<128x128xf32>, vector<1000x128xf32> -> vector<1000x128xf32>
    %get3A_65 = arith.constant 0 : index
    %get3A_66 = arith.constant 0 : index
    %get3A_67 = vector.load %arg10[%get3A_65, %get3A_66] : memref<1x128xf32, #tpu.memory_space<vmem>>, vector<1x128xf32>
    %add3A_68 = vector.broadcast %get3A_67 : vector<1x128xf32> to vector<1000x128xf32>
    %add3A_69 = arith.addf %dot_general3A_64, %add3A_68 : vector<1000x128xf32>
    %swap3A = arith.constant 0 : index
    %swap3A_70 = arith.constant 0 : index
    %swap3A_71 = vector.load %arg11[%swap3A, %swap3A_70] : memref<1000x128xf32, #tpu.memory_space<vmem>>, vector<1000x128xf32>
    tpu.vector_store %arg11[%swap3A, %swap3A_70], %add3A_69 {strides = array<i32>} : memref<1000x128xf32, #tpu.memory_space<vmem>>, vector<1000x128xf32>,
    return
  }
  func.func @transform_0(%arg0: i32) -> (i32, i32) {
    %c0_i32 = arith.constant 0 : i32
    %c0_i32_0 = arith.constant 0 : i32
    return %arg0, %c0_i32 : i32, i32
  }
  func.func @transform_1(%arg0: i32) -> (i32, i32, i32) {
    %c0_i32 = arith.constant 0 : i32
    %c0_i32_0 = arith.constant 0 : i32
    %c0_i32_1 = arith.constant 0 : i32
    return %c0_i32, %arg0, %c0_i32_0 : i32, i32, i32
  }
  func.func @transform_2(%arg0: i32) -> (i32, i32, i32) {
    %c1_i32 = arith.constant 1 : i32
    %c0_i32 = arith.constant 0 : i32
    %c0_i32_0 = arith.constant 0 : i32
    return %c1_i32, %arg0, %c0_i32 : i32, i32, i32
  }
  func.func @transform_3(%arg0: i32) -> (i32, i32) {
    %c0_i32 = arith.constant 0 : i32
    %c0_i32_0 = arith.constant 0 : i32
    %c0_i32_1 = arith.constant 0 : i32
    return %c0_i32, %c0_i32_0 : i32, i32
  }
  func.func @transform_4(%arg0: i32) -> (i32, i32) {
    %c0_i32 = arith.constant 0 : i32
    %c0_i32_0 = arith.constant 0 : i32
    %c0_i32_1 = arith.constant 0 : i32
    return %c0_i32, %c0_i32_0 : i32, i32
  }
  func.func @transform_5(%arg0: i32) -> (i32, i32) {
    %c0_i32 = arith.constant 0 : i32
    %c0_i32_0 = arith.constant 0 : i32
    %c0_i32_1 = arith.constant 0 : i32
    return %c0_i32, %c0_i32_0 : i32, i32
  }
  func.func @transform_6(%arg0: i32) -> (i32, i32) {
    %c0_i32 = arith.constant 0 : i32
    %c0_i32_0 = arith.constant 0 : i32
    %c0_i32_1 = arith.constant 0 : i32
    return %c0_i32, %c0_i32_0 : i32, i32
  }
  func.func @transform_7(%arg0: i32) -> (i32, i32) {
    %c0_i32 = arith.constant 0 : i32
    %c0_i32_0 = arith.constant 0 : i32
    %c0_i32_1 = arith.constant 0 : i32
    return %c0_i32, %c0_i32_0 : i32, i32
  }
  func.func @transform_8(%arg0: i32) -> (i32, i32) {
    %c0_i32 = arith.constant 0 : i32
    %c0_i32_0 = arith.constant 0 : i32
    %c0_i32_1 = arith.constant 0 : i32
    return %c0_i32, %c0_i32_0 : i32, i32
  }
  func.func @transform_9(%arg0: i32) -> (i32, i32) {
    %c0_i32 = arith.constant 0 : i32
    %c0_i32_0 = arith.constant 0 : i32
    %c0_i32_1 = arith.constant 0 : i32
    return %c0_i32, %c0_i32_0 : i32, i32
  }
  func.func @transform_10(%arg0: i32) -> (i32, i32) {
    %c0_i32 = arith.constant 0 : i32
    %c0_i32_0 = arith.constant 0 : i32
    return %arg0, %c0_i32 : i32, i32
  }
}

</mosaic_0001>

<sc_bundles>
// kernel: kernel.10.cloned.1.call-start
scs
__scs_entry_jumppad:
0x0: {  	(pc) =	sbr.rel $0x88, $3  }
0x1: {  	(tag) =	ssettag $0x0;
	lr =	simm.s32 $0x1  }
0x2: {  	[smem:$0x3F90] =	sst lr;
	_ =	strace $0xD0000000  }
0x3: {  	_ = 	snop  }
0x4: {  	_ = 	snop  }
0x5: {  	_ = 	snop  }
0x6: {  	_ = 	snop  }
0x7: {  	_ = 	snop  }
__scs_overlays_trampoline_lowered:
0x8: {  	[smem:$0x3F9F] =	sst s0  }
0x9: {  	[smem:$0x3FA0] =	sst s1  }
0xa: {  	[smem:$0x3FA1] =	sst s2  }
0xb: {  	[smem:$0x3FA2] =	sst s3  }
0xc: {  	[smem:$0x3FA3] =	sst s4  }
0xd: {  	[smem:$0x3FA4] =	sst s5  }
0xe: {  	[smem:$0x3FA5] =	sst s6  }
0xf: {  	[smem:$0x3FA6] =	sst s7  }
0x10: {  	[smem:$0x3FA7] =	sst s8  }
0x11: {  	[smem:$0x3FA8] =	sst s9;
	s0 =	simm.s32 @!p0 $0x0  }
0x12: {  	s1 =	sld [smem:$0x3F8E];
	s0 =	simm.s32 @p0 $0x1  }
0x13: {  	[smem:$0x3FA9] =	sst s0;
	s0 =	simm.s32 @!p1 $0x0  }
0x14: {  	s2 =	sld [smem:$0x3F8D];
	s0 =	simm.s32 @p1 $0x1  }
0x15: {  	[smem:$0x3FAA] =	sst s0;
	s0 =	simm.s32 @!p2 $0x0  }
0x16: {  	s3 =	sld [smem:$0x3FDB];
	s0 =	simm.s32 @p2 $0x1  }
0x17: {  	s4 =	simm.s32 $0x1BF5;
	[smem:$0x3FAC] =	sst s0  }
0x18: {  	s0 =	sld [smem:$0x3F8F];
	_ =	swait.ge [sflag:s4], $0x0  }
0x19: {  	s7 =	sld [smem:$0x3F90]  }
0x1a: {  	s8 =	sadd.s32 $0xFFFFE003, lr  }
0x1b: {  	s9 =	sadd.s32 $0xFFFFFEF7, lr;
	s5 =	simm.s32 $0xFFFFFFFF;
	p2 =	slt.u32 s8, $0xFFFFF086  }
0x1c: {  	p1 =	slt.u32 s9, $0xF7A;
	s5 =	simm.s32 @!p2 $0x0  }
0x1d: {  	s5 =	simm.s32 @p1 $0x1;
	p0 =	seq.s32 s7, s2  }
0x1e: {  	s7 =	smul.u32 @!p0 $0xF7A, s2;
	p2 =	seq.s32 @!p0 s5, $0x0  }
0x1f: {  	s9 =	smul.u32 $0xF7A, s1;
	s8 =	simm.s32 @!p0 $0x1BF5;
	p2 =	por !p2, p0  }
0x20: {  	[sflag:s8] =	ssyncset.s32 @!p0 $0xFFFFF086;
	s6 =	sadd.s32 @!p0 s3, s7;
	s7 =	simm.s32 @!p0 $0x108  }
0x21: {  	s3 =	sadd.s32 s3, s9;
	s6 =	sadd.s32 @!p0 $0x88, s6;
	s7 =	simm.s32 @p2 $0x1082  }
0x22: {  	[simem:s7], [sflag:s8] =	dma.local @!p0 [hbm:s6], $0xF7A  }
0x23: {  	s9 =	sor.u32 $0xD0000000, s2;
	s6 =	simm.s32 $0x108;
	_ =	swait.ge @!p0 [sflag:s8], $0x0  }
0x24: {  	s3 =	sadd.s32 $0x88, s3;
	s6 =	simm.s32 @!p1 $0x1082;
	[sflag:s4] =	ssyncset.s32 $0xFFFFF086  }
0x25: {  	[simem:s6], [sflag:s4] =	dma.local [hbm:s3], $0xF7A  }
0x26: {  	[smem:$0x3F90] =	sst s1;
	(tag) =	ssettag s2;
	_ =	strace s9  }
0x27: {  	s1 =	sld [smem:$0x3FA0]  }
0x28: {  	s2 =	sld [smem:$0x3FA1]  }
0x29: {  	s4 =	sld [smem:$0x3FA3]  }
0x2a: {  	p0 =	seq.s32 s5, $0x0;
	s5 =	sld [smem:$0x3FA4]  }
0x2b: {  	s6 =	sld [smem:$0x3FA5]  }
0x2c: {  	s7 =	sld [smem:$0x3FA6]  }
0x2d: {  	s3 =	simm.s32 $0x108;
	s8 =	sld [smem:$0x3FA7]  }
0x2e: {  	s3 =	simm.s32 @!p0 $0x1082;
	s9 =	sld [smem:$0x3FA8]  }
0x2f: {  	lr =	sadd.s32 s0, s3;
	s0 =	sld [smem:$0x3F9F]  }
0x30: {  	s3 =	sld [smem:$0x3FA2]  }
0x31: {  	[smem:$0x3FAB] =	sst s10  }
0x32: {  	s10 =	sld [smem:$0x3FA9];
	_ =	sdelay $0x3  }
0x33: {  	p0 =	seq.s32 s10, $0x1;
	s10 =	sld [smem:$0x3FAB];
	_ =	sdelay $0x3  }
0x34: {  	[smem:$0x3FAB] =	sst s10  }
0x35: {  	s10 =	sld [smem:$0x3FAA];
	_ =	sdelay $0x3  }
0x36: {  	p1 =	seq.s32 s10, $0x1;
	s10 =	sld [smem:$0x3FAB];
	_ =	sdelay $0x3  }
0x37: {  	[smem:$0x3FAB] =	sst s10  }
0x38: {  	s10 =	sld [smem:$0x3FAC]  }
0x39: {  	_ = 	snop;
	(pc) =	sbr.ind lr, $3  }
0x3a: {  	_ = 	snop  }
0x3b: {  	_ = 	snop  }
0x3c: {  	p2 =	seq.s32 s10, $0x1;
	s10 =	sld [smem:$0x3FAB]  }
0x3d: {  	_ =	shalt  }
0x3e: {  	_ =	shalt  }
0x3f: {  	_ =	shalt  }
0x40: {  	_ =	shalt  }
0x41: {  	_ =	shalt  }
0x42: {  	_ =	shalt  }
0x43: {  	_ =	shalt  }
0x44: {  	_ =	shalt  }
0x45: {  	_ =	shalt  }
0x46: {  	_ =	shalt  }
0x47: {  	_ =	shalt  }
0x48: {  	_ =	shalt  }
0x49: {  	_ =	shalt  }
0x4a: {  	_ =	shalt  }
0x4b: {  	_ =	shalt  }
0x4c: {  	_ =	shalt  }
0x4d: {  	_ =	shalt  }
0x4e: {  	_ =	shalt  }
0x4f: {  	_ =	shalt  }
0x50: {  	_ =	shalt  }
0x51: {  	_ =	shalt  }
0x52: {  	_ =	shalt  }
0x53: {  	_ =	shalt  }
0x54: {  	_ =	shalt  }
0x55: {  	_ =	shalt  }
0x56: {  	_ =	shalt  }
0x57: {  	_ =	shalt  }
0x58: {  	_ =	shalt  }
0x59: {  	_ =	shalt  }
0x5a: {  	_ =	shalt  }
0x5b: {  	_ =	shalt  }
0x5c: {  	_ =	shalt  }
0x5d: {  	_ =	shalt  }
0x5e: {  	_ =	shalt  }
0x5f: {  	_ =	shalt  }
0x60: {  	_ =	shalt  }
0x61: {  	_ =	shalt  }
0x62: {  	_ =	shalt  }
0x63: {  	_ =	shalt  }
0x64: {  	_ =	shalt  }
0x65: {  	_ =	shalt  }
0x66: {  	_ =	shalt  }
0x67: {  	_ =	shalt  }
0x68: {  	_ =	shalt  }
0x69: {  	_ =	shalt  }
0x6a: {  	_ =	shalt  }
0x6b: {  	_ =	shalt  }
0x6c: {  	_ =	shalt  }
0x6d: {  	_ =	shalt  }
0x6e: {  	_ =	shalt  }
0x6f: {  	_ =	shalt  }
0x70: {  	_ =	shalt  }
0x71: {  	_ =	shalt  }
0x72: {  	_ =	shalt  }
0x73: {  	_ =	shalt  }
0x74: {  	_ =	shalt  }
0x75: {  	_ =	shalt  }
0x76: {  	_ =	shalt  }
0x77: {  	_ =	shalt  }
0x78: {  	_ =	shalt  }
0x79: {  	_ =	shalt  }
0x7a: {  	_ =	shalt  }
0x7b: {  	_ =	shalt  }
0x7c: {  	_ =	shalt  }
0x7d: {  	_ =	shalt  }
0x7e: {  	_ =	shalt  }
0x7f: {  	_ =	shalt  }
0x80: {  	_ =	shalt  }
0x81: {  	_ =	shalt  }
0x82: {  	_ =	shalt  }
0x83: {  	_ =	shalt  }
0x84: {  	_ =	shalt  }
0x85: {  	_ =	shalt  }
0x86: {  	_ =	shalt  }
0x87: {  	_ =	shalt  }
.Lfunc_end0:
.L_simem_size_0:
called_computation_lowered:
.L_overlay_start_0:
0x88: {  	s2 =	sld [smem:$0x3FD9]  }
0x89: {  	s3 =	sld [smem:$0x3FFE];
	_ =	sdelay $0x1  }
0x8a: {  	s1 =	srdreg.scid  }
0x8b: {  	s0 =	sand.u32 $0x1, s1  }
0x8c: {  	s17 =	sshll.u32 s0, $0xA;
	s2 =	sadd.s32 s3, s2  }
0x8d: {  	s2 =	sadd.s32 s2, s17  }
0x8e: {  	[smem:$0x3FB7] =	sst s2  }
0x8f: {  	_ = 	snop  }
0x90: {  	s2 =	sld [smem:$0x3FD0];
	(tm) =	ssettm $0x1  }
0x91: {  	s18 =	sld [smem:$0x3FFB];
	_ =	sdelay $0x3  }
0x92: {  	_ =	strace s18  }
0x93: {  	s3 =	sld [smem:$0x3FFC];
	_ =	sdelay $0x3  }
0x94: {  	_ =	strace s3  }
0x95: {  	s3 =	sld [smem:$0x3FFD];
	_ =	sdelay $0x3  }
0x96: {  	_ =	strace s3  }
0x97: {  	_ =	strace $0x8FFFFFFF  }
0x98: {  	s19 =	sld [smem:$0x3FDB];
	_ =	sdelay $0x1  }
0x99: {  	s4 =	simm.s32 $_scs_section_size  }
0x9a: {  	s5 =	simm.s32 $_size__tile_overlayer_lowered;
	s6 =	simm.s32 $_tile_overlayer_lowered  }
0x9b: {  	s22 =	simm.s32 $0x1BFF;
	s21 =	sshll.u32 s6, $0x1;
	s3 =	sadd.s32 s4, s19  }
0x9c: {  	s7 =	simm.s32 $0x0;
	s20 =	sshll.u32 s5, $0x1;
	s5 =	sadd.s32 s21, s3  }
0x9d: {  	[timem:s7], [sflag:s22] =	dma.local [hbm:s5], s20  }
0x9e: {  	_ =	swait.ge [sflag:s22], s20  }
0x9f: {  	s4 =	ssub.s32 $0x0, s20;
	[sflag:s22] =	ssyncset.done $0x0  }
0xa0: {  	[sflag:s22] =	ssyncadd.s32 s4;
	_ =	sdelay $0x1  }
0xa1: {  	s23 =	simm.s32 $0x1B8B  }
0xa2: {  	_ =	swait.ge [sflag:s23], $0x1  }
0xa3: {  	[sflag:s23] =	ssyncset.done $0x0  }
0xa4: {  	s25 =	simm.s32 $0x1B8E;
	s24 =	sld [smem:$0x3FFE];
	[sflag:s23] =	ssyncadd.s32 $0xFFFFFFFF  }
0xa5: {  	s26 =	simm.s32 $execute0_lowered;
	[smem:$0x3FD2] =	sst s25  }
0xa6: {  	s5 =	sshll.u32 s26, $0x1;
	_ =	strace $0x80000046;
	[dreg:$0x1] =	wrdreg $0xFFFFFFFF  }
0xa7: {  	s28 =	simm.s32 $_size_execute0_lowered;
	s3 =	sadd.s32 s3, s5;
	[dreg:$0x0] =	wrdreg $0x0  }
0xa8: {  	s5 =	sshll.u32 s28, $0x1;
	[dreg:$0x2] =	wrdreg s3  }
0xa9: {  	[dreg:$0x3] =	wrdreg s5  }
0xaa: {  	[dreg:$0x4] =	wrdreg $0xC0  }
0xab: {  	_ =	task [dreg:s7], $0x5FFFF  }
0xac: {  	[dreg:$0x1] =	wrdreg $0xFFFFFFFF  }
0xad: {  	[dreg:$0x0] =	wrdreg $0x60  }
0xae: {  	[dreg:$0x2] =	wrdreg s2  }
0xaf: {  	[dreg:$0x3] =	wrdreg s24  }
0xb0: {  	[dreg:$0x4] =	wrdreg $0x9  }
0xb1: {  	_ =	task.clear_ibuf [dreg:s7], $0x5FFFF;
	_ =	strace $0x90000046  }
0xb2: {  	s29 =	simm.s32 $0x9;
	_ =	strace $0x80000048  }
0xb3: {  	_ =	swait.ge [sflag:s29], $0x1  }
0xb4: {  	[sflag:s29] =	ssyncadd.s32 $0xFFFFFFFF  }
0xb5: {  	_ =	strace $0x90000048  }
0xb6: {  	_ =	sfence  }
0xb7: {  	s30 =	sld [smem:$0x0];
	_ =	sdelay $0x2  }
0xb8: {  	s31 =	sshll.u32 s1, $0xD;
	s1 =	sshrl.u32 s1, $0x2  }
0xb9: {  	s3 =	sand.u32 $0x4000, s31;
	s1 =	sadd.s32 s1, s30  }
0xba: {  	s0 =	sor.u32 s3, s0;
	s1 =	sshll.u32 s1, $0x11  }
0xbb: {  	s0 =	sor.u32 s1, s0  }
0xbc: {  	s0 =	sadd.s32 $0x8F2B, s0  }
0xbd: {  	[sflag:s0] =	ssyncadd.remote.s32 $0x1  }
0xbe: {  	_ =	sfence.sel $0xFFFF  }
0xbf: {  	[dreg:$0x0] =	wrdreg $0xFFFFFFFF;
	(pc) =	sbr.abs _section_cstart, $3  }
0xc0: {  	[dreg:$0x1] =	wrdreg $0xFFFFFFFF  }
0xc1: {  	_ =	task.clear_ibuf [dreg:s7], $0x2FFFF;
	_ =	strace $0x9FFFFFFF  }
0xc2: {  	(tm) =	ssettm $0x7FFFFFFF  }
0xc3: {  	_ =	shalt  }
tec
execute0_lowered:
.L_overlay_start_1:
0x0: {  	(tag) =	ssettag $0x1  }
0x1: {  	s1 =	rddreg [dreg:$0x0]  }
0x2: {  	s0 =	rddreg [dreg:$0x1];
	s3 =	simm.s32 $0x0  }
0x3: {  	s2 =	srdreg.scid;
	s15 =	stileid.u32;
	s16 =	simm.s32 $0xCC00  }
0x4: {  	s22 =	simm.s32 $0x4400;
	s23 =	simm.s32 $0x180;
	s24 =	simm.s32 $0xA800  }
0x5: {  	s25 =	simm.s32 $0x280;
	s26 =	simm.s32 $0x10C00;
	s30 =	simm.s32 $0x380  }
0x6: {  	s31 =	simm.s32 $0x17000;
	s28 =	simm.s32 $0x3;
	s29 =	simm.s32 $0x0  }
0x7: {  	[smem:$0x7FF] =	sst s3;
	s2 =	sand.u32 $0x1, s2;
	s4 =	sshll.u32 s15, $0x1  }
0x8: {  	s5 =	sadd.s32 $0xE200, s0;
	s6 =	sadd.s32 $0x4400, s0;
	s11 =	sadd.s32 $0x3F200, s0  }
0x9: {  	s12 =	smul.u32 $0x4E200, s15;
	_ =	strace $0x80000047;
	[dreg:$0x5] =	wrdreg s22  }
0xa: {  	s15 =	smul.u32 $0x4E20, s15;
	s7 =	sor.u32 s2, s4;
	[dreg:$0x6] =	wrdreg s23  }
0xb: {  	s4 =	sadd.s32 $0x18000, s0;
	s9 =	ssub.s32 $0x2, s2;
	[dreg:$0x7] =	wrdreg s24  }
0xc: {  	s0 =	sadd.s32 $0x521200, s0;
	s14 =	smul.u32 $0x27100, s2;
	[dreg:$0x8] =	wrdreg s25  }
0xd: {  	s2 =	smul.u32 $0x2710, s2;
	s22 =	simm.s32 $0x48;
	[dreg:$0x9] =	wrdreg s26  }
0xe: {  	s23 =	simm.s32 $0x2;
	[dreg:$0xa] =	wrdreg s30;
	s24 =	simm.s32 $0x5  }
0xf: {  	[dreg:$0xb] =	wrdreg s31;
	s25 =	simm.s32 $0x200;
	s8 =	smul.u32 $0x27100, s7  }
0x10: {  	s26 =	simm.s32 $0x300;
	s7 =	smul.u32 $0x138800, s7;
	s10 =	sshrl.u32 s9, $0x1  }
0x11: {  	s19 =	sadd.s32 s12, s11;
	s13 =	ssub.s32 s9, s10;
	s2 =	sadd.s32 s2, s15  }
0x12: {  	s15 =	simm.s32 $0x6800;
	s17 =	sadd.s32 s11, s8;
	s7 =	sshrl.u32 s7, $0x3  }
0x13: {  	s8 =	sadd.s32 s0, s8;
	s20 =	sadd.s32 $0xC8, s2;
	[dreg:$0xc] =	wrdreg s17  }
0x14: {  	s21 =	smax.u32 s13, $0x1;
	s13 =	sshrl.u32 s2, $0x3;
	[dreg:$0xd] =	wrdreg s8  }
0x15: {  	s7 =	sadd.s32 $0xC80, s7;
	[dreg:$0x10] =	wrdreg s21;
	s17 =	simm.s32 $0x13000  }
0x16: {  	s21 =	simm.s32 $0x80;
	s18 =	sadd.s32 s11, s7;
	s7 =	sadd.s32 s0, s7  }
0x17: {  	s0 =	sadd.s32 s12, s0;
	s12 =	sshrl.u32 s20, $0x3;
	[dreg:$0xe] =	wrdreg s18  }
0x18: {  	s20 =	simm.s32 $0x1;
	[dreg:$0xf] =	wrdreg s7;
	s7 =	sadd.s32 s14, s19  }
0x19: {  	s0 =	sadd.s32 s14, s0;
	s14 =	simm.s32 $0x400;
	[dreg:$0x3] =	wrdreg s7  }
0x1a: {  	s18 =	simm.s32 $0x4;
	s19 =	simm.s32 $0x100;
	[dreg:$0x4] =	wrdreg s0  }
.LBB2_1:
0x1b: {  	s0 =	rddreg [dreg:$0xc]  }
0x1c: {  	[hbm4b:s0+s3] =	stream.linear.scatter [tilespmem:s14], [sflag:$0x4], $0x6400, $0x38;
	[tilespmem:$0x19400] =	vst v63  }
0x1d: {  	s2 =	rddreg [dreg:$0xd]  }
0x1e: {  	[hbm4b:s2+s3] =	stream.linear.scatter [tilespmem:s15], [sflag:$0x4], $0x6400, $0x38;
	[tilespmem:$0x19400] =	vst v63  }
0x1f: {  	s7 =	rddreg [dreg:$0xe]  }
0x20: {  	[hbm4b:s7+s3] =	stream.linear.scatter [tilespmem:s16], [sflag:$0x5], $0x6400, $0x38;
	[tilespmem:$0x19400] =	vst v63  }
0x21: {  	s8 =	rddreg [dreg:$0xf]  }
0x22: {  	[hbm4b:s8+s3] =	stream.linear.scatter [tilespmem:s17], [sflag:$0x5], $0x6400, $0x38;
	[tilespmem:$0x19400] =	vst v63  }
0x23: {  	_ =	swait.ge [sflag:s18], $0x6400  }
0x24: {  	[sflag:s18] =	ssyncset.done $0x0  }
0x25: {  	[sflag:s18] =	ssyncadd.s32 $0xFFFF9C00  }
0x26: {  	_ =	swait.ge [sflag:s18], $0x6400  }
0x27: {  	[sflag:s18] =	ssyncset.done $0x0  }
0x28: {  	s9 =	sadd.s32 s5, s13;
	[sflag:s18] =	ssyncadd.s32 $0xFFFF9C00  }
0x29: {  	[tilespmem:s3], [sflag:$0x1] =	stream.linear.gather [hbm4b:s9+s3], $0xC8, $0x38;
	[tilespmem:$0x19400] =	vst v63  }
0x2a: {  	s10 =	sadd.s32 s6, s13  }
0x2b: {  	[tilespmem:s19], [sflag:$0x1] =	stream.linear.gather [hbm4b:s10+s3], $0xC8, $0x38;
	[tilespmem:$0x19400] =	vst v63  }
0x2c: {  	_ =	swait.ge [sflag:s20], $0xC8  }
0x2d: {  	[sflag:s20] =	ssyncset.done $0x0  }
0x2e: {  	[sflag:s20] =	ssyncadd.s32 $0xFFFFFF38  }
0x2f: {  	_ =	swait.ge [sflag:s20], $0xC8  }
0x30: {  	[sflag:s20] =	ssyncset.done $0x0  }
0x31: {  	[sflag:s20] =	ssyncadd.s32 $0xFFFFFF38  }
0x32: {  	[tilespmem:s14], [sflag:$0x2] =	stream.indirect.gather [hbm4b:s1+s21], $0x80, s3, s21, $0xb8;
	[tilespmem:$0x19400] =	vst v63  }
0x33: {  	s11 =	rddreg [dreg:$0x7]  }
0x34: {  	[tilespmem:s15], [sflag:$0x2] =	stream.indirect.gather [hbm4b:s4+s21], $0x80, s19, s21, $0xb8;
	[tilespmem:$0x19400] =	vst v63  }
0x35: {  	s2 =	rddreg [dreg:$0x5]  }
0x36: {  	[tilespmem:s2], [sflag:$0x2] =	stream.indirect.gather [hbm4b:s1+s22], $0x80, s21, s22, $0xb8;
	[tilespmem:$0x19400] =	vst v63  }
0x37: {  	s7 =	rddreg [dreg:$0x6]  }
0x38: {  	[tilespmem:s11], [sflag:$0x2] =	stream.indirect.gather [hbm4b:s4+s22], $0x80, s7, s22, $0xb8;
	[tilespmem:$0x19400] =	vst v63  }
0x39: {  	_ =	swait.ge [sflag:s23], $0x4000  }
0x3a: {  	[sflag:s23] =	ssyncset.done $0x0  }
0x3b: {  	[sflag:s23] =	ssyncadd.s32 $0xFFFFC000  }
0x3c: {  	_ =	swait.ge [sflag:s23], $0x4000  }
0x3d: {  	[sflag:s23] =	ssyncset.done $0x0  }
0x3e: {  	[sflag:s23] =	ssyncadd.s32 $0xFFFFC000  }
0x3f: {  	_ =	swait.ge [sflag:s23], $0x2400  }
0x40: {  	[sflag:s23] =	ssyncset.done $0x0  }
0x41: {  	[sflag:s23] =	ssyncadd.s32 $0xFFFFDC00  }
0x42: {  	_ =	swait.ge [sflag:s23], $0x2400  }
0x43: {  	s7 =	rddreg [dreg:$0x3];
	[sflag:s23] =	ssyncset.done $0x0  }
0x44: {  	s8 =	rddreg [dreg:$0x4];
	[sflag:s23] =	ssyncadd.s32 $0xFFFFDC00;
	s0 =	sadd.s32 $0x0, s7  }
0x45: {  	[hbm4b:s0+s3] =	stream.linear.scatter [tilespmem:s14], [sflag:$0x4], $0x6400, $0x38;
	[tilespmem:$0x19400] =	vst v63  }
0x46: {  	s2 =	sadd.s32 $0x0, s8  }
0x47: {  	[hbm4b:s2+s3] =	stream.linear.scatter [tilespmem:s15], [sflag:$0x4], $0x6400, $0x38;
	[tilespmem:$0x19400] =	vst v63  }
0x48: {  	_ =	swait.ge [sflag:s24], $0x6400  }
0x49: {  	[sflag:s24] =	ssyncset.done $0x0  }
0x4a: {  	[sflag:s24] =	ssyncadd.s32 $0xFFFF9C00  }
0x4b: {  	_ =	swait.ge [sflag:s24], $0x6400  }
0x4c: {  	[sflag:s24] =	ssyncset.done $0x0  }
0x4d: {  	s9 =	sadd.s32 s5, s12;
	[sflag:s24] =	ssyncadd.s32 $0xFFFF9C00  }
0x4e: {  	[tilespmem:s25], [sflag:$0x1] =	stream.linear.gather [hbm4b:s9+s3], $0xC8, $0x38;
	[tilespmem:$0x19400] =	vst v63  }
0x4f: {  	s10 =	sadd.s32 s6, s12  }
0x50: {  	[tilespmem:s26], [sflag:$0x1] =	stream.linear.gather [hbm4b:s10+s3], $0xC8, $0x38;
	[tilespmem:$0x19400] =	vst v63  }
0x51: {  	_ =	swait.ge [sflag:s20], $0xC8  }
0x52: {  	[sflag:s20] =	ssyncset.done $0x0  }
0x53: {  	[sflag:s20] =	ssyncadd.s32 $0xFFFFFF38  }
0x54: {  	_ =	swait.ge [sflag:s20], $0xC8  }
0x55: {  	[sflag:s20] =	ssyncset.done $0x0  }
0x56: {  	s11 =	rddreg [dreg:$0xb];
	[sflag:s20] =	ssyncadd.s32 $0xFFFFFF38  }
0x57: {  	[tilespmem:s16], [sflag:$0x3] =	stream.indirect.gather [hbm4b:s1+s21], $0x80, s25, s21, $0xb8;
	[tilespmem:$0x19400] =	vst v63  }
0x58: {  	s30 =	rddreg [dreg:$0x9]  }
0x59: {  	[tilespmem:s17], [sflag:$0x3] =	stream.indirect.gather [hbm4b:s4+s21], $0x80, s26, s21, $0xb8;
	[tilespmem:$0x19400] =	vst v63  }
0x5a: {  	s31 =	rddreg [dreg:$0x8]  }
0x5b: {  	[tilespmem:s30], [sflag:$0x3] =	stream.indirect.gather [hbm4b:s1+s22], $0x80, s31, s22, $0xb8;
	[tilespmem:$0x19400] =	vst v63  }
0x5c: {  	s8 =	rddreg [dreg:$0xa]  }
0x5d: {  	[tilespmem:s11], [sflag:$0x3] =	stream.indirect.gather [hbm4b:s4+s22], $0x80, s8, s22, $0xb8;
	[tilespmem:$0x19400] =	vst v63  }
0x5e: {  	_ =	swait.ge [sflag:s28], $0x4000  }
0x5f: {  	[sflag:s28] =	ssyncset.done $0x0  }
0x60: {  	[sflag:s28] =	ssyncadd.s32 $0xFFFFC000  }
0x61: {  	_ =	swait.ge [sflag:s28], $0x4000  }
0x62: {  	[sflag:s28] =	ssyncset.done $0x0  }
0x63: {  	[sflag:s28] =	ssyncadd.s32 $0xFFFFC000  }
0x64: {  	_ =	swait.ge [sflag:s28], $0x2400  }
0x65: {  	[sflag:s28] =	ssyncset.done $0x0  }
0x66: {  	[sflag:s28] =	ssyncadd.s32 $0xFFFFDC00  }
0x67: {  	_ =	swait.ge [sflag:s28], $0x2400  }
0x68: {  	[sflag:s28] =	ssyncset.done $0x0  }
0x69: {  	s0 =	sadd.s32 $0xC80, s0;
	s2 =	sadd.s32 $0xC80, s2;
	[sflag:s28] =	ssyncadd.s32 $0xFFFFDC00  }
0x6a: {  	[hbm4b:s0+s3] =	stream.linear.scatter [tilespmem:s16], [sflag:$0x5], $0x6400, $0x38;
	[tilespmem:$0x19400] =	vst v63  }
0x6b: {  	s30 =	simm.s32 $0x1900;
	s31 =	sadd.s32 $0x32, s6;
	s0 =	sadd.s32 $0x32, s5  }
.LBB2_2:
0x6c: {  	[hbm4b:s2+s3] =	stream.linear.scatter [tilespmem:s17], [sflag:$0x5], $0x6400, $0x38;
	[tilespmem:$0x19400] =	vst v63  }
0x6d: {  	_ =	swait.ge [sflag:s18], $0x6400  }
0x6e: {  	[sflag:s18] =	ssyncset.done $0x0  }
0x6f: {  	[sflag:s18] =	ssyncadd.s32 $0xFFFF9C00  }
0x70: {  	_ =	swait.ge [sflag:s18], $0x6400  }
0x71: {  	[sflag:s18] =	ssyncset.done $0x0  }
0x72: {  	s7 =	sadd.s32 s0, s13;
	[sflag:s18] =	ssyncadd.s32 $0xFFFF9C00  }
0x73: {  	[tilespmem:s3], [sflag:$0x1] =	stream.linear.gather [hbm4b:s7+s3], $0xC8, $0x38;
	[tilespmem:$0x19400] =	vst v63  }
0x74: {  	s10 =	sadd.s32 s31, s13  }
0x75: {  	[tilespmem:s19], [sflag:$0x1] =	stream.linear.gather [hbm4b:s10+s3], $0xC8, $0x38;
	[tilespmem:$0x19400] =	vst v63  }
0x76: {  	_ =	swait.ge [sflag:s20], $0xC8  }
0x77: {  	[sflag:s20] =	ssyncset.done $0x0  }
0x78: {  	[sflag:s20] =	ssyncadd.s32 $0xFFFFFF38  }
0x79: {  	_ =	swait.ge [sflag:s20], $0xC8  }
0x7a: {  	[sflag:s20] =	ssyncset.done $0x0  }
0x7b: {  	[sflag:s20] =	ssyncadd.s32 $0xFFFFFF38  }
0x7c: {  	[tilespmem:s14], [sflag:$0x2] =	stream.indirect.gather [hbm4b:s1+s21], $0x80, s3, s21, $0xb8;
	[tilespmem:$0x19400] =	vst v63  }
0x7d: {  	s11 =	rddreg [dreg:$0x7]  }
0x7e: {  	[tilespmem:s15], [sflag:$0x2] =	stream.indirect.gather [hbm4b:s4+s21], $0x80, s19, s21, $0xb8;
	[tilespmem:$0x19400] =	vst v63  }
0x7f: {  	s8 =	rddreg [dreg:$0x5]  }
0x80: {  	[tilespmem:s8], [sflag:$0x2] =	stream.indirect.gather [hbm4b:s1+s22], $0x80, s21, s22, $0xb8;
	[tilespmem:$0x19400] =	vst v63  }
0x81: {  	s9 =	rddreg [dreg:$0x6]  }
0x82: {  	[tilespmem:s11], [sflag:$0x2] =	stream.indirect.gather [hbm4b:s4+s22], $0x80, s9, s22, $0xb8;
	[tilespmem:$0x19400] =	vst v63  }
0x83: {  	_ =	swait.ge [sflag:s23], $0x4000  }
0x84: {  	[sflag:s23] =	ssyncset.done $0x0  }
0x85: {  	[sflag:s23] =	ssyncadd.s32 $0xFFFFC000  }
0x86: {  	_ =	swait.ge [sflag:s23], $0x4000  }
0x87: {  	[sflag:s23] =	ssyncset.done $0x0  }
0x88: {  	[sflag:s23] =	ssyncadd.s32 $0xFFFFC000  }
0x89: {  	_ =	swait.ge [sflag:s23], $0x2400  }
0x8a: {  	[sflag:s23] =	ssyncset.done $0x0  }
0x8b: {  	[sflag:s23] =	ssyncadd.s32 $0xFFFFDC00  }
0x8c: {  	_ =	swait.ge [sflag:s23], $0x2400  }
0x8d: {  	s2 =	smov.u32 s30;
	s8 =	rddreg [dreg:$0x3];
	[sflag:s23] =	ssyncset.done $0x0  }
0x8e: {  	s9 =	rddreg [dreg:$0x4];
	[sflag:s23] =	ssyncadd.s32 $0xFFFFDC00;
	s7 =	sadd.s32 s2, s8  }
0x8f: {  	[hbm4b:s7+s3] =	stream.linear.scatter [tilespmem:s14], [sflag:$0x4], $0x6400, $0x38;
	[tilespmem:$0x19400] =	vst v63  }
0x90: {  	s2 =	sadd.s32 s2, s9  }
0x91: {  	[hbm4b:s2+s3] =	stream.linear.scatter [tilespmem:s15], [sflag:$0x4], $0x6400, $0x38;
	[tilespmem:$0x19400] =	vst v63  }
0x92: {  	_ =	swait.ge [sflag:s24], $0x6400  }
0x93: {  	[sflag:s24] =	ssyncset.done $0x0  }
0x94: {  	[sflag:s24] =	ssyncadd.s32 $0xFFFF9C00  }
0x95: {  	_ =	swait.ge [sflag:s24], $0x6400  }
0x96: {  	[sflag:s24] =	ssyncset.done $0x0  }
0x97: {  	s10 =	sadd.s32 s0, s12;
	[sflag:s24] =	ssyncadd.s32 $0xFFFF9C00  }
0x98: {  	[tilespmem:s25], [sflag:$0x1] =	stream.linear.gather [hbm4b:s10+s3], $0xC8, $0x38;
	[tilespmem:$0x19400] =	vst v63  }
0x99: {  	s11 =	sadd.s32 s31, s12  }
0x9a: {  	[tilespmem:s26], [sflag:$0x1] =	stream.linear.gather [hbm4b:s11+s3], $0xC8, $0x38;
	[tilespmem:$0x19400] =	vst v63  }
0x9b: {  	_ =	swait.ge [sflag:s20], $0xC8  }
0x9c: {  	[sflag:s20] =	ssyncset.done $0x0  }
0x9d: {  	[sflag:s20] =	ssyncadd.s32 $0xFFFFFF38  }
0x9e: {  	_ =	swait.ge [sflag:s20], $0xC8  }
0x9f: {  	[sflag:s20] =	ssyncset.done $0x0  }
0xa0: {  	s8 =	rddreg [dreg:$0xb];
	[sflag:s20] =	ssyncadd.s32 $0xFFFFFF38  }
0xa1: {  	[tilespmem:s16], [sflag:$0x3] =	stream.indirect.gather [hbm4b:s1+s21], $0x80, s25, s21, $0xb8;
	[tilespmem:$0x19400] =	vst v63  }
0xa2: {  	s9 =	rddreg [dreg:$0x9]  }
0xa3: {  	[tilespmem:s17], [sflag:$0x3] =	stream.indirect.gather [hbm4b:s4+s21], $0x80, s26, s21, $0xb8;
	[tilespmem:$0x19400] =	vst v63  }
0xa4: {  	s10 =	rddreg [dreg:$0x8]  }
0xa5: {  	[tilespmem:s9], [sflag:$0x3] =	stream.indirect.gather [hbm4b:s1+s22], $0x80, s10, s22, $0xb8;
	[tilespmem:$0x19400] =	vst v63  }
0xa6: {  	s11 =	rddreg [dreg:$0xa]  }
0xa7: {  	[tilespmem:s8], [sflag:$0x3] =	stream.indirect.gather [hbm4b:s4+s22], $0x80, s11, s22, $0xb8;
	[tilespmem:$0x19400] =	vst v63  }
0xa8: {  	_ =	swait.ge [sflag:s28], $0x4000  }
0xa9: {  	[sflag:s28] =	ssyncset.done $0x0  }
0xaa: {  	[sflag:s28] =	ssyncadd.s32 $0xFFFFC000  }
0xab: {  	_ =	swait.ge [sflag:s28], $0x4000  }
0xac: {  	[sflag:s28] =	ssyncset.done $0x0  }
0xad: {  	[sflag:s28] =	ssyncadd.s32 $0xFFFFC000  }
0xae: {  	_ =	swait.ge [sflag:s28], $0x2400  }
0xaf: {  	p0 =	sne.s32 s30, $0x25800;
	[sflag:s28] =	ssyncset.done $0x0  }
.Ltmp0:
0xb0: {  	[sflag:s28] =	ssyncadd.s32 $0xFFFFDC00;
	(pc) =	sbr.rel @p0 .LBB2_2-.Ltmp0, $4  }
0xb1: {  	s30 =	sadd.s32 $0x1900, s30;
	_ =	swait.ge [sflag:s28], $0x2400  }
0xb2: {  	s0 =	sadd.s32 $0x32, s0;
	s31 =	sadd.s32 $0x32, s31;
	[sflag:s28] =	ssyncset.done $0x0  }
0xb3: {  	s7 =	sadd.s32 $0xC80, s7;
	s2 =	sadd.s32 $0xC80, s2;
	[sflag:s28] =	ssyncadd.s32 $0xFFFFDC00  }
0xb4: {  	[hbm4b:s7+s3] =	stream.linear.scatter [tilespmem:s16], [sflag:$0x5], $0x6400, $0x38;
	[tilespmem:$0x19400] =	vst v63  }
0xb5: {  	[hbm4b:s2+s3] =	stream.linear.scatter [tilespmem:s17], [sflag:$0x5], $0x6400, $0x38;
	[tilespmem:$0x19400] =	vst v63  }
0xb6: {  	_ =	swait.ge [sflag:s18], $0x6400  }
0xb7: {  	[sflag:s18] =	ssyncset.done $0x0  }
0xb8: {  	[sflag:s18] =	ssyncadd.s32 $0xFFFF9C00  }
0xb9: {  	_ =	swait.ge [sflag:s18], $0x6400  }
0xba: {  	[sflag:s18] =	ssyncset.done $0x0  }
0xbb: {  	[sflag:s18] =	ssyncadd.s32 $0xFFFF9C00  }
0xbc: {  	_ =	swait.ge [sflag:s24], $0x6400  }
0xbd: {  	[sflag:s24] =	ssyncset.done $0x0  }
0xbe: {  	[sflag:s24] =	ssyncadd.s32 $0xFFFF9C00  }
0xbf: {  	_ =	swait.ge [sflag:s24], $0x6400  }
0xc0: {  	s29 =	sadd.s32 $0x1, s29;
	s0 =	rddreg [dreg:$0x10]  }
0xc1: {  	p0 =	sne.s32 s29, s0  }
.Ltmp1:
0xc2: {  	_ = 	snop;
	(pc) =	sbr.rel @p0 .LBB2_1-.Ltmp1, $3  }
0xc3: {  	_ =	sdelay $0x1  }
0xc4: {  	[sflag:s24] =	ssyncset.done $0x0  }
0xc5: {  	[sflag:s24] =	ssyncadd.s32 $0xFFFF9C00  }
0xc6: {  	_ =	sfence.sel $0x180000  }
0xc7: {  	[bflag:$0x0] =	sbarrier.arrive $0xFFFF  }
0xc8: {  	_ =	strace $0x90000047  }
0xc9: {  	s0 =	stileid.u32;
	[bflag:$0x2] =	sbarrier.arrive $0xFFFF  }
0xca: {  	p0 =	sne.s32 s0, $0x0;
	s0 =	rddreg [dreg:$0x2]  }
0xcb: {  	s0 =	sadd.s32 @!p0 $0x100000, s0  }
0xcc: {  	[sflag:s0] =	ssyncadd.tile.s32 @!p0 $0x1;
	_ =	shalt  }
.Lfunc_end2:
_tile_overlayer_lowered:
.L_overlay_start_2:
0xcd: {  	(tag) =	ssettag $0x2  }
0xce: {  	s0 =	rddreg [dreg:$0x0];
	s2 =	stileid.u32  }
0xcf: {  	s1 =	rddreg [dreg:$0x1];
	p0 =	sne.s32 s2, $0x0  }
0xd0: {  	s3 =	rddreg [dreg:$0x2];
	[bflag:$0x3] =	sbarrier.arrive $0xFFFF;
	s2 =	simm.s32 @!p0 $0x1C06  }
0xd1: {  	[timem:s3], [sflag:s2] =	dma.local @!p0 [hbm:s0], s1  }
0xd2: {  	s0 =	simm.s32 @!p0 $0x6  }
0xd3: {  	_ =	swait.ge @!p0 [sflag:s0], s1  }
0xd4: {  	s1 =	ssub.s32 @!p0 $0x0, s1;
	[sflag:s0] =	ssyncset.done @!p0 $0x0  }
0xd5: {  	[sflag:s0] =	ssyncadd.s32 @!p0 s1  }
0xd6: {  	[bflag:$0x3] =	sbarrier.arrive $0xFFFF  }
0xd7: {  	_ =	shalt  }

// kernel: kernel.13.cloned.1.call-start
scs
__scs_entry_jumppad:
0x0: {  	(pc) =	sbr.rel $0x88, $3  }
0x1: {  	(tag) =	ssettag $0x0;
	lr =	simm.s32 $0x1  }
0x2: {  	[smem:$0x3F90] =	sst lr;
	_ =	strace $0xD0000000  }
0x3: {  	_ = 	snop  }
0x4: {  	_ = 	snop  }
0x5: {  	_ = 	snop  }
0x6: {  	_ = 	snop  }
0x7: {  	_ = 	snop  }
__scs_overlays_trampoline_lowered:
0x8: {  	[smem:$0x3F9F] =	sst s0  }
0x9: {  	[smem:$0x3FA0] =	sst s1  }
0xa: {  	[smem:$0x3FA1] =	sst s2  }
0xb: {  	[smem:$0x3FA2] =	sst s3  }
0xc: {  	[smem:$0x3FA3] =	sst s4  }
0xd: {  	[smem:$0x3FA4] =	sst s5  }
0xe: {  	[smem:$0x3FA5] =	sst s6  }
0xf: {  	[smem:$0x3FA6] =	sst s7  }
0x10: {  	[smem:$0x3FA7] =	sst s8  }
0x11: {  	[smem:$0x3FA8] =	sst s9;
	s0 =	simm.s32 @!p0 $0x0  }
0x12: {  	s1 =	sld [smem:$0x3F8E];
	s0 =	simm.s32 @p0 $0x1  }
0x13: {  	[smem:$0x3FA9] =	sst s0;
	s0 =	simm.s32 @!p1 $0x0  }
0x14: {  	s2 =	sld [smem:$0x3F8D];
	s0 =	simm.s32 @p1 $0x1  }
0x15: {  	[smem:$0x3FAA] =	sst s0;
	s0 =	simm.s32 @!p2 $0x0  }
0x16: {  	s3 =	sld [smem:$0x3FDB];
	s0 =	simm.s32 @p2 $0x1  }
0x17: {  	s4 =	simm.s32 $0x1BF5;
	[smem:$0x3FAC] =	sst s0  }
0x18: {  	s0 =	sld [smem:$0x3F8F];
	_ =	swait.ge [sflag:s4], $0x0  }
0x19: {  	s7 =	sld [smem:$0x3F90]  }
0x1a: {  	s8 =	sadd.s32 $0xFFFFE003, lr  }
0x1b: {  	s9 =	sadd.s32 $0xFFFFFEF7, lr;
	s5 =	simm.s32 $0xFFFFFFFF;
	p2 =	slt.u32 s8, $0xFFFFF086  }
0x1c: {  	p1 =	slt.u32 s9, $0xF7A;
	s5 =	simm.s32 @!p2 $0x0  }
0x1d: {  	s5 =	simm.s32 @p1 $0x1;
	p0 =	seq.s32 s7, s2  }
0x1e: {  	s7 =	smul.u32 @!p0 $0xF7A, s2;
	p2 =	seq.s32 @!p0 s5, $0x0  }
0x1f: {  	s9 =	smul.u32 $0xF7A, s1;
	s8 =	simm.s32 @!p0 $0x1BF5;
	p2 =	por !p2, p0  }
0x20: {  	[sflag:s8] =	ssyncset.s32 @!p0 $0xFFFFF086;
	s6 =	sadd.s32 @!p0 s3, s7;
	s7 =	simm.s32 @!p0 $0x108  }
0x21: {  	s3 =	sadd.s32 s3, s9;
	s6 =	sadd.s32 @!p0 $0x88, s6;
	s7 =	simm.s32 @p2 $0x1082  }
0x22: {  	[simem:s7], [sflag:s8] =	dma.local @!p0 [hbm:s6], $0xF7A  }
0x23: {  	s9 =	sor.u32 $0xD0000000, s2;
	s6 =	simm.s32 $0x108;
	_ =	swait.ge @!p0 [sflag:s8], $0x0  }
0x24: {  	s3 =	sadd.s32 $0x88, s3;
	s6 =	simm.s32 @!p1 $0x1082;
	[sflag:s4] =	ssyncset.s32 $0xFFFFF086  }
0x25: {  	[simem:s6], [sflag:s4] =	dma.local [hbm:s3], $0xF7A  }
0x26: {  	[smem:$0x3F90] =	sst s1;
	(tag) =	ssettag s2;
	_ =	strace s9  }
0x27: {  	s1 =	sld [smem:$0x3FA0]  }
0x28: {  	s2 =	sld [smem:$0x3FA1]  }
0x29: {  	s4 =	sld [smem:$0x3FA3]  }
0x2a: {  	p0 =	seq.s32 s5, $0x0;
	s5 =	sld [smem:$0x3FA4]  }
0x2b: {  	s6 =	sld [smem:$0x3FA5]  }
0x2c: {  	s7 =	sld [smem:$0x3FA6]  }
0x2d: {  	s3 =	simm.s32 $0x108;
	s8 =	sld [smem:$0x3FA7]  }
0x2e: {  	s3 =	simm.s32 @!p0 $0x1082;
	s9 =	sld [smem:$0x3FA8]  }
0x2f: {  	lr =	sadd.s32 s0, s3;
	s0 =	sld [smem:$0x3F9F]  }
0x30: {  	s3 =	sld [smem:$0x3FA2]  }
0x31: {  	[smem:$0x3FAB] =	sst s10  }
0x32: {  	s10 =	sld [smem:$0x3FA9];
	_ =	sdelay $0x3  }
0x33: {  	p0 =	seq.s32 s10, $0x1;
	s10 =	sld [smem:$0x3FAB];
	_ =	sdelay $0x3  }
0x34: {  	[smem:$0x3FAB] =	sst s10  }
0x35: {  	s10 =	sld [smem:$0x3FAA];
	_ =	sdelay $0x3  }
0x36: {  	p1 =	seq.s32 s10, $0x1;
	s10 =	sld [smem:$0x3FAB];
	_ =	sdelay $0x3  }
0x37: {  	[smem:$0x3FAB] =	sst s10  }
0x38: {  	s10 =	sld [smem:$0x3FAC]  }
0x39: {  	_ = 	snop;
	(pc) =	sbr.ind lr, $3  }
0x3a: {  	_ = 	snop  }
0x3b: {  	_ = 	snop  }
0x3c: {  	p2 =	seq.s32 s10, $0x1;
	s10 =	sld [smem:$0x3FAB]  }
0x3d: {  	_ =	shalt  }
0x3e: {  	_ =	shalt  }
0x3f: {  	_ =	shalt  }
0x40: {  	_ =	shalt  }
0x41: {  	_ =	shalt  }
0x42: {  	_ =	shalt  }
0x43: {  	_ =	shalt  }
0x44: {  	_ =	shalt  }
0x45: {  	_ =	shalt  }
0x46: {  	_ =	shalt  }
0x47: {  	_ =	shalt  }
0x48: {  	_ =	shalt  }
0x49: {  	_ =	shalt  }
0x4a: {  	_ =	shalt  }
0x4b: {  	_ =	shalt  }
0x4c: {  	_ =	shalt  }
0x4d: {  	_ =	shalt  }
0x4e: {  	_ =	shalt  }
0x4f: {  	_ =	shalt  }
0x50: {  	_ =	shalt  }
0x51: {  	_ =	shalt  }
0x52: {  	_ =	shalt  }
0x53: {  	_ =	shalt  }
0x54: {  	_ =	shalt  }
0x55: {  	_ =	shalt  }
0x56: {  	_ =	shalt  }
0x57: {  	_ =	shalt  }
0x58: {  	_ =	shalt  }
0x59: {  	_ =	shalt  }
0x5a: {  	_ =	shalt  }
0x5b: {  	_ =	shalt  }
0x5c: {  	_ =	shalt  }
0x5d: {  	_ =	shalt  }
0x5e: {  	_ =	shalt  }
0x5f: {  	_ =	shalt  }
0x60: {  	_ =	shalt  }
0x61: {  	_ =	shalt  }
0x62: {  	_ =	shalt  }
0x63: {  	_ =	shalt  }
0x64: {  	_ =	shalt  }
0x65: {  	_ =	shalt  }
0x66: {  	_ =	shalt  }
0x67: {  	_ =	shalt  }
0x68: {  	_ =	shalt  }
0x69: {  	_ =	shalt  }
0x6a: {  	_ =	shalt  }
0x6b: {  	_ =	shalt  }
0x6c: {  	_ =	shalt  }
0x6d: {  	_ =	shalt  }
0x6e: {  	_ =	shalt  }
0x6f: {  	_ =	shalt  }
0x70: {  	_ =	shalt  }
0x71: {  	_ =	shalt  }
0x72: {  	_ =	shalt  }
0x73: {  	_ =	shalt  }
0x74: {  	_ =	shalt  }
0x75: {  	_ =	shalt  }
0x76: {  	_ =	shalt  }
0x77: {  	_ =	shalt  }
0x78: {  	_ =	shalt  }
0x79: {  	_ =	shalt  }
0x7a: {  	_ =	shalt  }
0x7b: {  	_ =	shalt  }
0x7c: {  	_ =	shalt  }
0x7d: {  	_ =	shalt  }
0x7e: {  	_ =	shalt  }
0x7f: {  	_ =	shalt  }
0x80: {  	_ =	shalt  }
0x81: {  	_ =	shalt  }
0x82: {  	_ =	shalt  }
0x83: {  	_ =	shalt  }
0x84: {  	_ =	shalt  }
0x85: {  	_ =	shalt  }
0x86: {  	_ =	shalt  }
0x87: {  	_ =	shalt  }
.Lfunc_end0:
.L_simem_size_0:
called_computation.1_lowered:
.L_overlay_start_0:
0x88: {  	s2 =	sld [smem:$0x3FD9]  }
0x89: {  	s3 =	sld [smem:$0x3FFE];
	_ =	sdelay $0x1  }
0x8a: {  	s1 =	srdreg.scid  }
0x8b: {  	s0 =	sand.u32 $0x1, s1  }
0x8c: {  	s16 =	sshll.u32 s0, $0xA;
	s2 =	sadd.s32 s3, s2  }
0x8d: {  	s2 =	sadd.s32 s2, s16  }
0x8e: {  	[smem:$0x3FB7] =	sst s2  }
0x8f: {  	_ = 	snop  }
0x90: {  	(tm) =	ssettm $0x1  }
0x91: {  	s17 =	sld [smem:$0x3FFB];
	_ =	sdelay $0x3  }
0x92: {  	_ =	strace s17  }
0x93: {  	s2 =	sld [smem:$0x3FFC];
	_ =	sdelay $0x3  }
0x94: {  	_ =	strace s2  }
0x95: {  	s2 =	sld [smem:$0x3FFD];
	_ =	sdelay $0x3  }
0x96: {  	_ =	strace s2  }
0x97: {  	_ =	strace $0x8FFFFFFF  }
0x98: {  	s18 =	sld [smem:$0x3FDB];
	_ =	sdelay $0x1  }
0x99: {  	s19 =	simm.s32 $_scs_section_size  }
0x9a: {  	s4 =	simm.s32 $_size__tile_overlayer_lowered;
	s5 =	simm.s32 $_tile_overlayer_lowered  }
0x9b: {  	s22 =	simm.s32 $0x1BFF;
	s21 =	sshll.u32 s5, $0x1;
	s2 =	sadd.s32 s19, s18  }
0x9c: {  	s6 =	simm.s32 $0x0;
	s20 =	sshll.u32 s4, $0x1;
	s4 =	sadd.s32 s21, s2  }
0x9d: {  	[timem:s6], [sflag:s22] =	dma.local [hbm:s4], s20  }
0x9e: {  	_ =	swait.ge [sflag:s22], s20  }
0x9f: {  	s3 =	ssub.s32 $0x0, s20;
	[sflag:s22] =	ssyncset.done $0x0  }
0xa0: {  	[sflag:s22] =	ssyncadd.s32 s3;
	_ =	sdelay $0x1  }
0xa1: {  	s23 =	simm.s32 $0x1B8B  }
0xa2: {  	_ =	swait.ge [sflag:s23], $0x1  }
0xa3: {  	[sflag:s23] =	ssyncset.done $0x0  }
0xa4: {  	s25 =	simm.s32 $0x1B8E;
	s24 =	sld [smem:$0x3FFE];
	[sflag:s23] =	ssyncadd.s32 $0xFFFFFFFF  }
0xa5: {  	s26 =	simm.s32 $execute0_lowered;
	[smem:$0x3FD2] =	sst s25  }
0xa6: {  	s4 =	sshll.u32 s26, $0x1;
	_ =	strace $0x80000049;
	[dreg:$0x1] =	wrdreg $0xFFFFFFFF  }
0xa7: {  	s28 =	simm.s32 $_size_execute0_lowered;
	s2 =	sadd.s32 s2, s4;
	[dreg:$0x0] =	wrdreg $0x0  }
0xa8: {  	s4 =	sshll.u32 s28, $0x1;
	[dreg:$0x2] =	wrdreg s2  }
0xa9: {  	[dreg:$0x3] =	wrdreg s4  }
0xaa: {  	[dreg:$0x4] =	wrdreg $0xC0  }
0xab: {  	_ =	task [dreg:s6], $0x5FFFF  }
0xac: {  	[dreg:$0x1] =	wrdreg $0xFFFFFFFF  }
0xad: {  	[dreg:$0x0] =	wrdreg $0x60  }
0xae: {  	[dreg:$0x2] =	wrdreg s24  }
0xaf: {  	[dreg:$0x3] =	wrdreg $0xA9800  }
0xb0: {  	[dreg:$0x4] =	wrdreg $0x9  }
0xb1: {  	_ =	task.clear_ibuf [dreg:s6], $0x5FFFF;
	_ =	strace $0x90000049  }
0xb2: {  	s29 =	simm.s32 $0x9;
	_ =	strace $0x8000004B  }
0xb3: {  	_ =	swait.ge [sflag:s29], $0x1  }
0xb4: {  	[sflag:s29] =	ssyncadd.s32 $0xFFFFFFFF  }
0xb5: {  	_ =	strace $0x9000004B  }
0xb6: {  	_ =	sfence  }
0xb7: {  	s30 =	sld [smem:$0x0];
	_ =	sdelay $0x2  }
0xb8: {  	s31 =	sshll.u32 s1, $0xD;
	s1 =	sshrl.u32 s1, $0x2  }
0xb9: {  	s3 =	sand.u32 $0x4000, s31;
	s1 =	sadd.s32 s1, s30  }
0xba: {  	s0 =	sor.u32 s3, s0;
	s1 =	sshll.u32 s1, $0x11  }
0xbb: {  	s0 =	sor.u32 s1, s0  }
0xbc: {  	s0 =	sadd.s32 $0x8F2B, s0  }
0xbd: {  	[sflag:s0] =	ssyncadd.remote.s32 $0x1  }
0xbe: {  	_ =	sfence.sel $0xFFFF  }
0xbf: {  	[dreg:$0x0] =	wrdreg $0xFFFFFFFF;
	(pc) =	sbr.abs _section_cstart, $3  }
0xc0: {  	[dreg:$0x1] =	wrdreg $0xFFFFFFFF  }
0xc1: {  	_ =	task.clear_ibuf [dreg:s6], $0x2FFFF;
	_ =	strace $0x9FFFFFFF  }
0xc2: {  	(tm) =	ssettm $0x7FFFFFFF  }
0xc3: {  	_ =	shalt  }
tec
execute0_lowered:
.L_overlay_start_1:
0x0: {  	(tag) =	ssettag $0x1  }
0x1: {  	s0 =	srdreg.scid;
	s19 =	stileid.u32  }
0x2: {  	s1 =	rddreg [dreg:$0x0];
	s31 =	simm.s32 $0x0;
	s12 =	sand.u32 $0x1, s0  }
0x3: {  	s10 =	smul.u32 $0x13C00, s19;
	s11 =	sadd.s32 $0x4FA000, s1;
	s26 =	sshll.u32 s19, $0x1  }
0x4: {  	s0 =	ssub.s32 $0x2, s12;
	s13 =	sor.u32 s12, s26;
	s14 =	smul.u32 $0x13C000, s12  }
0x5: {  	s2 =	sshrl.u32 s0, $0x1;
	s3 =	sadd.s32 $0x4000, s10;
	s4 =	sadd.s32 $0x6000, s10  }
0x6: {  	s5 =	sadd.s32 $0x8000, s10;
	s6 =	sadd.s32 $0xA000, s10;
	s7 =	sadd.s32 $0xC000, s10  }
0x7: {  	s8 =	sadd.s32 $0xE000, s10;
	s9 =	sadd.s32 $0x10000, s10;
	s16 =	smul.u32 $0x27100, s13  }
0x8: {  	s13 =	smul.u32 $0x2710, s13;
	s0 =	ssub.s32 s0, s2;
	s2 =	sadd.s32 $0x2000, s10  }
0x9: {  	s15 =	sadd.s32 s10, s14;
	s10 =	sadd.s32 $0x12000, s10;
	s17 =	sadd.s32 s14, s3  }
0xa: {  	s18 =	sadd.s32 s14, s4;
	s21 =	sadd.s32 s14, s5;
	s22 =	sadd.s32 s14, s6  }
0xb: {  	s23 =	sadd.s32 s14, s7;
	s26 =	sadd.s32 s14, s8;
	s15 =	sshrl.u32 s15, $0x3  }
0xc: {  	s29 =	sadd.s32 s14, s2;
	s17 =	sshrl.u32 s17, $0x3;
	s18 =	sshrl.u32 s18, $0x3  }
0xd: {  	s30 =	sadd.s32 $0x2680, s13;
	s0 =	smax.u32 s0, $0x1;
	s15 =	sadd.s32 s11, s15  }
0xe: {  	s17 =	sadd.s32 s11, s17;
	s20 =	sadd.s32 s11, s18;
	[dreg:$0x3] =	wrdreg s15  }
0xf: {  	s18 =	sshrl.u32 s23, $0x3;
	s15 =	sshrl.u32 s29, $0x3;
	[dreg:$0x5] =	wrdreg s17  }
0x10: {  	[dreg:$0x6] =	wrdreg s20;
	s17 =	sshrl.u32 s22, $0x3;
	s25 =	sadd.s32 s11, s18  }
0x11: {  	s29 =	sadd.s32 s14, s9;
	s14 =	sadd.s32 s14, s10;
	s18 =	sadd.s32 $0x18000, s1  }
0x12: {  	s22 =	smul.u32 $0x4E200, s19;
	s15 =	sadd.s32 s11, s15;
	s24 =	sadd.s32 s11, s17  }
0x13: {  	[dreg:$0x9] =	wrdreg s25;
	s17 =	sshrl.u32 s29, $0x3;
	s14 =	sshrl.u32 s14, $0x3  }
0x14: {  	s25 =	sadd.s32 s18, s16;
	s29 =	sadd.s32 $0x2700, s13;
	[dreg:$0x4] =	wrdreg s15  }
0x15: {  	s15 =	sshrl.u32 s21, $0x3;
	[dreg:$0x8] =	wrdreg s24;
	s17 =	sadd.s32 s11, s17  }
0x16: {  	[dreg:$0xd] =	wrdreg s25;
	s20 =	sshll.u32 s29, $0x4;
	s21 =	sshll.u32 s30, $0x4  }
0x17: {  	s24 =	smul.u32 $0x4E20, s19;
	s15 =	sadd.s32 s11, s15;
	[dreg:$0xb] =	wrdreg s17  }
0x18: {  	s25 =	smul.u32 $0x4F000, s19;
	s16 =	sadd.s32 s18, s20;
	[dreg:$0x7] =	wrdreg s15  }
0x19: {  	s23 =	sadd.s32 s18, s21;
	s17 =	sadd.s32 $0xE200, s1;
	[dreg:$0xe] =	wrdreg s16  }
0x1a: {  	s15 =	sshrl.u32 s26, $0x3;
	s26 =	smul.u32 $0x27100, s12;
	[dreg:$0xf] =	wrdreg s23  }
0x1b: {  	s12 =	smul.u32 $0x2710, s12;
	s16 =	rddreg [dreg:$0x1];
	s15 =	sadd.s32 s11, s15  }
0x1c: {  	s11 =	sadd.s32 s11, s14;
	s14 =	sadd.s32 s22, s18;
	s19 =	sadd.s32 s2, s16  }
0x1d: {  	s20 =	sadd.s32 s3, s16;
	s21 =	sadd.s32 s4, s16;
	s22 =	sadd.s32 s5, s16  }
0x1e: {  	s23 =	sadd.s32 s6, s16;
	s28 =	sadd.s32 s10, s16;
	s10 =	sshrl.u32 s13, $0x3  }
0x1f: {  	s13 =	sshrl.u32 s29, $0x3;
	s18 =	sshrl.u32 s30, $0x3;
	s3 =	simm.s32 $0x8980  }
0x20: {  	s4 =	simm.s32 $0x5;
	s5 =	simm.s32 $0x8000;
	[dreg:$0xa] =	wrdreg s15  }
0x21: {  	s6 =	simm.s32 $0x3;
	[dreg:$0xc] =	wrdreg s11;
	s11 =	simm.s32 $0x0  }
0x22: {  	s14 =	sadd.s32 s26, s14;
	s12 =	sadd.s32 s12, s24;
	s26 =	sshrl.u32 s25, $0x2  }
0x23: {  	s24 =	sadd.s32 s7, s16;
	s25 =	sadd.s32 s8, s16;
	s15 =	sadd.s32 s17, s13  }
0x24: {  	s7 =	simm.s32 $0x1;
	s8 =	simm.s32 $0x8080;
	s13 =	simm.s32 $0x2  }
0x25: {  	[smem:$0x7FF] =	sst s11;
	s1 =	sadd.s32 s26, s16;
	s26 =	sadd.s32 s9, s16  }
0x26: {  	s29 =	sadd.s32 $0x80, s12;
	s30 =	sadd.s32 $0x1000, s14;
	s14 =	sadd.s32 $0x100, s12  }
0x27: {  	s9 =	simm.s32 $0x4000;
	_ =	strace $0x8000004A;
	[dreg:$0x10] =	wrdreg s1  }
0x28: {  	s12 =	simm.s32 $0x4;
	s1 =	sadd.s32 s17, s10;
	[dreg:$0x12] =	wrdreg s15  }
0x29: {  	[dreg:$0x13] =	wrdreg s0;
	s15 =	sadd.s32 s17, s18;
	s0 =	sshrl.u32 s29, $0x3  }
0x2a: {  	v0 =	vimm.f32 $0.0e+00;
	s10 =	simm.s32 $0x80;
	[dreg:$0x11] =	wrdreg s1;
	s2 =	sadd.s32 s0, s17  }
.LBB2_1:
0x2b: {  	s0 =	sand.u32 $0x7E00, s11  }
0x2c: {  	s1 =	sand.u32 $0x70, s11;
	s29 =	sshrl.u32 s0, $0x2  }
0x2d: {  	s0 =	simm.s32 $0x40;
	s29 =	sor.u32 s1, s29;
	s1 =	simm.s32 $0x0  }
.LBB2_2:
0x2e: {  	p0 =	sne.s32 s0, $0x7FC0  }
0x2f: {  	[tilespmem:s29+$0x8980] =	vst v0;
	s1 =	sadd.s32 $0x10, s1;
	s29 =	smov.u32 s0;
	s0 =	sadd.s32 $0x40, s0  }
.Ltmp0:
0x30: {  	(pc) =	sbr.rel @p0 .LBB2_2-.Ltmp0, $4  }
0x31: {  	_ = 	snop  }
0x32: {  	s29 =	sand.u32 $0x7E00, s29  }
0x33: {  	s18 =	sand.u32 $0x70, s1;
	s29 =	sshrl.u32 s29, $0x2  }
0x34: {  	s29 =	sor.u32 s18, s29  }
0x35: {  	[tilespmem:s29+$0x8980] =	vst v0;
	s0 =	rddreg [dreg:$0x10]  }
0x36: {  	[spmem:s0] =	stream.linear.scatter [tilespmem:s3], [sflag:$0x5], $0x2000, $0x38;
	[tilespmem:$0x1E580] =	vst v63  }
0x37: {  	_ =	swait.ge [sflag:s4], $0x2000  }
0x38: {  	[sflag:s4] =	ssyncset.done $0x0  }
0x39: {  	[sflag:s4] =	ssyncadd.s32 $0xFFFFE000  }
0x3a: {  	[spmem:s19] =	stream.linear.scatter [tilespmem:s3], [sflag:$0x5], $0x2000, $0x38;
	[tilespmem:$0x1E580] =	vst v63  }
0x3b: {  	_ =	swait.ge [sflag:s4], $0x2000  }
0x3c: {  	[sflag:s4] =	ssyncset.done $0x0  }
0x3d: {  	[sflag:s4] =	ssyncadd.s32 $0xFFFFE000  }
0x3e: {  	[spmem:s20] =	stream.linear.scatter [tilespmem:s3], [sflag:$0x5], $0x2000, $0x38;
	[tilespmem:$0x1E580] =	vst v63  }
0x3f: {  	_ =	swait.ge [sflag:s4], $0x2000  }
0x40: {  	[sflag:s4] =	ssyncset.done $0x0  }
0x41: {  	[sflag:s4] =	ssyncadd.s32 $0xFFFFE000  }
0x42: {  	[spmem:s21] =	stream.linear.scatter [tilespmem:s3], [sflag:$0x5], $0x2000, $0x38;
	[tilespmem:$0x1E580] =	vst v63  }
0x43: {  	_ =	swait.ge [sflag:s4], $0x2000  }
0x44: {  	[sflag:s4] =	ssyncset.done $0x0  }
0x45: {  	[sflag:s4] =	ssyncadd.s32 $0xFFFFE000  }
0x46: {  	[spmem:s22] =	stream.linear.scatter [tilespmem:s3], [sflag:$0x5], $0x2000, $0x38;
	[tilespmem:$0x1E580] =	vst v63  }
0x47: {  	_ =	swait.ge [sflag:s4], $0x2000  }
0x48: {  	[sflag:s4] =	ssyncset.done $0x0  }
0x49: {  	[sflag:s4] =	ssyncadd.s32 $0xFFFFE000  }
0x4a: {  	[spmem:s23] =	stream.linear.scatter [tilespmem:s3], [sflag:$0x5], $0x2000, $0x38;
	[tilespmem:$0x1E580] =	vst v63  }
0x4b: {  	_ =	swait.ge [sflag:s4], $0x2000  }
0x4c: {  	[sflag:s4] =	ssyncset.done $0x0  }
0x4d: {  	[sflag:s4] =	ssyncadd.s32 $0xFFFFE000  }
0x4e: {  	[spmem:s24] =	stream.linear.scatter [tilespmem:s3], [sflag:$0x5], $0x2000, $0x38;
	[tilespmem:$0x1E580] =	vst v63  }
0x4f: {  	_ =	swait.ge [sflag:s4], $0x2000  }
0x50: {  	[sflag:s4] =	ssyncset.done $0x0  }
0x51: {  	[sflag:s4] =	ssyncadd.s32 $0xFFFFE000  }
0x52: {  	[spmem:s25] =	stream.linear.scatter [tilespmem:s3], [sflag:$0x5], $0x2000, $0x38;
	[tilespmem:$0x1E580] =	vst v63  }
0x53: {  	_ =	swait.ge [sflag:s4], $0x2000  }
0x54: {  	[sflag:s4] =	ssyncset.done $0x0  }
0x55: {  	[sflag:s4] =	ssyncadd.s32 $0xFFFFE000  }
0x56: {  	[spmem:s26] =	stream.linear.scatter [tilespmem:s3], [sflag:$0x5], $0x2000, $0x38;
	[tilespmem:$0x1E580] =	vst v63  }
0x57: {  	_ =	swait.ge [sflag:s4], $0x2000  }
0x58: {  	[sflag:s4] =	ssyncset.done $0x0  }
0x59: {  	[sflag:s4] =	ssyncadd.s32 $0xFFFFE000  }
0x5a: {  	[spmem:s28] =	stream.linear.scatter [tilespmem:s3], [sflag:$0x5], $0x1C00, $0x38;
	[tilespmem:$0x1E580] =	vst v63  }
0x5b: {  	_ =	swait.ge [sflag:s4], $0x1C00  }
0x5c: {  	[sflag:s4] =	ssyncset.done $0x0  }
0x5d: {  	[sflag:s4] =	ssyncadd.s32 $0xFFFFE400  }
0x5e: {  	[bflag:$0x0] =	sbarrier.arrive $0xFFFF  }
0x5f: {  	s0 =	simm.s32 $0x0;
	s1 =	rddreg [dreg:$0x11]  }
0x60: {  	[tilespmem:s5], [sflag:$0x3] =	stream.linear.gather [hbm4b:s1+s0], $0x80, $0x38;
	[tilespmem:$0x1E580] =	vst v63  }
0x61: {  	s18 =	rddreg [dreg:$0xd]  }
0x62: {  	[tilespmem:s0], [sflag:$0x1] =	stream.linear.gather [hbm4b:s18+s0], $0x4000, $0x38;
	[tilespmem:$0x1E580] =	vst v63  }
0x63: {  	_ =	swait.ge [sflag:s6], $0x80  }
0x64: {  	[sflag:s6] =	ssyncset.done $0x0  }
0x65: {  	[sflag:s6] =	ssyncadd.s32 $0xFFFFFF80  }
0x66: {  	_ =	swait.ge [sflag:s7], $0x4000  }
0x67: {  	[sflag:s7] =	ssyncset.done $0x0  }
0x68: {  	s18 =	sadd.s32 $0x0, s2;
	[sflag:s7] =	ssyncadd.s32 $0xFFFFC000  }
0x69: {  	[tilespmem:s8], [sflag:$0x4] =	stream.linear.gather [hbm4b:s18+s11], $0x80, $0x38;
	[tilespmem:$0x1E580] =	vst v63  }
0x6a: {  	s1 =	sadd.s32 $0xFFFFF800, s30  }
0x6b: {  	[tilespmem:s9], [sflag:$0x2] =	stream.linear.gather [hbm4b:s1+s11], $0x4000, $0x38;
	[tilespmem:$0x1E580] =	vst v63  }
0x6c: {  	_ = 	snop  }
0x6d: {  	[spmem:s16] =	stream.indirect.scatter.add.f32 [tilespmem:s11], [sflag:$0x5], $0x80, s5, s10, $0xb8;
	[tilespmem:$0x1E580] =	vst v63  }
0x6e: {  	_ =	swait.ge [sflag:s4], $0x4000  }
0x6f: {  	[sflag:s4] =	ssyncset.done $0x0  }
0x70: {  	[sflag:s4] =	ssyncadd.s32 $0xFFFFC000  }
0x71: {  	_ =	swait.ge [sflag:s12], $0x80  }
0x72: {  	[sflag:s12] =	ssyncset.done $0x0  }
0x73: {  	[sflag:s12] =	ssyncadd.s32 $0xFFFFFF80  }
0x74: {  	_ =	swait.ge [sflag:s13], $0x4000  }
0x75: {  	s18 =	sshrl.u32 s14, $0x3;
	[sflag:s13] =	ssyncset.done $0x0  }
0x76: {  	s0 =	sadd.s32 s17, s18;
	[sflag:s13] =	ssyncadd.s32 $0xFFFFC000  }
0x77: {  	[tilespmem:s5], [sflag:$0x3] =	stream.linear.gather [hbm4b:s0+s11], $0x80, $0x38;
	[tilespmem:$0x1E580] =	vst v63  }
0x78: {  	_ = 	snop  }
0x79: {  	[tilespmem:s11], [sflag:$0x1] =	stream.linear.gather [hbm4b:s30+s11], $0x4000, $0x38;
	[tilespmem:$0x1E580] =	vst v63  }
0x7a: {  	_ = 	snop  }
0x7b: {  	[spmem:s16] =	stream.indirect.scatter.add.f32 [tilespmem:s9], [sflag:$0x5], $0x80, s8, s10, $0xb8;
	[tilespmem:$0x1E580] =	vst v63  }
0x7c: {  	s29 =	simm.s32 $0x20;
	_ =	swait.ge [sflag:s4], $0x4000  }
0x7d: {  	s1 =	smov.u32 s14;
	s0 =	smov.u32 s30;
	[sflag:s4] =	ssyncset.done $0x0  }
.LBB2_4:
0x7e: {  	[sflag:s4] =	ssyncadd.s32 $0xFFFFC000;
	s0 =	sadd.s32 $0x1000, s0;
	s1 =	sadd.s32 $0x100, s1  }
0x7f: {  	p0 =	sne.s32 s29, $0x4A0;
	s18 =	smov.u32 s29;
	s29 =	sadd.s32 $0x20, s29  }
0x80: {  	_ =	swait.ge [sflag:s6], $0x80  }
0x81: {  	[sflag:s6] =	ssyncset.done $0x0  }
0x82: {  	[sflag:s6] =	ssyncadd.s32 $0xFFFFFF80  }
0x83: {  	_ =	swait.ge [sflag:s7], $0x4000  }
0x84: {  	[sflag:s7] =	ssyncset.done $0x0  }
0x85: {  	s18 =	sadd.s32 s18, s2;
	[sflag:s7] =	ssyncadd.s32 $0xFFFFC000  }
0x86: {  	[tilespmem:s8], [sflag:$0x4] =	stream.linear.gather [hbm4b:s18+s11], $0x80, $0x38;
	[tilespmem:$0x1E580] =	vst v63  }
0x87: {  	s18 =	sadd.s32 $0xFFFFF800, s0  }
0x88: {  	[tilespmem:s9], [sflag:$0x2] =	stream.linear.gather [hbm4b:s18+s11], $0x4000, $0x38;
	[tilespmem:$0x1E580] =	vst v63  }
0x89: {  	_ = 	snop  }
0x8a: {  	[spmem:s16] =	stream.indirect.scatter.add.f32 [tilespmem:s11], [sflag:$0x5], $0x80, s5, s10, $0xb8;
	[tilespmem:$0x1E580] =	vst v63  }
0x8b: {  	_ =	swait.ge [sflag:s4], $0x4000  }
0x8c: {  	[sflag:s4] =	ssyncset.done $0x0  }
0x8d: {  	[sflag:s4] =	ssyncadd.s32 $0xFFFFC000  }
0x8e: {  	_ =	swait.ge [sflag:s12], $0x80  }
0x8f: {  	[sflag:s12] =	ssyncset.done $0x0  }
0x90: {  	[sflag:s12] =	ssyncadd.s32 $0xFFFFFF80  }
0x91: {  	_ =	swait.ge [sflag:s13], $0x4000  }
0x92: {  	s18 =	sshrl.u32 s1, $0x3;
	[sflag:s13] =	ssyncset.done $0x0  }
0x93: {  	s18 =	sadd.s32 s17, s18;
	[sflag:s13] =	ssyncadd.s32 $0xFFFFC000  }
0x94: {  	[tilespmem:s5], [sflag:$0x3] =	stream.linear.gather [hbm4b:s18+s11], $0x80, $0x38;
	[tilespmem:$0x1E580] =	vst v63  }
0x95: {  	_ = 	snop  }
0x96: {  	[tilespmem:s11], [sflag:$0x1] =	stream.linear.gather [hbm4b:s0+s11], $0x4000, $0x38;
	[tilespmem:$0x1E580] =	vst v63  }
.Ltmp1:
0x97: {  	_ = 	snop;
	(pc) =	sbr.rel @p0 .LBB2_4-.Ltmp1, $4  }
0x98: {  	_ = 	snop  }
0x99: {  	[spmem:s16] =	stream.indirect.scatter.add.f32 [tilespmem:s9], [sflag:$0x5], $0x80, s8, s10, $0xb8;
	[tilespmem:$0x1E580] =	vst v63  }
0x9a: {  	_ =	swait.ge [sflag:s4], $0x4000  }
0x9b: {  	[sflag:s4] =	ssyncset.done $0x0  }
0x9c: {  	[sflag:s4] =	ssyncadd.s32 $0xFFFFC000  }
0x9d: {  	_ =	swait.ge [sflag:s6], $0x80  }
0x9e: {  	[sflag:s6] =	ssyncset.done $0x0  }
0x9f: {  	[sflag:s6] =	ssyncadd.s32 $0xFFFFFF80  }
0xa0: {  	_ =	swait.ge [sflag:s7], $0x4000  }
0xa1: {  	[sflag:s7] =	ssyncset.done $0x0  }
0xa2: {  	[sflag:s7] =	ssyncadd.s32 $0xFFFFC000  }
0xa3: {  	[tilespmem:s8], [sflag:$0x4] =	stream.linear.gather [hbm4b:s15+s11], $0x80, $0x38;
	[tilespmem:$0x1E580] =	vst v63  }
0xa4: {  	s0 =	rddreg [dreg:$0xf]  }
0xa5: {  	[tilespmem:s9], [sflag:$0x2] =	stream.linear.gather [hbm4b:s0+s11], $0x4000, $0x38;
	[tilespmem:$0x1E580] =	vst v63  }
0xa6: {  	_ = 	snop  }
0xa7: {  	[spmem:s16] =	stream.indirect.scatter.add.f32 [tilespmem:s11], [sflag:$0x5], $0x80, s5, s10, $0xb8;
	[tilespmem:$0x1E580] =	vst v63  }
0xa8: {  	_ =	swait.ge [sflag:s4], $0x4000  }
0xa9: {  	[sflag:s4] =	ssyncset.done $0x0  }
0xaa: {  	[sflag:s4] =	ssyncadd.s32 $0xFFFFC000  }
0xab: {  	_ =	swait.ge [sflag:s12], $0x80  }
0xac: {  	[sflag:s12] =	ssyncset.done $0x0  }
0xad: {  	[sflag:s12] =	ssyncadd.s32 $0xFFFFFF80  }
0xae: {  	_ =	swait.ge [sflag:s13], $0x4000  }
0xaf: {  	[sflag:s13] =	ssyncset.done $0x0  }
0xb0: {  	[sflag:s13] =	ssyncadd.s32 $0xFFFFC000  }
0xb1: {  	[tilespmem:s5], [sflag:$0x3] =	stream.linear.gather [hbm4b:s15+s11], $0x80, $0x38;
	[tilespmem:$0x1E580] =	vst v63  }
0xb2: {  	_ = 	snop  }
0xb3: {  	[tilespmem:s11], [sflag:$0x1] =	stream.linear.gather [hbm4b:s0+s11], $0x4000, $0x38;
	[tilespmem:$0x1E580] =	vst v63  }
0xb4: {  	_ = 	snop  }
0xb5: {  	[spmem:s16] =	stream.indirect.scatter.add.f32 [tilespmem:s9], [sflag:$0x5], $0x80, s8, s10, $0xb8;
	[tilespmem:$0x1E580] =	vst v63  }
0xb6: {  	_ =	swait.ge [sflag:s4], $0x4000  }
0xb7: {  	[sflag:s4] =	ssyncset.done $0x0  }
0xb8: {  	[sflag:s4] =	ssyncadd.s32 $0xFFFFC000  }
0xb9: {  	_ =	swait.ge [sflag:s6], $0x80  }
0xba: {  	[sflag:s6] =	ssyncset.done $0x0  }
0xbb: {  	[sflag:s6] =	ssyncadd.s32 $0xFFFFFF80  }
0xbc: {  	_ =	swait.ge [sflag:s7], $0x4000  }
0xbd: {  	[sflag:s7] =	ssyncset.done $0x0  }
0xbe: {  	s1 =	simm.s32 $0x8900;
	s18 =	rddreg [dreg:$0x12];
	[sflag:s7] =	ssyncadd.s32 $0xFFFFC000  }
0xbf: {  	[tilespmem:s1], [sflag:$0x5] =	stream.linear.gather [hbm4b:s18+s11], $0x10, $0x38;
	[tilespmem:$0x1E580] =	vst v63  }
0xc0: {  	_ =	swait.ge [sflag:s4], $0x10  }
0xc1: {  	[sflag:s4] =	ssyncset.done $0x0  }
0xc2: {  	s18 =	simm.s32 $0x8100;
	s29 =	rddreg [dreg:$0xe];
	[sflag:s4] =	ssyncadd.s32 $0xFFFFFFF0  }
0xc3: {  	[tilespmem:s18], [sflag:$0x5] =	stream.linear.gather [hbm4b:s29+s11], $0x800, $0x38;
	[tilespmem:$0x1E580] =	vst v63  }
0xc4: {  	_ =	swait.ge [sflag:s4], $0x800  }
0xc5: {  	[sflag:s4] =	ssyncset.done $0x0  }
0xc6: {  	s29 =	simm.s32 $0x10;
	[sflag:s4] =	ssyncadd.s32 $0xFFFFF800  }
0xc7: {  	[spmem:s16] =	stream.indirect.scatter.add.f32 [tilespmem:s18], [sflag:$0x5], $0x80, s1, s29, $0xb8;
	[tilespmem:$0x1E580] =	vst v63  }
0xc8: {  	_ =	swait.ge [sflag:s4], $0x800  }
0xc9: {  	[sflag:s4] =	ssyncset.done $0x0  }
0xca: {  	[sflag:s4] =	ssyncadd.s32 $0xFFFFF800  }
0xcb: {  	[bflag:$0x0] =	sbarrier.arrive $0xFFFF  }
0xcc: {  	s1 =	rddreg [dreg:$0x10]  }
0xcd: {  	[tilespmem:s3], [sflag:$0x5] =	stream.linear.gather [spmem:s1], $0x2000, $0x38;
	[tilespmem:$0x1E580] =	vst v63  }
0xce: {  	_ =	swait.ge [sflag:s4], $0x2000  }
0xcf: {  	[sflag:s4] =	ssyncset.done $0x0  }
0xd0: {  	s18 =	rddreg [dreg:$0x3];
	[sflag:s4] =	ssyncadd.s32 $0xFFFFE000  }
0xd1: {  	[hbm4b:s18+s11] =	stream.linear.scatter [tilespmem:s3], [sflag:$0x5], $0x2000, $0x38;
	[tilespmem:$0x1E580] =	vst v63  }
0xd2: {  	_ =	swait.ge [sflag:s4], $0x2000  }
0xd3: {  	[sflag:s4] =	ssyncset.done $0x0  }
0xd4: {  	[sflag:s4] =	ssyncadd.s32 $0xFFFFE000  }
0xd5: {  	[tilespmem:s3], [sflag:$0x5] =	stream.linear.gather [spmem:s19], $0x2000, $0x38;
	[tilespmem:$0x1E580] =	vst v63  }
0xd6: {  	_ =	swait.ge [sflag:s4], $0x2000  }
0xd7: {  	[sflag:s4] =	ssyncset.done $0x0  }
0xd8: {  	s29 =	rddreg [dreg:$0x4];
	[sflag:s4] =	ssyncadd.s32 $0xFFFFE000  }
0xd9: {  	[hbm4b:s29+s11] =	stream.linear.scatter [tilespmem:s3], [sflag:$0x5], $0x2000, $0x38;
	[tilespmem:$0x1E580] =	vst v63  }
0xda: {  	_ =	swait.ge [sflag:s4], $0x2000  }
0xdb: {  	[sflag:s4] =	ssyncset.done $0x0  }
0xdc: {  	[sflag:s4] =	ssyncadd.s32 $0xFFFFE000  }
0xdd: {  	[tilespmem:s3], [sflag:$0x5] =	stream.linear.gather [spmem:s20], $0x2000, $0x38;
	[tilespmem:$0x1E580] =	vst v63  }
0xde: {  	_ =	swait.ge [sflag:s4], $0x2000  }
0xdf: {  	[sflag:s4] =	ssyncset.done $0x0  }
0xe0: {  	s1 =	rddreg [dreg:$0x5];
	[sflag:s4] =	ssyncadd.s32 $0xFFFFE000  }
0xe1: {  	[hbm4b:s1+s11] =	stream.linear.scatter [tilespmem:s3], [sflag:$0x5], $0x2000, $0x38;
	[tilespmem:$0x1E580] =	vst v63  }
0xe2: {  	_ =	swait.ge [sflag:s4], $0x2000  }
0xe3: {  	[sflag:s4] =	ssyncset.done $0x0  }
0xe4: {  	[sflag:s4] =	ssyncadd.s32 $0xFFFFE000  }
0xe5: {  	[tilespmem:s3], [sflag:$0x5] =	stream.linear.gather [spmem:s21], $0x2000, $0x38;
	[tilespmem:$0x1E580] =	vst v63  }
0xe6: {  	_ =	swait.ge [sflag:s4], $0x2000  }
0xe7: {  	[sflag:s4] =	ssyncset.done $0x0  }
0xe8: {  	s18 =	rddreg [dreg:$0x6];
	[sflag:s4] =	ssyncadd.s32 $0xFFFFE000  }
0xe9: {  	[hbm4b:s18+s11] =	stream.linear.scatter [tilespmem:s3], [sflag:$0x5], $0x2000, $0x38;
	[tilespmem:$0x1E580] =	vst v63  }
0xea: {  	_ =	swait.ge [sflag:s4], $0x2000  }
0xeb: {  	[sflag:s4] =	ssyncset.done $0x0  }
0xec: {  	[sflag:s4] =	ssyncadd.s32 $0xFFFFE000  }
0xed: {  	[tilespmem:s3], [sflag:$0x5] =	stream.linear.gather [spmem:s22], $0x2000, $0x38;
	[tilespmem:$0x1E580] =	vst v63  }
0xee: {  	_ =	swait.ge [sflag:s4], $0x2000  }
0xef: {  	[sflag:s4] =	ssyncset.done $0x0  }
0xf0: {  	s29 =	rddreg [dreg:$0x7];
	[sflag:s4] =	ssyncadd.s32 $0xFFFFE000  }
0xf1: {  	[hbm4b:s29+s11] =	stream.linear.scatter [tilespmem:s3], [sflag:$0x5], $0x2000, $0x38;
	[tilespmem:$0x1E580] =	vst v63  }
0xf2: {  	_ =	swait.ge [sflag:s4], $0x2000  }
0xf3: {  	[sflag:s4] =	ssyncset.done $0x0  }
0xf4: {  	[sflag:s4] =	ssyncadd.s32 $0xFFFFE000  }
0xf5: {  	[tilespmem:s3], [sflag:$0x5] =	stream.linear.gather [spmem:s23], $0x2000, $0x38;
	[tilespmem:$0x1E580] =	vst v63  }
0xf6: {  	_ =	swait.ge [sflag:s4], $0x2000  }
0xf7: {  	[sflag:s4] =	ssyncset.done $0x0  }
0xf8: {  	s1 =	rddreg [dreg:$0x8];
	[sflag:s4] =	ssyncadd.s32 $0xFFFFE000  }
0xf9: {  	[hbm4b:s1+s11] =	stream.linear.scatter [tilespmem:s3], [sflag:$0x5], $0x2000, $0x38;
	[tilespmem:$0x1E580] =	vst v63  }
0xfa: {  	_ =	swait.ge [sflag:s4], $0x2000  }
0xfb: {  	[sflag:s4] =	ssyncset.done $0x0  }
0xfc: {  	[sflag:s4] =	ssyncadd.s32 $0xFFFFE000  }
0xfd: {  	[tilespmem:s3], [sflag:$0x5] =	stream.linear.gather [spmem:s24], $0x2000, $0x38;
	[tilespmem:$0x1E580] =	vst v63  }
0xfe: {  	_ =	swait.ge [sflag:s4], $0x2000  }
0xff: {  	[sflag:s4] =	ssyncset.done $0x0  }
0x100: {  	s18 =	rddreg [dreg:$0x9];
	[sflag:s4] =	ssyncadd.s32 $0xFFFFE000  }
0x101: {  	[hbm4b:s18+s11] =	stream.linear.scatter [tilespmem:s3], [sflag:$0x5], $0x2000, $0x38;
	[tilespmem:$0x1E580] =	vst v63  }
0x102: {  	_ =	swait.ge [sflag:s4], $0x2000  }
0x103: {  	[sflag:s4] =	ssyncset.done $0x0  }
0x104: {  	[sflag:s4] =	ssyncadd.s32 $0xFFFFE000  }
0x105: {  	[tilespmem:s3], [sflag:$0x5] =	stream.linear.gather [spmem:s25], $0x2000, $0x38;
	[tilespmem:$0x1E580] =	vst v63  }
0x106: {  	_ =	swait.ge [sflag:s4], $0x2000  }
0x107: {  	[sflag:s4] =	ssyncset.done $0x0  }
0x108: {  	s29 =	rddreg [dreg:$0xa];
	[sflag:s4] =	ssyncadd.s32 $0xFFFFE000  }
0x109: {  	[hbm4b:s29+s11] =	stream.linear.scatter [tilespmem:s3], [sflag:$0x5], $0x2000, $0x38;
	[tilespmem:$0x1E580] =	vst v63  }
0x10a: {  	_ =	swait.ge [sflag:s4], $0x2000  }
0x10b: {  	[sflag:s4] =	ssyncset.done $0x0  }
0x10c: {  	[sflag:s4] =	ssyncadd.s32 $0xFFFFE000  }
0x10d: {  	[tilespmem:s3], [sflag:$0x5] =	stream.linear.gather [spmem:s26], $0x2000, $0x38;
	[tilespmem:$0x1E580] =	vst v63  }
0x10e: {  	_ =	swait.ge [sflag:s4], $0x2000  }
0x10f: {  	[sflag:s4] =	ssyncset.done $0x0  }
0x110: {  	s1 =	rddreg [dreg:$0xb];
	[sflag:s4] =	ssyncadd.s32 $0xFFFFE000  }
0x111: {  	[hbm4b:s1+s11] =	stream.linear.scatter [tilespmem:s3], [sflag:$0x5], $0x2000, $0x38;
	[tilespmem:$0x1E580] =	vst v63  }
0x112: {  	_ =	swait.ge [sflag:s4], $0x2000  }
0x113: {  	[sflag:s4] =	ssyncset.done $0x0  }
0x114: {  	[sflag:s4] =	ssyncadd.s32 $0xFFFFE000  }
0x115: {  	[tilespmem:s3], [sflag:$0x5] =	stream.linear.gather [spmem:s28], $0x1C00, $0x38;
	[tilespmem:$0x1E580] =	vst v63  }
0x116: {  	_ =	swait.ge [sflag:s4], $0x1C00  }
0x117: {  	[sflag:s4] =	ssyncset.done $0x0  }
0x118: {  	s18 =	rddreg [dreg:$0xc];
	[sflag:s4] =	ssyncadd.s32 $0xFFFFE400  }
0x119: {  	[hbm4b:s18+s11] =	stream.linear.scatter [tilespmem:s3], [sflag:$0x5], $0x1C00, $0x38;
	[tilespmem:$0x1E580] =	vst v63  }
0x11a: {  	_ =	swait.ge [sflag:s4], $0x1C00  }
0x11b: {  	s31 =	sadd.s32 $0x1, s31;
	s29 =	rddreg [dreg:$0x13]  }
0x11c: {  	p0 =	sne.s32 s31, s29  }
.Ltmp2:
0x11d: {  	_ = 	snop;
	(pc) =	sbr.rel @p0 .LBB2_1-.Ltmp2, $3  }
0x11e: {  	_ =	sdelay $0x1  }
0x11f: {  	[sflag:s4] =	ssyncset.done $0x0  }
0x120: {  	[sflag:s4] =	ssyncadd.s32 $0xFFFFE400  }
0x121: {  	_ =	sfence.sel $0x180000  }
0x122: {  	[bflag:$0x0] =	sbarrier.arrive $0xFFFF  }
0x123: {  	_ =	strace $0x9000004A  }
0x124: {  	s0 =	stileid.u32;
	[bflag:$0x2] =	sbarrier.arrive $0xFFFF  }
0x125: {  	p0 =	sne.s32 s0, $0x0;
	s0 =	rddreg [dreg:$0x2]  }
0x126: {  	s0 =	sadd.s32 @!p0 $0x100000, s0  }
0x127: {  	[sflag:s0] =	ssyncadd.tile.s32 @!p0 $0x1;
	_ =	shalt  }
.Lfunc_end2:
_tile_overlayer_lowered:
.L_overlay_start_2:
0x128: {  	(tag) =	ssettag $0x2  }
0x129: {  	s0 =	rddreg [dreg:$0x0];
	s2 =	stileid.u32  }
0x12a: {  	s1 =	rddreg [dreg:$0x1];
	p0 =	sne.s32 s2, $0x0  }
0x12b: {  	s3 =	rddreg [dreg:$0x2];
	[bflag:$0x3] =	sbarrier.arrive $0xFFFF;
	s2 =	simm.s32 @!p0 $0x1C05  }
0x12c: {  	[timem:s3], [sflag:s2] =	dma.local @!p0 [hbm:s0], s1  }
0x12d: {  	s0 =	simm.s32 @!p0 $0x5  }
0x12e: {  	_ =	swait.ge @!p0 [sflag:s0], s1  }
0x12f: {  	s1 =	ssub.s32 @!p0 $0x0, s1;
	[sflag:s0] =	ssyncset.done @!p0 $0x0  }
0x130: {  	[sflag:s0] =	ssyncadd.s32 @!p0 s1  }
0x131: {  	[bflag:$0x3] =	sbarrier.arrive $0xFFFF  }
0x132: {  	_ =	shalt  }

</sc_bundles>
